<compile_context>
chip_gen: v7x
topology: tpu7x:2x2x1
jax: 0.10.2.dev20260603
libtpu: 0.0.44.dev20260713+nightly
codegen_flags: <defaults>
</compile_context>

<pallas_src>
import jax
import jax.numpy as jnp
from jax import lax
from jax.experimental import pallas as pl
from jax.experimental.pallas import tpu as pltpu
from jax.experimental.pallas import tpu_sc as plsc

N_NODES = 10000
N_EDGES = 320000
D = 128

NC = 2
NS = 16
NW = NC * NS
C = 128
NCHUNK = 80
EDGES_PER_W = NCHUNK * C
E_PAD = NW * EDGES_PER_W
ACC_ROWS = 10240
DUMMY_ROW = 10016
ROWS_PER_TILE = ACC_ROWS // NS
NZCOPY = ROWS_PER_TILE // C
DEG_W = 16

_MESH = plsc.VectorSubcoreMesh(
    core_axis_name="c", subcore_axis_name="s", num_cores=NC, num_subcores=NS
)


def _agg_body(h_hbm, e_hbm, acc_hbm, acc_sh, idx0, idx1, rows0, rows1,
              isem0, isem1, gsem0, gsem1):
    idx = (idx0, idx1)
    rows = (rows0, rows1)
    isem = (isem0, isem1)
    gsem = (gsem0, gsem1)
    cid = lax.axis_index("c")
    sid = lax.axis_index("s")
    wid = cid * NS + sid

    zeros16 = jnp.zeros((16,), jnp.float32)

    def _zrow(r, _):
        for c16 in range(D // 16):
            rows0[r, pl.ds(c16 * 16, 16)] = zeros16
        return 0

    lax.fori_loop(0, C, _zrow, 0)
    for t in range(NZCOPY):
        pltpu.sync_copy(rows0, acc_sh.at[pl.ds(sid * ROWS_PER_TILE + t * C, C)])

    plsc.subcore_barrier()

    pltpu.async_copy(e_hbm.at[wid, 0], idx0, isem0)
    pltpu.async_copy(e_hbm.at[wid, 1], idx1, isem1)
    pltpu.make_async_copy(e_hbm.at[wid, 0], idx0, isem0).wait()
    pltpu.async_copy(h_hbm.at[idx0.at[0]], rows0, gsem0)

    def _chunk(j, b):
        nb = 1 - b
        pltpu.make_async_copy(h_hbm.at[idx[b].at[0]], rows[b], gsem[b]).wait()

        @pl.when(j < NCHUNK - 1)
        def _():
            pltpu.make_async_copy(e_hbm.at[wid, j + 1], idx[nb], isem[nb]).wait()
            pltpu.async_copy(h_hbm.at[idx[nb].at[0]], rows[nb], gsem[nb])

        pltpu.sync_copy(rows[b], acc_sh.at[idx[b].at[1]], add=True)

        @pl.when(j < NCHUNK - 2)
        def _():
            pltpu.async_copy(e_hbm.at[wid, j + 2], idx[b], isem[b])

    def _pair(g, x):
        _chunk(2 * g, 0)
        _chunk(2 * g + 1, 1)
        return x

    lax.fori_loop(0, NCHUNK // 2, _pair, 0)

    plsc.subcore_barrier()

    for t in range(NZCOPY):
        r0 = sid * ROWS_PER_TILE + t * C
        pltpu.sync_copy(acc_sh.at[pl.ds(r0, C)], rows0)
        pltpu.sync_copy(rows0, acc_hbm.at[cid, pl.ds(r0, C)])


_sc_agg = pl.kernel(
    _agg_body,
    out_type=jax.ShapeDtypeStruct((NC, ACC_ROWS, D), jnp.float32),
    mesh=_MESH,
    scratch_types=[
        pltpu.VMEM_SHARED((ACC_ROWS, D), jnp.float32),
        pltpu.VMEM((2, C), jnp.int32),
        pltpu.VMEM((2, C), jnp.int32),
        pltpu.VMEM((C, D), jnp.float32),
        pltpu.VMEM((C, D), jnp.float32),
    ] + [pltpu.SemaphoreType.DMA] * 4,
)


def _deg_body(e_hbm, deg_hbm, deg_sh, idx0, idx1, ones_v, isem0, isem1):
    idx = (idx0, idx1)
    isem = (isem0, isem1)
    cid = lax.axis_index("c")
    sid = lax.axis_index("s")
    wid = cid * NS + sid

    zeros16 = jnp.zeros((16,), jnp.float32)
    for r in range(C // 16):
        ones_v[pl.ds(16 * r, 16)] = zeros16
    for t in range(NZCOPY):
        pltpu.sync_copy(ones_v, deg_sh.at[pl.ds(sid * ROWS_PER_TILE + t * C, C)])
    ones16 = jnp.ones((16,), jnp.float32)
    for r in range(C // 16):
        ones_v[pl.ds(16 * r, 16)] = ones16

    plsc.subcore_barrier()

    pltpu.async_copy(e_hbm.at[wid, 0], idx0, isem0)
    pltpu.async_copy(e_hbm.at[wid, 1], idx1, isem1)

    def _chunk(j, b):
        pltpu.make_async_copy(e_hbm.at[wid, j], idx[b], isem[b]).wait()
        pltpu.sync_copy(ones_v, deg_sh.at[idx[b].at[1]], add=True)

        @pl.when(j < NCHUNK - 2)
        def _():
            pltpu.async_copy(e_hbm.at[wid, j + 2], idx[b], isem[b])

    def _pair(g, x):
        _chunk(2 * g, 0)
        _chunk(2 * g + 1, 1)
        return x

    lax.fori_loop(0, NCHUNK // 2, _pair, 0)

    plsc.subcore_barrier()

    for t in range(NZCOPY):
        r0 = sid * ROWS_PER_TILE + t * C
        pltpu.sync_copy(deg_sh.at[pl.ds(r0, C)], ones_v)
        pltpu.sync_copy(ones_v, deg_hbm.at[cid, pl.ds(r0, C)])


_sc_deg = pl.kernel(
    _deg_body,
    out_type=jax.ShapeDtypeStruct((NC, ACC_ROWS), jnp.float32),
    mesh=_MESH,
    scratch_types=[
        pltpu.VMEM_SHARED((ACC_ROWS,), jnp.float32),
        pltpu.VMEM((2, C), jnp.int32),
        pltpu.VMEM((2, C), jnp.int32),
        pltpu.VMEM((C,), jnp.float32),
        pltpu.SemaphoreType.DMA,
        pltpu.SemaphoreType.DMA,
    ],
)


def _tc_body(h_ref, acc_ref, deg_ref, ws_ref, wa_ref, out_ref):
    deg = jnp.maximum(jnp.sum(deg_ref[...], axis=1), 1.0)
    agg = (acc_ref[0] + acc_ref[1]) * (1.0 / deg)[:, None]
    out = jnp.dot(h_ref[...], ws_ref[...], preferred_element_type=jnp.float32)
    out += jnp.dot(agg, wa_ref[...], preferred_element_type=jnp.float32)
    out_ref[...] = jnp.maximum(out, 0.0)


_TC_R = 1000


def _tc_layer(h, acc, deg, ws_t, wa_t):
    grid = N_NODES // _TC_R
    return pl.pallas_call(
        _tc_body,
        grid=(grid,),
        in_specs=[
            pl.BlockSpec((_TC_R, D), lambda i: (i, 0)),
            pl.BlockSpec((NC, _TC_R, D), lambda i: (0, i, 0)),
            pl.BlockSpec((_TC_R, NC), lambda i: (i, 0)),
            pl.BlockSpec((D, D), lambda i: (0, 0)),
            pl.BlockSpec((D, D), lambda i: (0, 0)),
        ],
        out_specs=pl.BlockSpec((_TC_R, D), lambda i: (i, 0)),
        out_shape=jax.ShapeDtypeStruct((N_NODES, D), jnp.float32),
    )(h, acc, deg, ws_t, wa_t)


def kernel(x, edge_index, W1, W2):
    src = edge_index[0].astype(jnp.int32)
    dst = edge_index[1].astype(jnp.int32)
    pad = E_PAD - N_EDGES
    src3 = jnp.concatenate([src, jnp.zeros((pad,), jnp.int32)]).reshape(NW, NCHUNK, C)
    dst3 = jnp.concatenate(
        [dst, jnp.full((pad,), DUMMY_ROW, jnp.int32)]
    ).reshape(NW, NCHUNK, C)
    edges = jnp.stack([src3, dst3], axis=2)

    w1s_t = W1[:, :D].T
    w1a_t = W1[:, D:].T
    w2s_t = W2[:, :D].T
    w2a_t = W2[:, D:].T

    deg = _sc_deg(edges).T
    acc1 = _sc_agg(x, edges)
    h1 = _tc_layer(x, acc1, deg, w1s_t, w1a_t)
    acc2 = _sc_agg(h1, edges)
    return _tc_layer(h1, acc2, deg, w2s_t, w2a_t)

# --- scband reference (transcript-rebuilt; emitter-appended) ---
"""Pipeline reference for scband-graph-sage-3118146256900 (READ-ONLY COPY).

The authoritative reference and input builder live on the scoring server;
editing this copy changes nothing except your own understanding.
"""

import jax, jax.numpy as jnp
import numpy as np

N_NODES = 10000
N_EDGES = 320000
D_FEAT = 128
OUT = 128


def setup_inputs(seed: int = 0) -> dict:
    key = jax.random.key(seed)
    k1, k2, k3, k4 = jax.random.split(key, 4)
    x = jax.random.normal(k1, (N_NODES, D_FEAT), dtype=jnp.float32)
    edge_index = jax.random.randint(k2, (2, N_EDGES), 0, N_NODES, dtype=jnp.int64)
    # SageLayer weights: weight has shape (out_size, 2*input_size) since gcn=False
    W1 = jax.random.normal(k3, (OUT, 2 * D_FEAT), dtype=jnp.float32) * (1.0 / np.sqrt(2 * D_FEAT))
    W2 = jax.random.normal(k4, (OUT, 2 * OUT), dtype=jnp.float32) * (1.0 / np.sqrt(2 * OUT))
    return {"x": x, "edge_index": edge_index, "W1": W1, "W2": W2}


def _sage_layer(h, src, dst, W, n_nodes):
    # MEAN aggregation of sampled neighbor features (algorithm line 4)
    msgs = h[src]  # gather: memory-bound
    agg = jax.ops.segment_sum(msgs, dst, num_segments=n_nodes)
    deg = jax.ops.segment_sum(jnp.ones((src.shape[0],), dtype=h.dtype), dst, num_segments=n_nodes)
    deg = jnp.maximum(deg, 1.0)
    agg = agg / deg[:, None]
    # SageLayer.forward with gcn=False: cat([self, agg]) then relu(W @ combined.T).T
    combined = jnp.concatenate([h, agg], axis=1)
    return jax.nn.relu(combined @ W.T)


def reference(x, edge_index, W1, W2):
    src = edge_index[0]
    dst = edge_index[1]
    n = x.shape[0]
    h = _sage_layer(x, src, dst, W1, n)
    h = _sage_layer(h, src, dst, W2, n)
    return h

if __name__ == "__main__":
    import jax
    _d = setup_inputs()
    print(jax.jit(kernel)(*tuple(_d.values())))

</pallas_src>

<mosaic_0001>
#map = affine_map<(d0, d1) -> (0, 0, 0, 0)>
#map1 = affine_map<(d0, d1) -> (0, 0)>
module attributes {stable_mosaic.version = 14 : i64} {
  func.func @_deg_body(%arg0: i32, %arg1: i32, %arg2: memref<32x80x2x128xi32, #tpu.memory_space<hbm>>, %arg3: memref<2x10240xf32, #tpu.memory_space<hbm>>, %arg4: memref<10240xf32, #tpu.memory_space<vmem_shared>>, %arg5: memref<2x128xi32, #tpu.memory_space<vmem>>, %arg6: memref<2x128xi32, #tpu.memory_space<vmem>>, %arg7: memref<128xf32, #tpu.memory_space<vmem>>, %arg8: memref<!tpu.dma_semaphore, #tpu.memory_space<semaphore_mem>>, %arg9: memref<!tpu.dma_semaphore, #tpu.memory_space<semaphore_mem>>) attributes {dimension_semantics = [#tpu.dimension_semantics<core_parallel>, #tpu.dimension_semantics<subcore_parallel>], iteration_bounds = array<i64: 2, 16>, scalar_prefetch = 0 : i64, scratch_operands = 6 : i64, tpu.core_type = #tpu.core_type<sc_vector_subcore>, window_params = [{transform_indices = #map}, {transform_indices = #map1}]} {
    %mul3A = arith.constant 16 : i32
    %mul3A_0 = arith.muli %arg0, %mul3A : i32
    %add3A = arith.addi %mul3A_0, %arg1 : i32
    %broadcast_in_dim3A = arith.constant 0.000000e+00 : f32
    %broadcast_in_dim3A_1 = vector.broadcast %broadcast_in_dim3A : f32 to vector<16xf32>
    %swap3A = arith.constant 0 : index
    %swap3A_2 = tpu.vector_load %arg7[%swap3A] {strides = array<i32>} : memref<128xf32, #tpu.memory_space<vmem>>, vector<16xf32>,
    %swap3A_3 = vector.shape_cast %swap3A_2 : vector<16xf32> to vector<16xf32>
    %swap3A_4 = vector.shape_cast %broadcast_in_dim3A_1 : vector<16xf32> to vector<16xf32>
    tpu.vector_store %arg7[%swap3A], %swap3A_4 {strides = array<i32>} : memref<128xf32, #tpu.memory_space<vmem>>, vector<16xf32>,
    %swap3A_5 = arith.constant 16 : index
    %swap3A_6 = tpu.vector_load %arg7[%swap3A_5] {strides = array<i32>} : memref<128xf32, #tpu.memory_space<vmem>>, vector<16xf32>,
    %swap3A_7 = vector.shape_cast %swap3A_6 : vector<16xf32> to vector<16xf32>
    %swap3A_8 = vector.shape_cast %broadcast_in_dim3A_1 : vector<16xf32> to vector<16xf32>
    tpu.vector_store %arg7[%swap3A_5], %swap3A_8 {strides = array<i32>} : memref<128xf32, #tpu.memory_space<vmem>>, vector<16xf32>,
    %swap3A_9 = arith.constant 32 : index
    %swap3A_10 = tpu.vector_load %arg7[%swap3A_9] {strides = array<i32>} : memref<128xf32, #tpu.memory_space<vmem>>, vector<16xf32>,
    %swap3A_11 = vector.shape_cast %swap3A_10 : vector<16xf32> to vector<16xf32>
    %swap3A_12 = vector.shape_cast %broadcast_in_dim3A_1 : vector<16xf32> to vector<16xf32>
    tpu.vector_store %arg7[%swap3A_9], %swap3A_12 {strides = array<i32>} : memref<128xf32, #tpu.memory_space<vmem>>, vector<16xf32>,
    %swap3A_13 = arith.constant 48 : index
    %swap3A_14 = tpu.vector_load %arg7[%swap3A_13] {strides = array<i32>} : memref<128xf32, #tpu.memory_space<vmem>>, vector<16xf32>,
    %swap3A_15 = vector.shape_cast %swap3A_14 : vector<16xf32> to vector<16xf32>
    %swap3A_16 = vector.shape_cast %broadcast_in_dim3A_1 : vector<16xf32> to vector<16xf32>
    tpu.vector_store %arg7[%swap3A_13], %swap3A_16 {strides = array<i32>} : memref<128xf32, #tpu.memory_space<vmem>>, vector<16xf32>,
    %swap3A_17 = arith.constant 64 : index
    %swap3A_18 = tpu.vector_load %arg7[%swap3A_17] {strides = array<i32>} : memref<128xf32, #tpu.memory_space<vmem>>, vector<16xf32>,
    %swap3A_19 = vector.shape_cast %swap3A_18 : vector<16xf32> to vector<16xf32>
    %swap3A_20 = vector.shape_cast %broadcast_in_dim3A_1 : vector<16xf32> to vector<16xf32>
    tpu.vector_store %arg7[%swap3A_17], %swap3A_20 {strides = array<i32>} : memref<128xf32, #tpu.memory_space<vmem>>, vector<16xf32>,
    %swap3A_21 = arith.constant 80 : index
    %swap3A_22 = tpu.vector_load %arg7[%swap3A_21] {strides = array<i32>} : memref<128xf32, #tpu.memory_space<vmem>>, vector<16xf32>,
    %swap3A_23 = vector.shape_cast %swap3A_22 : vector<16xf32> to vector<16xf32>
    %swap3A_24 = vector.shape_cast %broadcast_in_dim3A_1 : vector<16xf32> to vector<16xf32>
    tpu.vector_store %arg7[%swap3A_21], %swap3A_24 {strides = array<i32>} : memref<128xf32, #tpu.memory_space<vmem>>, vector<16xf32>,
    %swap3A_25 = arith.constant 96 : index
    %swap3A_26 = tpu.vector_load %arg7[%swap3A_25] {strides = array<i32>} : memref<128xf32, #tpu.memory_space<vmem>>, vector<16xf32>,
    %swap3A_27 = vector.shape_cast %swap3A_26 : vector<16xf32> to vector<16xf32>
    %swap3A_28 = vector.shape_cast %broadcast_in_dim3A_1 : vector<16xf32> to vector<16xf32>
    tpu.vector_store %arg7[%swap3A_25], %swap3A_28 {strides = array<i32>} : memref<128xf32, #tpu.memory_space<vmem>>, vector<16xf32>,
    %swap3A_29 = arith.constant 112 : index
    %swap3A_30 = tpu.vector_load %arg7[%swap3A_29] {strides = array<i32>} : memref<128xf32, #tpu.memory_space<vmem>>, vector<16xf32>,
    %swap3A_31 = vector.shape_cast %swap3A_30 : vector<16xf32> to vector<16xf32>
    %swap3A_32 = vector.shape_cast %broadcast_in_dim3A_1 : vector<16xf32> to vector<16xf32>
    tpu.vector_store %arg7[%swap3A_29], %swap3A_32 {strides = array<i32>} : memref<128xf32, #tpu.memory_space<vmem>>, vector<16xf32>,
    %mul3A_33 = arith.constant 640 : i32
    %mul3A_34 = arith.muli %arg1, %mul3A_33 : i32
    %add3A_35 = arith.constant 0 : i32
    %add3A_36 = arith.addi %mul3A_34, %add3A_35 : i32
    "tpu.region"() ({
      %run_scoped3A = tpu.sem_alloc : memref<!tpu.dma_semaphore, #tpu.memory_space<semaphore_mem>>
      %dma_start3A_130 = tpu.memref_slice %arg4[%add3A_36] : memref<10240xf32, #tpu.memory_space<vmem_shared>> -> memref<128xf32, #tpu.memory_space<vmem_shared>>
      %dma_start3A_131 = tpu.memref_slice %arg4[%add3A_36] : memref<10240xf32, #tpu.memory_space<vmem_shared>> -> memref<128xf32, #tpu.memory_space<vmem_shared>>
      tpu.enqueue_dma source(%arg7 : memref<128xf32, #tpu.memory_space<vmem>>) target(%dma_start3A_131 : memref<128xf32, #tpu.memory_space<vmem_shared>>) target_semaphore(%run_scoped3A : memref<!tpu.dma_semaphore, #tpu.memory_space<semaphore_mem>>)
      %dma_wait3A = tpu.memref_slice %arg4[%add3A_36] : memref<10240xf32, #tpu.memory_space<vmem_shared>> -> memref<128xf32, #tpu.memory_space<vmem_shared>>
      %dma_wait3A_132 = tpu.memref_slice %arg4[%add3A_36] : memref<10240xf32, #tpu.memory_space<vmem_shared>> -> memref<128xf32, #tpu.memory_space<vmem_shared>>
      tpu.wait_dma2 semaphore(%run_scoped3A : memref<!tpu.dma_semaphore, #tpu.memory_space<semaphore_mem>>) src(%arg7 : memref<128xf32, #tpu.memory_space<vmem>>) dst(%dma_wait3A_132 : memref<128xf32, #tpu.memory_space<vmem_shared>>)
      tpu.yield
    }) : () -> ()
    %mul3A_37 = arith.constant 640 : i32
    %mul3A_38 = arith.muli %arg1, %mul3A_37 : i32
    %add3A_39 = arith.constant 128 : i32
    %add3A_40 = arith.addi %mul3A_38, %add3A_39 : i32
    "tpu.region"() ({
      %run_scoped3A = tpu.sem_alloc : memref<!tpu.dma_semaphore, #tpu.memory_space<semaphore_mem>>
      %dma_start3A_130 = tpu.memref_slice %arg4[%add3A_40] : memref<10240xf32, #tpu.memory_space<vmem_shared>> -> memref<128xf32, #tpu.memory_space<vmem_shared>>
      %dma_start3A_131 = tpu.memref_slice %arg4[%add3A_40] : memref<10240xf32, #tpu.memory_space<vmem_shared>> -> memref<128xf32, #tpu.memory_space<vmem_shared>>
      tpu.enqueue_dma source(%arg7 : memref<128xf32, #tpu.memory_space<vmem>>) target(%dma_start3A_131 : memref<128xf32, #tpu.memory_space<vmem_shared>>) target_semaphore(%run_scoped3A : memref<!tpu.dma_semaphore, #tpu.memory_space<semaphore_mem>>)
      %dma_wait3A = tpu.memref_slice %arg4[%add3A_40] : memref<10240xf32, #tpu.memory_space<vmem_shared>> -> memref<128xf32, #tpu.memory_space<vmem_shared>>
      %dma_wait3A_132 = tpu.memref_slice %arg4[%add3A_40] : memref<10240xf32, #tpu.memory_space<vmem_shared>> -> memref<128xf32, #tpu.memory_space<vmem_shared>>
      tpu.wait_dma2 semaphore(%run_scoped3A : memref<!tpu.dma_semaphore, #tpu.memory_space<semaphore_mem>>) src(%arg7 : memref<128xf32, #tpu.memory_space<vmem>>) dst(%dma_wait3A_132 : memref<128xf32, #tpu.memory_space<vmem_shared>>)
      tpu.yield
    }) : () -> ()
    %mul3A_41 = arith.constant 640 : i32
    %mul3A_42 = arith.muli %arg1, %mul3A_41 : i32
    %add3A_43 = arith.constant 256 : i32
    %add3A_44 = arith.addi %mul3A_42, %add3A_43 : i32
    "tpu.region"() ({
      %run_scoped3A = tpu.sem_alloc : memref<!tpu.dma_semaphore, #tpu.memory_space<semaphore_mem>>
      %dma_start3A_130 = tpu.memref_slice %arg4[%add3A_44] : memref<10240xf32, #tpu.memory_space<vmem_shared>> -> memref<128xf32, #tpu.memory_space<vmem_shared>>
      %dma_start3A_131 = tpu.memref_slice %arg4[%add3A_44] : memref<10240xf32, #tpu.memory_space<vmem_shared>> -> memref<128xf32, #tpu.memory_space<vmem_shared>>
      tpu.enqueue_dma source(%arg7 : memref<128xf32, #tpu.memory_space<vmem>>) target(%dma_start3A_131 : memref<128xf32, #tpu.memory_space<vmem_shared>>) target_semaphore(%run_scoped3A : memref<!tpu.dma_semaphore, #tpu.memory_space<semaphore_mem>>)
      %dma_wait3A = tpu.memref_slice %arg4[%add3A_44] : memref<10240xf32, #tpu.memory_space<vmem_shared>> -> memref<128xf32, #tpu.memory_space<vmem_shared>>
      %dma_wait3A_132 = tpu.memref_slice %arg4[%add3A_44] : memref<10240xf32, #tpu.memory_space<vmem_shared>> -> memref<128xf32, #tpu.memory_space<vmem_shared>>
      tpu.wait_dma2 semaphore(%run_scoped3A : memref<!tpu.dma_semaphore, #tpu.memory_space<semaphore_mem>>) src(%arg7 : memref<128xf32, #tpu.memory_space<vmem>>) dst(%dma_wait3A_132 : memref<128xf32, #tpu.memory_space<vmem_shared>>)
      tpu.yield
    }) : () -> ()
    %mul3A_45 = arith.constant 640 : i32
    %mul3A_46 = arith.muli %arg1, %mul3A_45 : i32
    %add3A_47 = arith.constant 384 : i32
    %add3A_48 = arith.addi %mul3A_46, %add3A_47 : i32
    "tpu.region"() ({
      %run_scoped3A = tpu.sem_alloc : memref<!tpu.dma_semaphore, #tpu.memory_space<semaphore_mem>>
      %dma_start3A_130 = tpu.memref_slice %arg4[%add3A_48] : memref<10240xf32, #tpu.memory_space<vmem_shared>> -> memref<128xf32, #tpu.memory_space<vmem_shared>>
      %dma_start3A_131 = tpu.memref_slice %arg4[%add3A_48] : memref<10240xf32, #tpu.memory_space<vmem_shared>> -> memref<128xf32, #tpu.memory_space<vmem_shared>>
      tpu.enqueue_dma source(%arg7 : memref<128xf32, #tpu.memory_space<vmem>>) target(%dma_start3A_131 : memref<128xf32, #tpu.memory_space<vmem_shared>>) target_semaphore(%run_scoped3A : memref<!tpu.dma_semaphore, #tpu.memory_space<semaphore_mem>>)
      %dma_wait3A = tpu.memref_slice %arg4[%add3A_48] : memref<10240xf32, #tpu.memory_space<vmem_shared>> -> memref<128xf32, #tpu.memory_space<vmem_shared>>
      %dma_wait3A_132 = tpu.memref_slice %arg4[%add3A_48] : memref<10240xf32, #tpu.memory_space<vmem_shared>> -> memref<128xf32, #tpu.memory_space<vmem_shared>>
      tpu.wait_dma2 semaphore(%run_scoped3A : memref<!tpu.dma_semaphore, #tpu.memory_space<semaphore_mem>>) src(%arg7 : memref<128xf32, #tpu.memory_space<vmem>>) dst(%dma_wait3A_132 : memref<128xf32, #tpu.memory_space<vmem_shared>>)
      tpu.yield
    }) : () -> ()
    %mul3A_49 = arith.constant 640 : i32
    %mul3A_50 = arith.muli %arg1, %mul3A_49 : i32
    %add3A_51 = arith.constant 512 : i32
    %add3A_52 = arith.addi %mul3A_50, %add3A_51 : i32
    "tpu.region"() ({
      %run_scoped3A = tpu.sem_alloc : memref<!tpu.dma_semaphore, #tpu.memory_space<semaphore_mem>>
      %dma_start3A_130 = tpu.memref_slice %arg4[%add3A_52] : memref<10240xf32, #tpu.memory_space<vmem_shared>> -> memref<128xf32, #tpu.memory_space<vmem_shared>>
      %dma_start3A_131 = tpu.memref_slice %arg4[%add3A_52] : memref<10240xf32, #tpu.memory_space<vmem_shared>> -> memref<128xf32, #tpu.memory_space<vmem_shared>>
      tpu.enqueue_dma source(%arg7 : memref<128xf32, #tpu.memory_space<vmem>>) target(%dma_start3A_131 : memref<128xf32, #tpu.memory_space<vmem_shared>>) target_semaphore(%run_scoped3A : memref<!tpu.dma_semaphore, #tpu.memory_space<semaphore_mem>>)
      %dma_wait3A = tpu.memref_slice %arg4[%add3A_52] : memref<10240xf32, #tpu.memory_space<vmem_shared>> -> memref<128xf32, #tpu.memory_space<vmem_shared>>
      %dma_wait3A_132 = tpu.memref_slice %arg4[%add3A_52] : memref<10240xf32, #tpu.memory_space<vmem_shared>> -> memref<128xf32, #tpu.memory_space<vmem_shared>>
      tpu.wait_dma2 semaphore(%run_scoped3A : memref<!tpu.dma_semaphore, #tpu.memory_space<semaphore_mem>>) src(%arg7 : memref<128xf32, #tpu.memory_space<vmem>>) dst(%dma_wait3A_132 : memref<128xf32, #tpu.memory_space<vmem_shared>>)
      tpu.yield
    }) : () -> ()
    %broadcast_in_dim3A_53 = arith.constant 1.000000e+00 : f32
    %broadcast_in_dim3A_54 = vector.broadcast %broadcast_in_dim3A_53 : f32 to vector<16xf32>
    %swap3A_55 = arith.constant 0 : index
    %swap3A_56 = tpu.vector_load %arg7[%swap3A_55] {strides = array<i32>} : memref<128xf32, #tpu.memory_space<vmem>>, vector<16xf32>,
    %swap3A_57 = vector.shape_cast %swap3A_56 : vector<16xf32> to vector<16xf32>
    %swap3A_58 = vector.shape_cast %broadcast_in_dim3A_54 : vector<16xf32> to vector<16xf32>
    tpu.vector_store %arg7[%swap3A_55], %swap3A_58 {strides = array<i32>} : memref<128xf32, #tpu.memory_space<vmem>>, vector<16xf32>,
    %swap3A_59 = arith.constant 16 : index
    %swap3A_60 = tpu.vector_load %arg7[%swap3A_59] {strides = array<i32>} : memref<128xf32, #tpu.memory_space<vmem>>, vector<16xf32>,
    %swap3A_61 = vector.shape_cast %swap3A_60 : vector<16xf32> to vector<16xf32>
    %swap3A_62 = vector.shape_cast %broadcast_in_dim3A_54 : vector<16xf32> to vector<16xf32>
    tpu.vector_store %arg7[%swap3A_59], %swap3A_62 {strides = array<i32>} : memref<128xf32, #tpu.memory_space<vmem>>, vector<16xf32>,
    %swap3A_63 = arith.constant 32 : index
    %swap3A_64 = tpu.vector_load %arg7[%swap3A_63] {strides = array<i32>} : memref<128xf32, #tpu.memory_space<vmem>>, vector<16xf32>,
    %swap3A_65 = vector.shape_cast %swap3A_64 : vector<16xf32> to vector<16xf32>
    %swap3A_66 = vector.shape_cast %broadcast_in_dim3A_54 : vector<16xf32> to vector<16xf32>
    tpu.vector_store %arg7[%swap3A_63], %swap3A_66 {strides = array<i32>} : memref<128xf32, #tpu.memory_space<vmem>>, vector<16xf32>,
    %swap3A_67 = arith.constant 48 : index
    %swap3A_68 = tpu.vector_load %arg7[%swap3A_67] {strides = array<i32>} : memref<128xf32, #tpu.memory_space<vmem>>, vector<16xf32>,
    %swap3A_69 = vector.shape_cast %swap3A_68 : vector<16xf32> to vector<16xf32>
    %swap3A_70 = vector.shape_cast %broadcast_in_dim3A_54 : vector<16xf32> to vector<16xf32>
    tpu.vector_store %arg7[%swap3A_67], %swap3A_70 {strides = array<i32>} : memref<128xf32, #tpu.memory_space<vmem>>, vector<16xf32>,
    %swap3A_71 = arith.constant 64 : index
    %swap3A_72 = tpu.vector_load %arg7[%swap3A_71] {strides = array<i32>} : memref<128xf32, #tpu.memory_space<vmem>>, vector<16xf32>,
    %swap3A_73 = vector.shape_cast %swap3A_72 : vector<16xf32> to vector<16xf32>
    %swap3A_74 = vector.shape_cast %broadcast_in_dim3A_54 : vector<16xf32> to vector<16xf32>
    tpu.vector_store %arg7[%swap3A_71], %swap3A_74 {strides = array<i32>} : memref<128xf32, #tpu.memory_space<vmem>>, vector<16xf32>,
    %swap3A_75 = arith.constant 80 : index
    %swap3A_76 = tpu.vector_load %arg7[%swap3A_75] {strides = array<i32>} : memref<128xf32, #tpu.memory_space<vmem>>, vector<16xf32>,
    %swap3A_77 = vector.shape_cast %swap3A_76 : vector<16xf32> to vector<16xf32>
    %swap3A_78 = vector.shape_cast %broadcast_in_dim3A_54 : vector<16xf32> to vector<16xf32>
    tpu.vector_store %arg7[%swap3A_75], %swap3A_78 {strides = array<i32>} : memref<128xf32, #tpu.memory_space<vmem>>, vector<16xf32>,
    %swap3A_79 = arith.constant 96 : index
    %swap3A_80 = tpu.vector_load %arg7[%swap3A_79] {strides = array<i32>} : memref<128xf32, #tpu.memory_space<vmem>>, vector<16xf32>,
    %swap3A_81 = vector.shape_cast %swap3A_80 : vector<16xf32> to vector<16xf32>
    %swap3A_82 = vector.shape_cast %broadcast_in_dim3A_54 : vector<16xf32> to vector<16xf32>
    tpu.vector_store %arg7[%swap3A_79], %swap3A_82 {strides = array<i32>} : memref<128xf32, #tpu.memory_space<vmem>>, vector<16xf32>,
    %swap3A_83 = arith.constant 112 : index
    %swap3A_84 = tpu.vector_load %arg7[%swap3A_83] {strides = array<i32>} : memref<128xf32, #tpu.memory_space<vmem>>, vector<16xf32>,
    %swap3A_85 = vector.shape_cast %swap3A_84 : vector<16xf32> to vector<16xf32>
    %swap3A_86 = vector.shape_cast %broadcast_in_dim3A_54 : vector<16xf32> to vector<16xf32>
    tpu.vector_store %arg7[%swap3A_83], %swap3A_86 {strides = array<i32>} : memref<128xf32, #tpu.memory_space<vmem>>, vector<16xf32>,
    %barrier3A = arith.constant 0 : index
    tpu.barrier barrier_id(%barrier3A)
    %dma_start3A = arith.constant 0 : i32
    %dma_start3A_87 = arith.constant 0 : i32
    %dma_start3A_88 = arith.constant 0 : i32
    %dma_start3A_89 = tpu.memref_slice %arg2[%add3A, %dma_start3A, %dma_start3A_87, %dma_start3A_88] : memref<32x80x2x128xi32, #tpu.memory_space<hbm>> -> memref<1x1x2x128xi32, #tpu.memory_space<hbm>>
    %dma_start3A_90 = tpu.memref_squeeze %dma_start3A_89 : memref<1x1x2x128xi32, #tpu.memory_space<hbm>> -> memref<2x128xi32, #tpu.memory_space<hbm>>
    %dma_start3A_91 = arith.constant 0 : i32
    %dma_start3A_92 = arith.constant 0 : i32
    %dma_start3A_93 = tpu.memref_slice %arg2[%add3A, %dma_start3A, %dma_start3A_91, %dma_start3A_92] : memref<32x80x2x128xi32, #tpu.memory_space<hbm>> -> memref<1x1x2x128xi32, #tpu.memory_space<hbm>>
    %dma_start3A_94 = tpu.memref_squeeze %dma_start3A_93 : memref<1x1x2x128xi32, #tpu.memory_space<hbm>> -> memref<2x128xi32, #tpu.memory_space<hbm>>
    tpu.enqueue_dma source(%dma_start3A_94 : memref<2x128xi32, #tpu.memory_space<hbm>>) target(%arg5 : memref<2x128xi32, #tpu.memory_space<vmem>>) target_semaphore(%arg8 : memref<!tpu.dma_semaphore, #tpu.memory_space<semaphore_mem>>)
    %dma_start3A_95 = arith.constant 1 : i32
    %dma_start3A_96 = arith.constant 0 : i32
    %dma_start3A_97 = arith.constant 0 : i32
    %dma_start3A_98 = tpu.memref_slice %arg2[%add3A, %dma_start3A_95, %dma_start3A_96, %dma_start3A_97] : memref<32x80x2x128xi32, #tpu.memory_space<hbm>> -> memref<1x1x2x128xi32, #tpu.memory_space<hbm>>
    %dma_start3A_99 = tpu.memref_squeeze %dma_start3A_98 : memref<1x1x2x128xi32, #tpu.memory_space<hbm>> -> memref<2x128xi32, #tpu.memory_space<hbm>>
    %dma_start3A_100 = arith.constant 0 : i32
    %dma_start3A_101 = arith.constant 0 : i32
    %dma_start3A_102 = tpu.memref_slice %arg2[%add3A, %dma_start3A_95, %dma_start3A_100, %dma_start3A_101] : memref<32x80x2x128xi32, #tpu.memory_space<hbm>> -> memref<1x1x2x128xi32, #tpu.memory_space<hbm>>
    %dma_start3A_103 = tpu.memref_squeeze %dma_start3A_102 : memref<1x1x2x128xi32, #tpu.memory_space<hbm>> -> memref<2x128xi32, #tpu.memory_space<hbm>>
    tpu.enqueue_dma source(%dma_start3A_103 : memref<2x128xi32, #tpu.memory_space<hbm>>) target(%arg6 : memref<2x128xi32, #tpu.memory_space<vmem>>) target_semaphore(%arg9 : memref<!tpu.dma_semaphore, #tpu.memory_space<semaphore_mem>>)
    %scan3A = arith.constant 0 : i32
    %scan3A_104 = arith.constant 0 : i32
    %scan3A_105 = arith.constant 40 : i32
    %scan3A_106 = arith.addi %scan3A_104, %scan3A_105 : i32
    %scan3A_107 = arith.constant 1 : i32
    scf.for %scan3A_130 = %scan3A_104 to %scan3A_106 step %scan3A_107  : i32 {
      %mul3A_131 = arith.constant 2 : i32
      %mul3A_132 = arith.muli %mul3A_131, %scan3A_130 : i32
      %dma_wait3A = arith.constant 0 : i32
      %dma_wait3A_133 = arith.constant 0 : i32
      %dma_wait3A_134 = tpu.memref_slice %arg2[%add3A, %mul3A_132, %dma_wait3A, %dma_wait3A_133] : memref<32x80x2x128xi32, #tpu.memory_space<hbm>> -> memref<1x1x2x128xi32, #tpu.memory_space<hbm>>
      %dma_wait3A_135 = tpu.memref_squeeze %dma_wait3A_134 : memref<1x1x2x128xi32, #tpu.memory_space<hbm>> -> memref<2x128xi32, #tpu.memory_space<hbm>>
      %dma_wait3A_136 = arith.constant 0 : i32
      %dma_wait3A_137 = arith.constant 0 : i32
      %dma_wait3A_138 = tpu.memref_slice %arg2[%add3A, %mul3A_132, %dma_wait3A_136, %dma_wait3A_137] : memref<32x80x2x128xi32, #tpu.memory_space<hbm>> -> memref<1x1x2x128xi32, #tpu.memory_space<hbm>>
      %dma_wait3A_139 = tpu.memref_squeeze %dma_wait3A_138 : memref<1x1x2x128xi32, #tpu.memory_space<hbm>> -> memref<2x128xi32, #tpu.memory_space<hbm>>
      tpu.wait_dma2 semaphore(%arg8 : memref<!tpu.dma_semaphore, #tpu.memory_space<semaphore_mem>>) src(%dma_wait3A_139 : memref<2x128xi32, #tpu.memory_space<hbm>>) dst(%arg5 : memref<2x128xi32, #tpu.memory_space<vmem>>)
      %run_scoped3A = arith.constant 1 : i32
      "tpu.region"() ({
        %run_scoped3A_160 = tpu.sem_alloc : memref<!tpu.dma_semaphore, #tpu.memory_space<semaphore_mem>>
        %dma_start3A_161 = arith.constant 0 : i32
        %dma_start3A_162 = tpu.memref_slice %arg5[%run_scoped3A, %dma_start3A_161] : memref<2x128xi32, #tpu.memory_space<vmem>> -> memref<1x128xi32, #tpu.memory_space<vmem>>
        %dma_start3A_163 = tpu.memref_squeeze %dma_start3A_162 : memref<1x128xi32, #tpu.memory_space<vmem>> -> memref<128xi32, #tpu.memory_space<vmem>>
        %dma_start3A_164 = arith.constant 0 : i32
        %dma_start3A_165 = tpu.memref_slice %arg4[%dma_start3A_164] : memref<10240xf32, #tpu.memory_space<vmem_shared>> -> memref<10240xf32, #tpu.memory_space<vmem_shared>>
        tpu.enqueue_indirect_dma source(%arg7 : memref<128xf32, #tpu.memory_space<vmem>>) target(%dma_start3A_165 : memref<10240xf32, #tpu.memory_space<vmem_shared>>) offsets(%dma_start3A_163 : memref<128xi32, #tpu.memory_space<vmem>>) semaphore(%run_scoped3A_160 : memref<!tpu.dma_semaphore, #tpu.memory_space<semaphore_mem>>) {add = true}
        %dma_wait3A_166 = arith.constant 0 : i32
        %dma_wait3A_167 = tpu.memref_slice %arg5[%run_scoped3A, %dma_wait3A_166] : memref<2x128xi32, #tpu.memory_space<vmem>> -> memref<1x128xi32, #tpu.memory_space<vmem>>
        %dma_wait3A_168 = tpu.memref_squeeze %dma_wait3A_167 : memref<1x128xi32, #tpu.memory_space<vmem>> -> memref<128xi32, #tpu.memory_space<vmem>>
        %dma_wait3A_169 = arith.constant 0 : i32
        %dma_wait3A_170 = tpu.memref_slice %arg4[%dma_wait3A_169] : memref<10240xf32, #tpu.memory_space<vmem_shared>> -> memref<10240xf32, #tpu.memory_space<vmem_shared>>
        tpu.wait_indirect_dma semaphore(%run_scoped3A_160 : memref<!tpu.dma_semaphore, #tpu.memory_space<semaphore_mem>>) src(%arg7 : memref<128xf32, #tpu.memory_space<vmem>>) dst(%dma_wait3A_170 : memref<10240xf32, #tpu.memory_space<vmem_shared>>)
        tpu.yield
      }) : () -> ()
      %lt3A = arith.constant 78 : i32
      %lt3A_140 = arith.cmpi slt, %mul3A_132, %lt3A : i32
      %convert_element_type3A = arith.extui %lt3A_140 : i1 to i32
      %cond3A = arith.constant 0 : i32
      %cond3A_141 = arith.cmpi ne, %convert_element_type3A, %cond3A : i32
      scf.if %cond3A_141 {
        %add3A_160 = arith.constant 2 : i32
        %add3A_161 = arith.addi %mul3A_132, %add3A_160 : i32
        %dma_start3A_162 = arith.constant 0 : i32
        %dma_start3A_163 = arith.constant 0 : i32
        %dma_start3A_164 = tpu.memref_slice %arg2[%add3A, %add3A_161, %dma_start3A_162, %dma_start3A_163] : memref<32x80x2x128xi32, #tpu.memory_space<hbm>> -> memref<1x1x2x128xi32, #tpu.memory_space<hbm>>
        %dma_start3A_165 = tpu.memref_squeeze %dma_start3A_164 : memref<1x1x2x128xi32, #tpu.memory_space<hbm>> -> memref<2x128xi32, #tpu.memory_space<hbm>>
        %dma_start3A_166 = arith.constant 0 : i32
        %dma_start3A_167 = arith.constant 0 : i32
        %dma_start3A_168 = tpu.memref_slice %arg2[%add3A, %add3A_161, %dma_start3A_166, %dma_start3A_167] : memref<32x80x2x128xi32, #tpu.memory_space<hbm>> -> memref<1x1x2x128xi32, #tpu.memory_space<hbm>>
        %dma_start3A_169 = tpu.memref_squeeze %dma_start3A_168 : memref<1x1x2x128xi32, #tpu.memory_space<hbm>> -> memref<2x128xi32, #tpu.memory_space<hbm>>
        tpu.enqueue_dma source(%dma_start3A_169 : memref<2x128xi32, #tpu.memory_space<hbm>>) target(%arg5 : memref<2x128xi32, #tpu.memory_space<vmem>>) target_semaphore(%arg8 : memref<!tpu.dma_semaphore, #tpu.memory_space<semaphore_mem>>)
      } else {
      }
      %mul3A_142 = arith.constant 2 : i32
      %mul3A_143 = arith.muli %mul3A_142, %scan3A_130 : i32
      %add3A_144 = arith.constant 1 : i32
      %add3A_145 = arith.addi %mul3A_143, %add3A_144 : i32
      %dma_wait3A_146 = arith.constant 0 : i32
      %dma_wait3A_147 = arith.constant 0 : i32
      %dma_wait3A_148 = tpu.memref_slice %arg2[%add3A, %add3A_145, %dma_wait3A_146, %dma_wait3A_147] : memref<32x80x2x128xi32, #tpu.memory_space<hbm>> -> memref<1x1x2x128xi32, #tpu.memory_space<hbm>>
      %dma_wait3A_149 = tpu.memref_squeeze %dma_wait3A_148 : memref<1x1x2x128xi32, #tpu.memory_space<hbm>> -> memref<2x128xi32, #tpu.memory_space<hbm>>
      %dma_wait3A_150 = arith.constant 0 : i32
      %dma_wait3A_151 = arith.constant 0 : i32
      %dma_wait3A_152 = tpu.memref_slice %arg2[%add3A, %add3A_145, %dma_wait3A_150, %dma_wait3A_151] : memref<32x80x2x128xi32, #tpu.memory_space<hbm>> -> memref<1x1x2x128xi32, #tpu.memory_space<hbm>>
      %dma_wait3A_153 = tpu.memref_squeeze %dma_wait3A_152 : memref<1x1x2x128xi32, #tpu.memory_space<hbm>> -> memref<2x128xi32, #tpu.memory_space<hbm>>
      tpu.wait_dma2 semaphore(%arg9 : memref<!tpu.dma_semaphore, #tpu.memory_space<semaphore_mem>>) src(%dma_wait3A_153 : memref<2x128xi32, #tpu.memory_space<hbm>>) dst(%arg6 : memref<2x128xi32, #tpu.memory_space<vmem>>)
      %run_scoped3A_154 = arith.constant 1 : i32
      "tpu.region"() ({
        %run_scoped3A_160 = tpu.sem_alloc : memref<!tpu.dma_semaphore, #tpu.memory_space<semaphore_mem>>
        %dma_start3A_161 = arith.constant 0 : i32
        %dma_start3A_162 = tpu.memref_slice %arg6[%run_scoped3A_154, %dma_start3A_161] : memref<2x128xi32, #tpu.memory_space<vmem>> -> memref<1x128xi32, #tpu.memory_space<vmem>>
        %dma_start3A_163 = tpu.memref_squeeze %dma_start3A_162 : memref<1x128xi32, #tpu.memory_space<vmem>> -> memref<128xi32, #tpu.memory_space<vmem>>
        %dma_start3A_164 = arith.constant 0 : i32
        %dma_start3A_165 = tpu.memref_slice %arg4[%dma_start3A_164] : memref<10240xf32, #tpu.memory_space<vmem_shared>> -> memref<10240xf32, #tpu.memory_space<vmem_shared>>
        tpu.enqueue_indirect_dma source(%arg7 : memref<128xf32, #tpu.memory_space<vmem>>) target(%dma_start3A_165 : memref<10240xf32, #tpu.memory_space<vmem_shared>>) offsets(%dma_start3A_163 : memref<128xi32, #tpu.memory_space<vmem>>) semaphore(%run_scoped3A_160 : memref<!tpu.dma_semaphore, #tpu.memory_space<semaphore_mem>>) {add = true}
        %dma_wait3A_166 = arith.constant 0 : i32
        %dma_wait3A_167 = tpu.memref_slice %arg6[%run_scoped3A_154, %dma_wait3A_166] : memref<2x128xi32, #tpu.memory_space<vmem>> -> memref<1x128xi32, #tpu.memory_space<vmem>>
        %dma_wait3A_168 = tpu.memref_squeeze %dma_wait3A_167 : memref<1x128xi32, #tpu.memory_space<vmem>> -> memref<128xi32, #tpu.memory_space<vmem>>
        %dma_wait3A_169 = arith.constant 0 : i32
        %dma_wait3A_170 = tpu.memref_slice %arg4[%dma_wait3A_169] : memref<10240xf32, #tpu.memory_space<vmem_shared>> -> memref<10240xf32, #tpu.memory_space<vmem_shared>>
        tpu.wait_indirect_dma semaphore(%run_scoped3A_160 : memref<!tpu.dma_semaphore, #tpu.memory_space<semaphore_mem>>) src(%arg7 : memref<128xf32, #tpu.memory_space<vmem>>) dst(%dma_wait3A_170 : memref<10240xf32, #tpu.memory_space<vmem_shared>>)
        tpu.yield
      }) : () -> ()
      %lt3A_155 = arith.constant 78 : i32
      %lt3A_156 = arith.cmpi slt, %add3A_145, %lt3A_155 : i32
      %convert_element_type3A_157 = arith.extui %lt3A_156 : i1 to i32
      %cond3A_158 = arith.constant 0 : i32
      %cond3A_159 = arith.cmpi ne, %convert_element_type3A_157, %cond3A_158 : i32
      scf.if %cond3A_159 {
        %add3A_160 = arith.constant 2 : i32
        %add3A_161 = arith.addi %add3A_145, %add3A_160 : i32
        %dma_start3A_162 = arith.constant 0 : i32
        %dma_start3A_163 = arith.constant 0 : i32
        %dma_start3A_164 = tpu.memref_slice %arg2[%add3A, %add3A_161, %dma_start3A_162, %dma_start3A_163] : memref<32x80x2x128xi32, #tpu.memory_space<hbm>> -> memref<1x1x2x128xi32, #tpu.memory_space<hbm>>
        %dma_start3A_165 = tpu.memref_squeeze %dma_start3A_164 : memref<1x1x2x128xi32, #tpu.memory_space<hbm>> -> memref<2x128xi32, #tpu.memory_space<hbm>>
        %dma_start3A_166 = arith.constant 0 : i32
        %dma_start3A_167 = arith.constant 0 : i32
        %dma_start3A_168 = tpu.memref_slice %arg2[%add3A, %add3A_161, %dma_start3A_166, %dma_start3A_167] : memref<32x80x2x128xi32, #tpu.memory_space<hbm>> -> memref<1x1x2x128xi32, #tpu.memory_space<hbm>>
        %dma_start3A_169 = tpu.memref_squeeze %dma_start3A_168 : memref<1x1x2x128xi32, #tpu.memory_space<hbm>> -> memref<2x128xi32, #tpu.memory_space<hbm>>
        tpu.enqueue_dma source(%dma_start3A_169 : memref<2x128xi32, #tpu.memory_space<hbm>>) target(%arg6 : memref<2x128xi32, #tpu.memory_space<vmem>>) target_semaphore(%arg9 : memref<!tpu.dma_semaphore, #tpu.memory_space<semaphore_mem>>)
      } else {
      }
    }
    %scan3A_108 = arith.constant 40 : i32
    %barrier3A_109 = arith.constant 0 : index
    tpu.barrier barrier_id(%barrier3A_109)
    %mul3A_110 = arith.constant 640 : i32
    %mul3A_111 = arith.muli %arg1, %mul3A_110 : i32
    %add3A_112 = arith.constant 0 : i32
    %add3A_113 = arith.addi %mul3A_111, %add3A_112 : i32
    "tpu.region"() ({
      %run_scoped3A = tpu.sem_alloc : memref<!tpu.dma_semaphore, #tpu.memory_space<semaphore_mem>>
      %dma_start3A_130 = tpu.memref_slice %arg4[%add3A_113] : memref<10240xf32, #tpu.memory_space<vmem_shared>> -> memref<128xf32, #tpu.memory_space<vmem_shared>>
      %dma_start3A_131 = tpu.memref_slice %arg4[%add3A_113] : memref<10240xf32, #tpu.memory_space<vmem_shared>> -> memref<128xf32, #tpu.memory_space<vmem_shared>>
      tpu.enqueue_dma source(%dma_start3A_131 : memref<128xf32, #tpu.memory_space<vmem_shared>>) target(%arg7 : memref<128xf32, #tpu.memory_space<vmem>>) target_semaphore(%run_scoped3A : memref<!tpu.dma_semaphore, #tpu.memory_space<semaphore_mem>>)
      %dma_wait3A = tpu.memref_slice %arg4[%add3A_113] : memref<10240xf32, #tpu.memory_space<vmem_shared>> -> memref<128xf32, #tpu.memory_space<vmem_shared>>
      %dma_wait3A_132 = tpu.memref_slice %arg4[%add3A_113] : memref<10240xf32, #tpu.memory_space<vmem_shared>> -> memref<128xf32, #tpu.memory_space<vmem_shared>>
      tpu.wait_dma2 semaphore(%run_scoped3A : memref<!tpu.dma_semaphore, #tpu.memory_space<semaphore_mem>>) src(%dma_wait3A_132 : memref<128xf32, #tpu.memory_space<vmem_shared>>) dst(%arg7 : memref<128xf32, #tpu.memory_space<vmem>>)
      tpu.yield
    }) : () -> ()
    "tpu.region"() ({
      %run_scoped3A = tpu.sem_alloc : memref<!tpu.dma_semaphore, #tpu.memory_space<semaphore_mem>>
      %dma_start3A_130 = tpu.memref_slice %arg3[%arg0, %add3A_113] : memref<2x10240xf32, #tpu.memory_space<hbm>> -> memref<1x128xf32, #tpu.memory_space<hbm>>
      %dma_start3A_131 = tpu.memref_squeeze %dma_start3A_130 : memref<1x128xf32, #tpu.memory_space<hbm>> -> memref<128xf32, #tpu.memory_space<hbm>>
      %dma_start3A_132 = tpu.memref_slice %arg3[%arg0, %add3A_113] : memref<2x10240xf32, #tpu.memory_space<hbm>> -> memref<1x128xf32, #tpu.memory_space<hbm>>
      %dma_start3A_133 = tpu.memref_squeeze %dma_start3A_132 : memref<1x128xf32, #tpu.memory_space<hbm>> -> memref<128xf32, #tpu.memory_space<hbm>>
      tpu.enqueue_dma source(%arg7 : memref<128xf32, #tpu.memory_space<vmem>>) target(%dma_start3A_133 : memref<128xf32, #tpu.memory_space<hbm>>) target_semaphore(%run_scoped3A : memref<!tpu.dma_semaphore, #tpu.memory_space<semaphore_mem>>)
      %dma_wait3A = tpu.memref_slice %arg3[%arg0, %add3A_113] : memref<2x10240xf32, #tpu.memory_space<hbm>> -> memref<1x128xf32, #tpu.memory_space<hbm>>
      %dma_wait3A_134 = tpu.memref_squeeze %dma_wait3A : memref<1x128xf32, #tpu.memory_space<hbm>> -> memref<128xf32, #tpu.memory_space<hbm>>
      %dma_wait3A_135 = tpu.memref_slice %arg3[%arg0, %add3A_113] : memref<2x10240xf32, #tpu.memory_space<hbm>> -> memref<1x128xf32, #tpu.memory_space<hbm>>
      %dma_wait3A_136 = tpu.memref_squeeze %dma_wait3A_135 : memref<1x128xf32, #tpu.memory_space<hbm>> -> memref<128xf32, #tpu.memory_space<hbm>>
      tpu.wait_dma2 semaphore(%run_scoped3A : memref<!tpu.dma_semaphore, #tpu.memory_space<semaphore_mem>>) src(%arg7 : memref<128xf32, #tpu.memory_space<vmem>>) dst(%dma_wait3A_136 : memref<128xf32, #tpu.memory_space<hbm>>)
      tpu.yield
    }) : () -> ()
    %mul3A_114 = arith.constant 640 : i32
    %mul3A_115 = arith.muli %arg1, %mul3A_114 : i32
    %add3A_116 = arith.constant 128 : i32
    %add3A_117 = arith.addi %mul3A_115, %add3A_116 : i32
    "tpu.region"() ({
      %run_scoped3A = tpu.sem_alloc : memref<!tpu.dma_semaphore, #tpu.memory_space<semaphore_mem>>
      %dma_start3A_130 = tpu.memref_slice %arg4[%add3A_117] : memref<10240xf32, #tpu.memory_space<vmem_shared>> -> memref<128xf32, #tpu.memory_space<vmem_shared>>
      %dma_start3A_131 = tpu.memref_slice %arg4[%add3A_117] : memref<10240xf32, #tpu.memory_space<vmem_shared>> -> memref<128xf32, #tpu.memory_space<vmem_shared>>
      tpu.enqueue_dma source(%dma_start3A_131 : memref<128xf32, #tpu.memory_space<vmem_shared>>) target(%arg7 : memref<128xf32, #tpu.memory_space<vmem>>) target_semaphore(%run_scoped3A : memref<!tpu.dma_semaphore, #tpu.memory_space<semaphore_mem>>)
      %dma_wait3A = tpu.memref_slice %arg4[%add3A_117] : memref<10240xf32, #tpu.memory_space<vmem_shared>> -> memref<128xf32, #tpu.memory_space<vmem_shared>>
      %dma_wait3A_132 = tpu.memref_slice %arg4[%add3A_117] : memref<10240xf32, #tpu.memory_space<vmem_shared>> -> memref<128xf32, #tpu.memory_space<vmem_shared>>
      tpu.wait_dma2 semaphore(%run_scoped3A : memref<!tpu.dma_semaphore, #tpu.memory_space<semaphore_mem>>) src(%dma_wait3A_132 : memref<128xf32, #tpu.memory_space<vmem_shared>>) dst(%arg7 : memref<128xf32, #tpu.memory_space<vmem>>)
      tpu.yield
    }) : () -> ()
    "tpu.region"() ({
      %run_scoped3A = tpu.sem_alloc : memref<!tpu.dma_semaphore, #tpu.memory_space<semaphore_mem>>
      %dma_start3A_130 = tpu.memref_slice %arg3[%arg0, %add3A_117] : memref<2x10240xf32, #tpu.memory_space<hbm>> -> memref<1x128xf32, #tpu.memory_space<hbm>>
      %dma_start3A_131 = tpu.memref_squeeze %dma_start3A_130 : memref<1x128xf32, #tpu.memory_space<hbm>> -> memref<128xf32, #tpu.memory_space<hbm>>
      %dma_start3A_132 = tpu.memref_slice %arg3[%arg0, %add3A_117] : memref<2x10240xf32, #tpu.memory_space<hbm>> -> memref<1x128xf32, #tpu.memory_space<hbm>>
      %dma_start3A_133 = tpu.memref_squeeze %dma_start3A_132 : memref<1x128xf32, #tpu.memory_space<hbm>> -> memref<128xf32, #tpu.memory_space<hbm>>
      tpu.enqueue_dma source(%arg7 : memref<128xf32, #tpu.memory_space<vmem>>) target(%dma_start3A_133 : memref<128xf32, #tpu.memory_space<hbm>>) target_semaphore(%run_scoped3A : memref<!tpu.dma_semaphore, #tpu.memory_space<semaphore_mem>>)
      %dma_wait3A = tpu.memref_slice %arg3[%arg0, %add3A_117] : memref<2x10240xf32, #tpu.memory_space<hbm>> -> memref<1x128xf32, #tpu.memory_space<hbm>>
      %dma_wait3A_134 = tpu.memref_squeeze %dma_wait3A : memref<1x128xf32, #tpu.memory_space<hbm>> -> memref<128xf32, #tpu.memory_space<hbm>>
      %dma_wait3A_135 = tpu.memref_slice %arg3[%arg0, %add3A_117] : memref<2x10240xf32, #tpu.memory_space<hbm>> -> memref<1x128xf32, #tpu.memory_space<hbm>>
      %dma_wait3A_136 = tpu.memref_squeeze %dma_wait3A_135 : memref<1x128xf32, #tpu.memory_space<hbm>> -> memref<128xf32, #tpu.memory_space<hbm>>
      tpu.wait_dma2 semaphore(%run_scoped3A : memref<!tpu.dma_semaphore, #tpu.memory_space<semaphore_mem>>) src(%arg7 : memref<128xf32, #tpu.memory_space<vmem>>) dst(%dma_wait3A_136 : memref<128xf32, #tpu.memory_space<hbm>>)
      tpu.yield
    }) : () -> ()
    %mul3A_118 = arith.constant 640 : i32
    %mul3A_119 = arith.muli %arg1, %mul3A_118 : i32
    %add3A_120 = arith.constant 256 : i32
    %add3A_121 = arith.addi %mul3A_119, %add3A_120 : i32
    "tpu.region"() ({
      %run_scoped3A = tpu.sem_alloc : memref<!tpu.dma_semaphore, #tpu.memory_space<semaphore_mem>>
      %dma_start3A_130 = tpu.memref_slice %arg4[%add3A_121] : memref<10240xf32, #tpu.memory_space<vmem_shared>> -> memref<128xf32, #tpu.memory_space<vmem_shared>>
      %dma_start3A_131 = tpu.memref_slice %arg4[%add3A_121] : memref<10240xf32, #tpu.memory_space<vmem_shared>> -> memref<128xf32, #tpu.memory_space<vmem_shared>>
      tpu.enqueue_dma source(%dma_start3A_131 : memref<128xf32, #tpu.memory_space<vmem_shared>>) target(%arg7 : memref<128xf32, #tpu.memory_space<vmem>>) target_semaphore(%run_scoped3A : memref<!tpu.dma_semaphore, #tpu.memory_space<semaphore_mem>>)
      %dma_wait3A = tpu.memref_slice %arg4[%add3A_121] : memref<10240xf32, #tpu.memory_space<vmem_shared>> -> memref<128xf32, #tpu.memory_space<vmem_shared>>
      %dma_wait3A_132 = tpu.memref_slice %arg4[%add3A_121] : memref<10240xf32, #tpu.memory_space<vmem_shared>> -> memref<128xf32, #tpu.memory_space<vmem_shared>>
      tpu.wait_dma2 semaphore(%run_scoped3A : memref<!tpu.dma_semaphore, #tpu.memory_space<semaphore_mem>>) src(%dma_wait3A_132 : memref<128xf32, #tpu.memory_space<vmem_shared>>) dst(%arg7 : memref<128xf32, #tpu.memory_space<vmem>>)
      tpu.yield
    }) : () -> ()
    "tpu.region"() ({
      %run_scoped3A = tpu.sem_alloc : memref<!tpu.dma_semaphore, #tpu.memory_space<semaphore_mem>>
      %dma_start3A_130 = tpu.memref_slice %arg3[%arg0, %add3A_121] : memref<2x10240xf32, #tpu.memory_space<hbm>> -> memref<1x128xf32, #tpu.memory_space<hbm>>
      %dma_start3A_131 = tpu.memref_squeeze %dma_start3A_130 : memref<1x128xf32, #tpu.memory_space<hbm>> -> memref<128xf32, #tpu.memory_space<hbm>>
      %dma_start3A_132 = tpu.memref_slice %arg3[%arg0, %add3A_121] : memref<2x10240xf32, #tpu.memory_space<hbm>> -> memref<1x128xf32, #tpu.memory_space<hbm>>
      %dma_start3A_133 = tpu.memref_squeeze %dma_start3A_132 : memref<1x128xf32, #tpu.memory_space<hbm>> -> memref<128xf32, #tpu.memory_space<hbm>>
      tpu.enqueue_dma source(%arg7 : memref<128xf32, #tpu.memory_space<vmem>>) target(%dma_start3A_133 : memref<128xf32, #tpu.memory_space<hbm>>) target_semaphore(%run_scoped3A : memref<!tpu.dma_semaphore, #tpu.memory_space<semaphore_mem>>)
      %dma_wait3A = tpu.memref_slice %arg3[%arg0, %add3A_121] : memref<2x10240xf32, #tpu.memory_space<hbm>> -> memref<1x128xf32, #tpu.memory_space<hbm>>
      %dma_wait3A_134 = tpu.memref_squeeze %dma_wait3A : memref<1x128xf32, #tpu.memory_space<hbm>> -> memref<128xf32, #tpu.memory_space<hbm>>
      %dma_wait3A_135 = tpu.memref_slice %arg3[%arg0, %add3A_121] : memref<2x10240xf32, #tpu.memory_space<hbm>> -> memref<1x128xf32, #tpu.memory_space<hbm>>
      %dma_wait3A_136 = tpu.memref_squeeze %dma_wait3A_135 : memref<1x128xf32, #tpu.memory_space<hbm>> -> memref<128xf32, #tpu.memory_space<hbm>>
      tpu.wait_dma2 semaphore(%run_scoped3A : memref<!tpu.dma_semaphore, #tpu.memory_space<semaphore_mem>>) src(%arg7 : memref<128xf32, #tpu.memory_space<vmem>>) dst(%dma_wait3A_136 : memref<128xf32, #tpu.memory_space<hbm>>)
      tpu.yield
    }) : () -> ()
    %mul3A_122 = arith.constant 640 : i32
    %mul3A_123 = arith.muli %arg1, %mul3A_122 : i32
    %add3A_124 = arith.constant 384 : i32
    %add3A_125 = arith.addi %mul3A_123, %add3A_124 : i32
    "tpu.region"() ({
      %run_scoped3A = tpu.sem_alloc : memref<!tpu.dma_semaphore, #tpu.memory_space<semaphore_mem>>
      %dma_start3A_130 = tpu.memref_slice %arg4[%add3A_125] : memref<10240xf32, #tpu.memory_space<vmem_shared>> -> memref<128xf32, #tpu.memory_space<vmem_shared>>
      %dma_start3A_131 = tpu.memref_slice %arg4[%add3A_125] : memref<10240xf32, #tpu.memory_space<vmem_shared>> -> memref<128xf32, #tpu.memory_space<vmem_shared>>
      tpu.enqueue_dma source(%dma_start3A_131 : memref<128xf32, #tpu.memory_space<vmem_shared>>) target(%arg7 : memref<128xf32, #tpu.memory_space<vmem>>) target_semaphore(%run_scoped3A : memref<!tpu.dma_semaphore, #tpu.memory_space<semaphore_mem>>)
      %dma_wait3A = tpu.memref_slice %arg4[%add3A_125] : memref<10240xf32, #tpu.memory_space<vmem_shared>> -> memref<128xf32, #tpu.memory_space<vmem_shared>>
      %dma_wait3A_132 = tpu.memref_slice %arg4[%add3A_125] : memref<10240xf32, #tpu.memory_space<vmem_shared>> -> memref<128xf32, #tpu.memory_space<vmem_shared>>
      tpu.wait_dma2 semaphore(%run_scoped3A : memref<!tpu.dma_semaphore, #tpu.memory_space<semaphore_mem>>) src(%dma_wait3A_132 : memref<128xf32, #tpu.memory_space<vmem_shared>>) dst(%arg7 : memref<128xf32, #tpu.memory_space<vmem>>)
      tpu.yield
    }) : () -> ()
    "tpu.region"() ({
      %run_scoped3A = tpu.sem_alloc : memref<!tpu.dma_semaphore, #tpu.memory_space<semaphore_mem>>
      %dma_start3A_130 = tpu.memref_slice %arg3[%arg0, %add3A_125] : memref<2x10240xf32, #tpu.memory_space<hbm>> -> memref<1x128xf32, #tpu.memory_space<hbm>>
      %dma_start3A_131 = tpu.memref_squeeze %dma_start3A_130 : memref<1x128xf32, #tpu.memory_space<hbm>> -> memref<128xf32, #tpu.memory_space<hbm>>
      %dma_start3A_132 = tpu.memref_slice %arg3[%arg0, %add3A_125] : memref<2x10240xf32, #tpu.memory_space<hbm>> -> memref<1x128xf32, #tpu.memory_space<hbm>>
      %dma_start3A_133 = tpu.memref_squeeze %dma_start3A_132 : memref<1x128xf32, #tpu.memory_space<hbm>> -> memref<128xf32, #tpu.memory_space<hbm>>
      tpu.enqueue_dma source(%arg7 : memref<128xf32, #tpu.memory_space<vmem>>) target(%dma_start3A_133 : memref<128xf32, #tpu.memory_space<hbm>>) target_semaphore(%run_scoped3A : memref<!tpu.dma_semaphore, #tpu.memory_space<semaphore_mem>>)
      %dma_wait3A = tpu.memref_slice %arg3[%arg0, %add3A_125] : memref<2x10240xf32, #tpu.memory_space<hbm>> -> memref<1x128xf32, #tpu.memory_space<hbm>>
      %dma_wait3A_134 = tpu.memref_squeeze %dma_wait3A : memref<1x128xf32, #tpu.memory_space<hbm>> -> memref<128xf32, #tpu.memory_space<hbm>>
      %dma_wait3A_135 = tpu.memref_slice %arg3[%arg0, %add3A_125] : memref<2x10240xf32, #tpu.memory_space<hbm>> -> memref<1x128xf32, #tpu.memory_space<hbm>>
      %dma_wait3A_136 = tpu.memref_squeeze %dma_wait3A_135 : memref<1x128xf32, #tpu.memory_space<hbm>> -> memref<128xf32, #tpu.memory_space<hbm>>
      tpu.wait_dma2 semaphore(%run_scoped3A : memref<!tpu.dma_semaphore, #tpu.memory_space<semaphore_mem>>) src(%arg7 : memref<128xf32, #tpu.memory_space<vmem>>) dst(%dma_wait3A_136 : memref<128xf32, #tpu.memory_space<hbm>>)
      tpu.yield
    }) : () -> ()
    %mul3A_126 = arith.constant 640 : i32
    %mul3A_127 = arith.muli %arg1, %mul3A_126 : i32
    %add3A_128 = arith.constant 512 : i32
    %add3A_129 = arith.addi %mul3A_127, %add3A_128 : i32
    "tpu.region"() ({
      %run_scoped3A = tpu.sem_alloc : memref<!tpu.dma_semaphore, #tpu.memory_space<semaphore_mem>>
      %dma_start3A_130 = tpu.memref_slice %arg4[%add3A_129] : memref<10240xf32, #tpu.memory_space<vmem_shared>> -> memref<128xf32, #tpu.memory_space<vmem_shared>>
      %dma_start3A_131 = tpu.memref_slice %arg4[%add3A_129] : memref<10240xf32, #tpu.memory_space<vmem_shared>> -> memref<128xf32, #tpu.memory_space<vmem_shared>>
      tpu.enqueue_dma source(%dma_start3A_131 : memref<128xf32, #tpu.memory_space<vmem_shared>>) target(%arg7 : memref<128xf32, #tpu.memory_space<vmem>>) target_semaphore(%run_scoped3A : memref<!tpu.dma_semaphore, #tpu.memory_space<semaphore_mem>>)
      %dma_wait3A = tpu.memref_slice %arg4[%add3A_129] : memref<10240xf32, #tpu.memory_space<vmem_shared>> -> memref<128xf32, #tpu.memory_space<vmem_shared>>
      %dma_wait3A_132 = tpu.memref_slice %arg4[%add3A_129] : memref<10240xf32, #tpu.memory_space<vmem_shared>> -> memref<128xf32, #tpu.memory_space<vmem_shared>>
      tpu.wait_dma2 semaphore(%run_scoped3A : memref<!tpu.dma_semaphore, #tpu.memory_space<semaphore_mem>>) src(%dma_wait3A_132 : memref<128xf32, #tpu.memory_space<vmem_shared>>) dst(%arg7 : memref<128xf32, #tpu.memory_space<vmem>>)
      tpu.yield
    }) : () -> ()
    "tpu.region"() ({
      %run_scoped3A = tpu.sem_alloc : memref<!tpu.dma_semaphore, #tpu.memory_space<semaphore_mem>>
      %dma_start3A_130 = tpu.memref_slice %arg3[%arg0, %add3A_129] : memref<2x10240xf32, #tpu.memory_space<hbm>> -> memref<1x128xf32, #tpu.memory_space<hbm>>
      %dma_start3A_131 = tpu.memref_squeeze %dma_start3A_130 : memref<1x128xf32, #tpu.memory_space<hbm>> -> memref<128xf32, #tpu.memory_space<hbm>>
      %dma_start3A_132 = tpu.memref_slice %arg3[%arg0, %add3A_129] : memref<2x10240xf32, #tpu.memory_space<hbm>> -> memref<1x128xf32, #tpu.memory_space<hbm>>
      %dma_start3A_133 = tpu.memref_squeeze %dma_start3A_132 : memref<1x128xf32, #tpu.memory_space<hbm>> -> memref<128xf32, #tpu.memory_space<hbm>>
      tpu.enqueue_dma source(%arg7 : memref<128xf32, #tpu.memory_space<vmem>>) target(%dma_start3A_133 : memref<128xf32, #tpu.memory_space<hbm>>) target_semaphore(%run_scoped3A : memref<!tpu.dma_semaphore, #tpu.memory_space<semaphore_mem>>)
      %dma_wait3A = tpu.memref_slice %arg3[%arg0, %add3A_129] : memref<2x10240xf32, #tpu.memory_space<hbm>> -> memref<1x128xf32, #tpu.memory_space<hbm>>
      %dma_wait3A_134 = tpu.memref_squeeze %dma_wait3A : memref<1x128xf32, #tpu.memory_space<hbm>> -> memref<128xf32, #tpu.memory_space<hbm>>
      %dma_wait3A_135 = tpu.memref_slice %arg3[%arg0, %add3A_129] : memref<2x10240xf32, #tpu.memory_space<hbm>> -> memref<1x128xf32, #tpu.memory_space<hbm>>
      %dma_wait3A_136 = tpu.memref_squeeze %dma_wait3A_135 : memref<1x128xf32, #tpu.memory_space<hbm>> -> memref<128xf32, #tpu.memory_space<hbm>>
      tpu.wait_dma2 semaphore(%run_scoped3A : memref<!tpu.dma_semaphore, #tpu.memory_space<semaphore_mem>>) src(%arg7 : memref<128xf32, #tpu.memory_space<vmem>>) dst(%dma_wait3A_136 : memref<128xf32, #tpu.memory_space<hbm>>)
      tpu.yield
    }) : () -> ()
    return
  }
}

#map = affine_map<(d0, d1) -> (0, 0)>
#map1 = affine_map<(d0, d1) -> (0, 0, 0, 0)>
#map2 = affine_map<(d0, d1) -> (0, 0, 0)>
module attributes {stable_mosaic.version = 14 : i64} {
  func.func @_agg_body(%arg0: i32, %arg1: i32, %arg2: memref<10000x128xf32, #tpu.memory_space<hbm>>, %arg3: memref<32x80x2x128xi32, #tpu.memory_space<hbm>>, %arg4: memref<2x10240x128xf32, #tpu.memory_space<hbm>>, %arg5: memref<10240x128xf32, #tpu.memory_space<vmem_shared>>, %arg6: memref<2x128xi32, #tpu.memory_space<vmem>>, %arg7: memref<2x128xi32, #tpu.memory_space<vmem>>, %arg8: memref<128x128xf32, #tpu.memory_space<vmem>>, %arg9: memref<128x128xf32, #tpu.memory_space<vmem>>, %arg10: memref<!tpu.dma_semaphore, #tpu.memory_space<semaphore_mem>>, %arg11: memref<!tpu.dma_semaphore, #tpu.memory_space<semaphore_mem>>, %arg12: memref<!tpu.dma_semaphore, #tpu.memory_space<semaphore_mem>>, %arg13: memref<!tpu.dma_semaphore, #tpu.memory_space<semaphore_mem>>) attributes {dimension_semantics = [#tpu.dimension_semantics<core_parallel>, #tpu.dimension_semantics<subcore_parallel>], iteration_bounds = array<i64: 2, 16>, scalar_prefetch = 0 : i64, scratch_operands = 9 : i64, tpu.core_type = #tpu.core_type<sc_vector_subcore>, window_params = [{transform_indices = #map}, {transform_indices = #map1}, {transform_indices = #map2}]} {
    %mul3A = arith.constant 16 : i32
    %mul3A_0 = arith.muli %arg0, %mul3A : i32
    %add3A = arith.addi %mul3A_0, %arg1 : i32
    %broadcast_in_dim3A = arith.constant 0.000000e+00 : f32
    %broadcast_in_dim3A_1 = vector.broadcast %broadcast_in_dim3A : f32 to vector<16xf32>
    %scan3A = arith.constant 0 : i32
    %scan3A_2 = arith.constant 0 : i32
    %scan3A_3 = arith.constant 128 : i32
    %scan3A_4 = arith.addi %scan3A_2, %scan3A_3 : i32
    %scan3A_5 = arith.constant 1 : i32
    %scan3A_6 = scf.for %scan3A_87 = %scan3A_2 to %scan3A_4 step %scan3A_5 iter_args(%scan3A_88 = %scan3A) -> (i32)  : i32 {
      %swap3A = arith.index_cast %scan3A_87 : i32 to index
      %swap3A_89 = arith.constant 0 : index
      %swap3A_90 = tpu.vector_load %arg8[%swap3A, %swap3A_89] {strides = array<i32>} : memref<128x128xf32, #tpu.memory_space<vmem>>, vector<1x16xf32>,
      %swap3A_91 = vector.shape_cast %swap3A_90 : vector<1x16xf32> to vector<16xf32>
      %swap3A_92 = vector.shape_cast %broadcast_in_dim3A_1 : vector<16xf32> to vector<1x16xf32>
      tpu.vector_store %arg8[%swap3A, %swap3A_89], %swap3A_92 {strides = array<i32>} : memref<128x128xf32, #tpu.memory_space<vmem>>, vector<1x16xf32>,
      %swap3A_93 = arith.index_cast %scan3A_87 : i32 to index
      %swap3A_94 = arith.constant 16 : index
      %swap3A_95 = tpu.vector_load %arg8[%swap3A_93, %swap3A_94] {strides = array<i32>} : memref<128x128xf32, #tpu.memory_space<vmem>>, vector<1x16xf32>,
      %swap3A_96 = vector.shape_cast %swap3A_95 : vector<1x16xf32> to vector<16xf32>
      %swap3A_97 = vector.shape_cast %broadcast_in_dim3A_1 : vector<16xf32> to vector<1x16xf32>
      tpu.vector_store %arg8[%swap3A_93, %swap3A_94], %swap3A_97 {strides = array<i32>} : memref<128x128xf32, #tpu.memory_space<vmem>>, vector<1x16xf32>,
      %swap3A_98 = arith.index_cast %scan3A_87 : i32 to index
      %swap3A_99 = arith.constant 32 : index
      %swap3A_100 = tpu.vector_load %arg8[%swap3A_98, %swap3A_99] {strides = array<i32>} : memref<128x128xf32, #tpu.memory_space<vmem>>, vector<1x16xf32>,
      %swap3A_101 = vector.shape_cast %swap3A_100 : vector<1x16xf32> to vector<16xf32>
      %swap3A_102 = vector.shape_cast %broadcast_in_dim3A_1 : vector<16xf32> to vector<1x16xf32>
      tpu.vector_store %arg8[%swap3A_98, %swap3A_99], %swap3A_102 {strides = array<i32>} : memref<128x128xf32, #tpu.memory_space<vmem>>, vector<1x16xf32>,
      %swap3A_103 = arith.index_cast %scan3A_87 : i32 to index
      %swap3A_104 = arith.constant 48 : index
      %swap3A_105 = tpu.vector_load %arg8[%swap3A_103, %swap3A_104] {strides = array<i32>} : memref<128x128xf32, #tpu.memory_space<vmem>>, vector<1x16xf32>,
      %swap3A_106 = vector.shape_cast %swap3A_105 : vector<1x16xf32> to vector<16xf32>
      %swap3A_107 = vector.shape_cast %broadcast_in_dim3A_1 : vector<16xf32> to vector<1x16xf32>
      tpu.vector_store %arg8[%swap3A_103, %swap3A_104], %swap3A_107 {strides = array<i32>} : memref<128x128xf32, #tpu.memory_space<vmem>>, vector<1x16xf32>,
      %swap3A_108 = arith.index_cast %scan3A_87 : i32 to index
      %swap3A_109 = arith.constant 64 : index
      %swap3A_110 = tpu.vector_load %arg8[%swap3A_108, %swap3A_109] {strides = array<i32>} : memref<128x128xf32, #tpu.memory_space<vmem>>, vector<1x16xf32>,
      %swap3A_111 = vector.shape_cast %swap3A_110 : vector<1x16xf32> to vector<16xf32>
      %swap3A_112 = vector.shape_cast %broadcast_in_dim3A_1 : vector<16xf32> to vector<1x16xf32>
      tpu.vector_store %arg8[%swap3A_108, %swap3A_109], %swap3A_112 {strides = array<i32>} : memref<128x128xf32, #tpu.memory_space<vmem>>, vector<1x16xf32>,
      %swap3A_113 = arith.index_cast %scan3A_87 : i32 to index
      %swap3A_114 = arith.constant 80 : index
      %swap3A_115 = tpu.vector_load %arg8[%swap3A_113, %swap3A_114] {strides = array<i32>} : memref<128x128xf32, #tpu.memory_space<vmem>>, vector<1x16xf32>,
      %swap3A_116 = vector.shape_cast %swap3A_115 : vector<1x16xf32> to vector<16xf32>
      %swap3A_117 = vector.shape_cast %broadcast_in_dim3A_1 : vector<16xf32> to vector<1x16xf32>
      tpu.vector_store %arg8[%swap3A_113, %swap3A_114], %swap3A_117 {strides = array<i32>} : memref<128x128xf32, #tpu.memory_space<vmem>>, vector<1x16xf32>,
      %swap3A_118 = arith.index_cast %scan3A_87 : i32 to index
      %swap3A_119 = arith.constant 96 : index
      %swap3A_120 = tpu.vector_load %arg8[%swap3A_118, %swap3A_119] {strides = array<i32>} : memref<128x128xf32, #tpu.memory_space<vmem>>, vector<1x16xf32>,
      %swap3A_121 = vector.shape_cast %swap3A_120 : vector<1x16xf32> to vector<16xf32>
      %swap3A_122 = vector.shape_cast %broadcast_in_dim3A_1 : vector<16xf32> to vector<1x16xf32>
      tpu.vector_store %arg8[%swap3A_118, %swap3A_119], %swap3A_122 {strides = array<i32>} : memref<128x128xf32, #tpu.memory_space<vmem>>, vector<1x16xf32>,
      %swap3A_123 = arith.index_cast %scan3A_87 : i32 to index
      %swap3A_124 = arith.constant 112 : index
      %swap3A_125 = tpu.vector_load %arg8[%swap3A_123, %swap3A_124] {strides = array<i32>} : memref<128x128xf32, #tpu.memory_space<vmem>>, vector<1x16xf32>,
      %swap3A_126 = vector.shape_cast %swap3A_125 : vector<1x16xf32> to vector<16xf32>
      %swap3A_127 = vector.shape_cast %broadcast_in_dim3A_1 : vector<16xf32> to vector<1x16xf32>
      tpu.vector_store %arg8[%swap3A_123, %swap3A_124], %swap3A_127 {strides = array<i32>} : memref<128x128xf32, #tpu.memory_space<vmem>>, vector<1x16xf32>,
      %scan3A_128 = arith.constant 0 : i32
      scf.yield %scan3A_128 : i32
    }
    %scan3A_7 = arith.constant 128 : i32
    %mul3A_8 = arith.constant 640 : i32
    %mul3A_9 = arith.muli %arg1, %mul3A_8 : i32
    %add3A_10 = arith.constant 0 : i32
    %add3A_11 = arith.addi %mul3A_9, %add3A_10 : i32
    "tpu.region"() ({
      %run_scoped3A = tpu.sem_alloc : memref<!tpu.dma_semaphore, #tpu.memory_space<semaphore_mem>>
      %dma_start3A_87 = arith.constant 0 : i32
      %dma_start3A_88 = tpu.memref_slice %arg5[%add3A_11, %dma_start3A_87] : memref<10240x128xf32, #tpu.memory_space<vmem_shared>> -> memref<128x128xf32, #tpu.memory_space<vmem_shared>>
      %dma_start3A_89 = arith.constant 0 : i32
      %dma_start3A_90 = tpu.memref_slice %arg5[%add3A_11, %dma_start3A_89] : memref<10240x128xf32, #tpu.memory_space<vmem_shared>> -> memref<128x128xf32, #tpu.memory_space<vmem_shared>>
      tpu.enqueue_dma source(%arg8 : memref<128x128xf32, #tpu.memory_space<vmem>>) target(%dma_start3A_90 : memref<128x128xf32, #tpu.memory_space<vmem_shared>>) target_semaphore(%run_scoped3A : memref<!tpu.dma_semaphore, #tpu.memory_space<semaphore_mem>>)
      %dma_wait3A_91 = arith.constant 0 : i32
      %dma_wait3A_92 = tpu.memref_slice %arg5[%add3A_11, %dma_wait3A_91] : memref<10240x128xf32, #tpu.memory_space<vmem_shared>> -> memref<128x128xf32, #tpu.memory_space<vmem_shared>>
      %dma_wait3A_93 = arith.constant 0 : i32
      %dma_wait3A_94 = tpu.memref_slice %arg5[%add3A_11, %dma_wait3A_93] : memref<10240x128xf32, #tpu.memory_space<vmem_shared>> -> memref<128x128xf32, #tpu.memory_space<vmem_shared>>
      tpu.wait_dma2 semaphore(%run_scoped3A : memref<!tpu.dma_semaphore, #tpu.memory_space<semaphore_mem>>) src(%arg8 : memref<128x128xf32, #tpu.memory_space<vmem>>) dst(%dma_wait3A_94 : memref<128x128xf32, #tpu.memory_space<vmem_shared>>)
      tpu.yield
    }) : () -> ()
    %mul3A_12 = arith.constant 640 : i32
    %mul3A_13 = arith.muli %arg1, %mul3A_12 : i32
    %add3A_14 = arith.constant 128 : i32
    %add3A_15 = arith.addi %mul3A_13, %add3A_14 : i32
    "tpu.region"() ({
      %run_scoped3A = tpu.sem_alloc : memref<!tpu.dma_semaphore, #tpu.memory_space<semaphore_mem>>
      %dma_start3A_87 = arith.constant 0 : i32
      %dma_start3A_88 = tpu.memref_slice %arg5[%add3A_15, %dma_start3A_87] : memref<10240x128xf32, #tpu.memory_space<vmem_shared>> -> memref<128x128xf32, #tpu.memory_space<vmem_shared>>
      %dma_start3A_89 = arith.constant 0 : i32
      %dma_start3A_90 = tpu.memref_slice %arg5[%add3A_15, %dma_start3A_89] : memref<10240x128xf32, #tpu.memory_space<vmem_shared>> -> memref<128x128xf32, #tpu.memory_space<vmem_shared>>
      tpu.enqueue_dma source(%arg8 : memref<128x128xf32, #tpu.memory_space<vmem>>) target(%dma_start3A_90 : memref<128x128xf32, #tpu.memory_space<vmem_shared>>) target_semaphore(%run_scoped3A : memref<!tpu.dma_semaphore, #tpu.memory_space<semaphore_mem>>)
      %dma_wait3A_91 = arith.constant 0 : i32
      %dma_wait3A_92 = tpu.memref_slice %arg5[%add3A_15, %dma_wait3A_91] : memref<10240x128xf32, #tpu.memory_space<vmem_shared>> -> memref<128x128xf32, #tpu.memory_space<vmem_shared>>
      %dma_wait3A_93 = arith.constant 0 : i32
      %dma_wait3A_94 = tpu.memref_slice %arg5[%add3A_15, %dma_wait3A_93] : memref<10240x128xf32, #tpu.memory_space<vmem_shared>> -> memref<128x128xf32, #tpu.memory_space<vmem_shared>>
      tpu.wait_dma2 semaphore(%run_scoped3A : memref<!tpu.dma_semaphore, #tpu.memory_space<semaphore_mem>>) src(%arg8 : memref<128x128xf32, #tpu.memory_space<vmem>>) dst(%dma_wait3A_94 : memref<128x128xf32, #tpu.memory_space<vmem_shared>>)
      tpu.yield
    }) : () -> ()
    %mul3A_16 = arith.constant 640 : i32
    %mul3A_17 = arith.muli %arg1, %mul3A_16 : i32
    %add3A_18 = arith.constant 256 : i32
    %add3A_19 = arith.addi %mul3A_17, %add3A_18 : i32
    "tpu.region"() ({
      %run_scoped3A = tpu.sem_alloc : memref<!tpu.dma_semaphore, #tpu.memory_space<semaphore_mem>>
      %dma_start3A_87 = arith.constant 0 : i32
      %dma_start3A_88 = tpu.memref_slice %arg5[%add3A_19, %dma_start3A_87] : memref<10240x128xf32, #tpu.memory_space<vmem_shared>> -> memref<128x128xf32, #tpu.memory_space<vmem_shared>>
      %dma_start3A_89 = arith.constant 0 : i32
      %dma_start3A_90 = tpu.memref_slice %arg5[%add3A_19, %dma_start3A_89] : memref<10240x128xf32, #tpu.memory_space<vmem_shared>> -> memref<128x128xf32, #tpu.memory_space<vmem_shared>>
      tpu.enqueue_dma source(%arg8 : memref<128x128xf32, #tpu.memory_space<vmem>>) target(%dma_start3A_90 : memref<128x128xf32, #tpu.memory_space<vmem_shared>>) target_semaphore(%run_scoped3A : memref<!tpu.dma_semaphore, #tpu.memory_space<semaphore_mem>>)
      %dma_wait3A_91 = arith.constant 0 : i32
      %dma_wait3A_92 = tpu.memref_slice %arg5[%add3A_19, %dma_wait3A_91] : memref<10240x128xf32, #tpu.memory_space<vmem_shared>> -> memref<128x128xf32, #tpu.memory_space<vmem_shared>>
      %dma_wait3A_93 = arith.constant 0 : i32
      %dma_wait3A_94 = tpu.memref_slice %arg5[%add3A_19, %dma_wait3A_93] : memref<10240x128xf32, #tpu.memory_space<vmem_shared>> -> memref<128x128xf32, #tpu.memory_space<vmem_shared>>
      tpu.wait_dma2 semaphore(%run_scoped3A : memref<!tpu.dma_semaphore, #tpu.memory_space<semaphore_mem>>) src(%arg8 : memref<128x128xf32, #tpu.memory_space<vmem>>) dst(%dma_wait3A_94 : memref<128x128xf32, #tpu.memory_space<vmem_shared>>)
      tpu.yield
    }) : () -> ()
    %mul3A_20 = arith.constant 640 : i32
    %mul3A_21 = arith.muli %arg1, %mul3A_20 : i32
    %add3A_22 = arith.constant 384 : i32
    %add3A_23 = arith.addi %mul3A_21, %add3A_22 : i32
    "tpu.region"() ({
      %run_scoped3A = tpu.sem_alloc : memref<!tpu.dma_semaphore, #tpu.memory_space<semaphore_mem>>
      %dma_start3A_87 = arith.constant 0 : i32
      %dma_start3A_88 = tpu.memref_slice %arg5[%add3A_23, %dma_start3A_87] : memref<10240x128xf32, #tpu.memory_space<vmem_shared>> -> memref<128x128xf32, #tpu.memory_space<vmem_shared>>
      %dma_start3A_89 = arith.constant 0 : i32
      %dma_start3A_90 = tpu.memref_slice %arg5[%add3A_23, %dma_start3A_89] : memref<10240x128xf32, #tpu.memory_space<vmem_shared>> -> memref<128x128xf32, #tpu.memory_space<vmem_shared>>
      tpu.enqueue_dma source(%arg8 : memref<128x128xf32, #tpu.memory_space<vmem>>) target(%dma_start3A_90 : memref<128x128xf32, #tpu.memory_space<vmem_shared>>) target_semaphore(%run_scoped3A : memref<!tpu.dma_semaphore, #tpu.memory_space<semaphore_mem>>)
      %dma_wait3A_91 = arith.constant 0 : i32
      %dma_wait3A_92 = tpu.memref_slice %arg5[%add3A_23, %dma_wait3A_91] : memref<10240x128xf32, #tpu.memory_space<vmem_shared>> -> memref<128x128xf32, #tpu.memory_space<vmem_shared>>
      %dma_wait3A_93 = arith.constant 0 : i32
      %dma_wait3A_94 = tpu.memref_slice %arg5[%add3A_23, %dma_wait3A_93] : memref<10240x128xf32, #tpu.memory_space<vmem_shared>> -> memref<128x128xf32, #tpu.memory_space<vmem_shared>>
      tpu.wait_dma2 semaphore(%run_scoped3A : memref<!tpu.dma_semaphore, #tpu.memory_space<semaphore_mem>>) src(%arg8 : memref<128x128xf32, #tpu.memory_space<vmem>>) dst(%dma_wait3A_94 : memref<128x128xf32, #tpu.memory_space<vmem_shared>>)
      tpu.yield
    }) : () -> ()
    %mul3A_24 = arith.constant 640 : i32
    %mul3A_25 = arith.muli %arg1, %mul3A_24 : i32
    %add3A_26 = arith.constant 512 : i32
    %add3A_27 = arith.addi %mul3A_25, %add3A_26 : i32
    "tpu.region"() ({
      %run_scoped3A = tpu.sem_alloc : memref<!tpu.dma_semaphore, #tpu.memory_space<semaphore_mem>>
      %dma_start3A_87 = arith.constant 0 : i32
      %dma_start3A_88 = tpu.memref_slice %arg5[%add3A_27, %dma_start3A_87] : memref<10240x128xf32, #tpu.memory_space<vmem_shared>> -> memref<128x128xf32, #tpu.memory_space<vmem_shared>>
      %dma_start3A_89 = arith.constant 0 : i32
      %dma_start3A_90 = tpu.memref_slice %arg5[%add3A_27, %dma_start3A_89] : memref<10240x128xf32, #tpu.memory_space<vmem_shared>> -> memref<128x128xf32, #tpu.memory_space<vmem_shared>>
      tpu.enqueue_dma source(%arg8 : memref<128x128xf32, #tpu.memory_space<vmem>>) target(%dma_start3A_90 : memref<128x128xf32, #tpu.memory_space<vmem_shared>>) target_semaphore(%run_scoped3A : memref<!tpu.dma_semaphore, #tpu.memory_space<semaphore_mem>>)
      %dma_wait3A_91 = arith.constant 0 : i32
      %dma_wait3A_92 = tpu.memref_slice %arg5[%add3A_27, %dma_wait3A_91] : memref<10240x128xf32, #tpu.memory_space<vmem_shared>> -> memref<128x128xf32, #tpu.memory_space<vmem_shared>>
      %dma_wait3A_93 = arith.constant 0 : i32
      %dma_wait3A_94 = tpu.memref_slice %arg5[%add3A_27, %dma_wait3A_93] : memref<10240x128xf32, #tpu.memory_space<vmem_shared>> -> memref<128x128xf32, #tpu.memory_space<vmem_shared>>
      tpu.wait_dma2 semaphore(%run_scoped3A : memref<!tpu.dma_semaphore, #tpu.memory_space<semaphore_mem>>) src(%arg8 : memref<128x128xf32, #tpu.memory_space<vmem>>) dst(%dma_wait3A_94 : memref<128x128xf32, #tpu.memory_space<vmem_shared>>)
      tpu.yield
    }) : () -> ()
    %barrier3A = arith.constant 0 : index
    tpu.barrier barrier_id(%barrier3A)
    %dma_start3A = arith.constant 0 : i32
    %dma_start3A_28 = arith.constant 0 : i32
    %dma_start3A_29 = arith.constant 0 : i32
    %dma_start3A_30 = tpu.memref_slice %arg3[%add3A, %dma_start3A, %dma_start3A_28, %dma_start3A_29] : memref<32x80x2x128xi32, #tpu.memory_space<hbm>> -> memref<1x1x2x128xi32, #tpu.memory_space<hbm>>
    %dma_start3A_31 = tpu.memref_squeeze %dma_start3A_30 : memref<1x1x2x128xi32, #tpu.memory_space<hbm>> -> memref<2x128xi32, #tpu.memory_space<hbm>>
    %dma_start3A_32 = arith.constant 0 : i32
    %dma_start3A_33 = arith.constant 0 : i32
    %dma_start3A_34 = tpu.memref_slice %arg3[%add3A, %dma_start3A, %dma_start3A_32, %dma_start3A_33] : memref<32x80x2x128xi32, #tpu.memory_space<hbm>> -> memref<1x1x2x128xi32, #tpu.memory_space<hbm>>
    %dma_start3A_35 = tpu.memref_squeeze %dma_start3A_34 : memref<1x1x2x128xi32, #tpu.memory_space<hbm>> -> memref<2x128xi32, #tpu.memory_space<hbm>>
    tpu.enqueue_dma source(%dma_start3A_35 : memref<2x128xi32, #tpu.memory_space<hbm>>) target(%arg6 : memref<2x128xi32, #tpu.memory_space<vmem>>) target_semaphore(%arg10 : memref<!tpu.dma_semaphore, #tpu.memory_space<semaphore_mem>>)
    %dma_start3A_36 = arith.constant 1 : i32
    %dma_start3A_37 = arith.constant 0 : i32
    %dma_start3A_38 = arith.constant 0 : i32
    %dma_start3A_39 = tpu.memref_slice %arg3[%add3A, %dma_start3A_36, %dma_start3A_37, %dma_start3A_38] : memref<32x80x2x128xi32, #tpu.memory_space<hbm>> -> memref<1x1x2x128xi32, #tpu.memory_space<hbm>>
    %dma_start3A_40 = tpu.memref_squeeze %dma_start3A_39 : memref<1x1x2x128xi32, #tpu.memory_space<hbm>> -> memref<2x128xi32, #tpu.memory_space<hbm>>
    %dma_start3A_41 = arith.constant 0 : i32
    %dma_start3A_42 = arith.constant 0 : i32
    %dma_start3A_43 = tpu.memref_slice %arg3[%add3A, %dma_start3A_36, %dma_start3A_41, %dma_start3A_42] : memref<32x80x2x128xi32, #tpu.memory_space<hbm>> -> memref<1x1x2x128xi32, #tpu.memory_space<hbm>>
    %dma_start3A_44 = tpu.memref_squeeze %dma_start3A_43 : memref<1x1x2x128xi32, #tpu.memory_space<hbm>> -> memref<2x128xi32, #tpu.memory_space<hbm>>
    tpu.enqueue_dma source(%dma_start3A_44 : memref<2x128xi32, #tpu.memory_space<hbm>>) target(%arg7 : memref<2x128xi32, #tpu.memory_space<vmem>>) target_semaphore(%arg11 : memref<!tpu.dma_semaphore, #tpu.memory_space<semaphore_mem>>)
    %dma_wait3A = arith.constant 0 : i32
    %dma_wait3A_45 = arith.constant 0 : i32
    %dma_wait3A_46 = arith.constant 0 : i32
    %dma_wait3A_47 = tpu.memref_slice %arg3[%add3A, %dma_wait3A, %dma_wait3A_45, %dma_wait3A_46] : memref<32x80x2x128xi32, #tpu.memory_space<hbm>> -> memref<1x1x2x128xi32, #tpu.memory_space<hbm>>
    %dma_wait3A_48 = tpu.memref_squeeze %dma_wait3A_47 : memref<1x1x2x128xi32, #tpu.memory_space<hbm>> -> memref<2x128xi32, #tpu.memory_space<hbm>>
    %dma_wait3A_49 = arith.constant 0 : i32
    %dma_wait3A_50 = arith.constant 0 : i32
    %dma_wait3A_51 = tpu.memref_slice %arg3[%add3A, %dma_wait3A, %dma_wait3A_49, %dma_wait3A_50] : memref<32x80x2x128xi32, #tpu.memory_space<hbm>> -> memref<1x1x2x128xi32, #tpu.memory_space<hbm>>
    %dma_wait3A_52 = tpu.memref_squeeze %dma_wait3A_51 : memref<1x1x2x128xi32, #tpu.memory_space<hbm>> -> memref<2x128xi32, #tpu.memory_space<hbm>>
    tpu.wait_dma2 semaphore(%arg10 : memref<!tpu.dma_semaphore, #tpu.memory_space<semaphore_mem>>) src(%dma_wait3A_52 : memref<2x128xi32, #tpu.memory_space<hbm>>) dst(%arg6 : memref<2x128xi32, #tpu.memory_space<vmem>>)
    %dma_start3A_53 = arith.constant 0 : i32
    %dma_start3A_54 = arith.constant 0 : i32
    %dma_start3A_55 = tpu.memref_slice %arg6[%dma_start3A_53, %dma_start3A_54] : memref<2x128xi32, #tpu.memory_space<vmem>> -> memref<1x128xi32, #tpu.memory_space<vmem>>
    %dma_start3A_56 = tpu.memref_squeeze %dma_start3A_55 : memref<1x128xi32, #tpu.memory_space<vmem>> -> memref<128xi32, #tpu.memory_space<vmem>>
    %dma_start3A_57 = arith.constant 0 : i32
    %dma_start3A_58 = arith.constant 0 : i32
    %dma_start3A_59 = tpu.memref_slice %arg2[%dma_start3A_57, %dma_start3A_58] : memref<10000x128xf32, #tpu.memory_space<hbm>> -> memref<10000x128xf32, #tpu.memory_space<hbm>>
    tpu.enqueue_indirect_dma source(%dma_start3A_59 : memref<10000x128xf32, #tpu.memory_space<hbm>>) target(%arg8 : memref<128x128xf32, #tpu.memory_space<vmem>>) offsets(%dma_start3A_56 : memref<128xi32, #tpu.memory_space<vmem>>) semaphore(%arg12 : memref<!tpu.dma_semaphore, #tpu.memory_space<semaphore_mem>>)
    %scan3A_60 = arith.constant 0 : i32
    %scan3A_61 = arith.constant 0 : i32
    %scan3A_62 = arith.constant 40 : i32
    %scan3A_63 = arith.addi %scan3A_61, %scan3A_62 : i32
    %scan3A_64 = arith.constant 1 : i32
    scf.for %scan3A_87 = %scan3A_61 to %scan3A_63 step %scan3A_64  : i32 {
      %mul3A_88 = arith.constant 2 : i32
      %mul3A_89 = arith.muli %mul3A_88, %scan3A_87 : i32
      %dma_wait3A_90 = arith.constant 0 : i32
      %dma_wait3A_91 = arith.constant 0 : i32
      %dma_wait3A_92 = tpu.memref_slice %arg6[%dma_wait3A_90, %dma_wait3A_91] : memref<2x128xi32, #tpu.memory_space<vmem>> -> memref<1x128xi32, #tpu.memory_space<vmem>>
      %dma_wait3A_93 = tpu.memref_squeeze %dma_wait3A_92 : memref<1x128xi32, #tpu.memory_space<vmem>> -> memref<128xi32, #tpu.memory_space<vmem>>
      %dma_wait3A_94 = arith.constant 0 : i32
      %dma_wait3A_95 = arith.constant 0 : i32
      %dma_wait3A_96 = tpu.memref_slice %arg2[%dma_wait3A_94, %dma_wait3A_95] : memref<10000x128xf32, #tpu.memory_space<hbm>> -> memref<10000x128xf32, #tpu.memory_space<hbm>>
      tpu.wait_indirect_dma semaphore(%arg12 : memref<!tpu.dma_semaphore, #tpu.memory_space<semaphore_mem>>) src(%dma_wait3A_96 : memref<10000x128xf32, #tpu.memory_space<hbm>>) dst(%arg8 : memref<128x128xf32, #tpu.memory_space<vmem>>)
      %lt3A = arith.constant 79 : i32
      %lt3A_97 = arith.cmpi slt, %mul3A_89, %lt3A : i32
      %convert_element_type3A = arith.extui %lt3A_97 : i1 to i32
      %cond3A = arith.constant 0 : i32
      %cond3A_98 = arith.cmpi ne, %convert_element_type3A, %cond3A : i32
      scf.if %cond3A_98 {
        %add3A_126 = arith.constant 1 : i32
        %add3A_127 = arith.addi %mul3A_89, %add3A_126 : i32
        %dma_wait3A_128 = arith.constant 0 : i32
        %dma_wait3A_129 = arith.constant 0 : i32
        %dma_wait3A_130 = tpu.memref_slice %arg3[%add3A, %add3A_127, %dma_wait3A_128, %dma_wait3A_129] : memref<32x80x2x128xi32, #tpu.memory_space<hbm>> -> memref<1x1x2x128xi32, #tpu.memory_space<hbm>>
        %dma_wait3A_131 = tpu.memref_squeeze %dma_wait3A_130 : memref<1x1x2x128xi32, #tpu.memory_space<hbm>> -> memref<2x128xi32, #tpu.memory_space<hbm>>
        %dma_wait3A_132 = arith.constant 0 : i32
        %dma_wait3A_133 = arith.constant 0 : i32
        %dma_wait3A_134 = tpu.memref_slice %arg3[%add3A, %add3A_127, %dma_wait3A_132, %dma_wait3A_133] : memref<32x80x2x128xi32, #tpu.memory_space<hbm>> -> memref<1x1x2x128xi32, #tpu.memory_space<hbm>>
        %dma_wait3A_135 = tpu.memref_squeeze %dma_wait3A_134 : memref<1x1x2x128xi32, #tpu.memory_space<hbm>> -> memref<2x128xi32, #tpu.memory_space<hbm>>
        tpu.wait_dma2 semaphore(%arg11 : memref<!tpu.dma_semaphore, #tpu.memory_space<semaphore_mem>>) src(%dma_wait3A_135 : memref<2x128xi32, #tpu.memory_space<hbm>>) dst(%arg7 : memref<2x128xi32, #tpu.memory_space<vmem>>)
        %dma_start3A_136 = arith.constant 0 : i32
        %dma_start3A_137 = arith.constant 0 : i32
        %dma_start3A_138 = tpu.memref_slice %arg7[%dma_start3A_136, %dma_start3A_137] : memref<2x128xi32, #tpu.memory_space<vmem>> -> memref<1x128xi32, #tpu.memory_space<vmem>>
        %dma_start3A_139 = tpu.memref_squeeze %dma_start3A_138 : memref<1x128xi32, #tpu.memory_space<vmem>> -> memref<128xi32, #tpu.memory_space<vmem>>
        %dma_start3A_140 = arith.constant 0 : i32
        %dma_start3A_141 = arith.constant 0 : i32
        %dma_start3A_142 = tpu.memref_slice %arg2[%dma_start3A_140, %dma_start3A_141] : memref<10000x128xf32, #tpu.memory_space<hbm>> -> memref<10000x128xf32, #tpu.memory_space<hbm>>
        tpu.enqueue_indirect_dma source(%dma_start3A_142 : memref<10000x128xf32, #tpu.memory_space<hbm>>) target(%arg9 : memref<128x128xf32, #tpu.memory_space<vmem>>) offsets(%dma_start3A_139 : memref<128xi32, #tpu.memory_space<vmem>>) semaphore(%arg13 : memref<!tpu.dma_semaphore, #tpu.memory_space<semaphore_mem>>)
      } else {
      }
      %run_scoped3A = arith.constant 1 : i32
      "tpu.region"() ({
        %run_scoped3A_126 = tpu.sem_alloc : memref<!tpu.dma_semaphore, #tpu.memory_space<semaphore_mem>>
        %dma_start3A_127 = arith.constant 0 : i32
        %dma_start3A_128 = tpu.memref_slice %arg6[%run_scoped3A, %dma_start3A_127] : memref<2x128xi32, #tpu.memory_space<vmem>> -> memref<1x128xi32, #tpu.memory_space<vmem>>
        %dma_start3A_129 = tpu.memref_squeeze %dma_start3A_128 : memref<1x128xi32, #tpu.memory_space<vmem>> -> memref<128xi32, #tpu.memory_space<vmem>>
        %dma_start3A_130 = arith.constant 0 : i32
        %dma_start3A_131 = arith.constant 0 : i32
        %dma_start3A_132 = tpu.memref_slice %arg5[%dma_start3A_130, %dma_start3A_131] : memref<10240x128xf32, #tpu.memory_space<vmem_shared>> -> memref<10240x128xf32, #tpu.memory_space<vmem_shared>>
        tpu.enqueue_indirect_dma source(%arg8 : memref<128x128xf32, #tpu.memory_space<vmem>>) target(%dma_start3A_132 : memref<10240x128xf32, #tpu.memory_space<vmem_shared>>) offsets(%dma_start3A_129 : memref<128xi32, #tpu.memory_space<vmem>>) semaphore(%run_scoped3A_126 : memref<!tpu.dma_semaphore, #tpu.memory_space<semaphore_mem>>) {add = true}
        %dma_wait3A_133 = arith.constant 0 : i32
        %dma_wait3A_134 = tpu.memref_slice %arg6[%run_scoped3A, %dma_wait3A_133] : memref<2x128xi32, #tpu.memory_space<vmem>> -> memref<1x128xi32, #tpu.memory_space<vmem>>
        %dma_wait3A_135 = tpu.memref_squeeze %dma_wait3A_134 : memref<1x128xi32, #tpu.memory_space<vmem>> -> memref<128xi32, #tpu.memory_space<vmem>>
        %dma_wait3A_136 = arith.constant 0 : i32
        %dma_wait3A_137 = arith.constant 0 : i32
        %dma_wait3A_138 = tpu.memref_slice %arg5[%dma_wait3A_136, %dma_wait3A_137] : memref<10240x128xf32, #tpu.memory_space<vmem_shared>> -> memref<10240x128xf32, #tpu.memory_space<vmem_shared>>
        tpu.wait_indirect_dma semaphore(%run_scoped3A_126 : memref<!tpu.dma_semaphore, #tpu.memory_space<semaphore_mem>>) src(%arg8 : memref<128x128xf32, #tpu.memory_space<vmem>>) dst(%dma_wait3A_138 : memref<10240x128xf32, #tpu.memory_space<vmem_shared>>)
        tpu.yield
      }) : () -> ()
      %lt3A_99 = arith.constant 78 : i32
      %lt3A_100 = arith.cmpi slt, %mul3A_89, %lt3A_99 : i32
      %convert_element_type3A_101 = arith.extui %lt3A_100 : i1 to i32
      %cond3A_102 = arith.constant 0 : i32
      %cond3A_103 = arith.cmpi ne, %convert_element_type3A_101, %cond3A_102 : i32
      scf.if %cond3A_103 {
        %add3A_126 = arith.constant 2 : i32
        %add3A_127 = arith.addi %mul3A_89, %add3A_126 : i32
        %dma_start3A_128 = arith.constant 0 : i32
        %dma_start3A_129 = arith.constant 0 : i32
        %dma_start3A_130 = tpu.memref_slice %arg3[%add3A, %add3A_127, %dma_start3A_128, %dma_start3A_129] : memref<32x80x2x128xi32, #tpu.memory_space<hbm>> -> memref<1x1x2x128xi32, #tpu.memory_space<hbm>>
        %dma_start3A_131 = tpu.memref_squeeze %dma_start3A_130 : memref<1x1x2x128xi32, #tpu.memory_space<hbm>> -> memref<2x128xi32, #tpu.memory_space<hbm>>
        %dma_start3A_132 = arith.constant 0 : i32
        %dma_start3A_133 = arith.constant 0 : i32
        %dma_start3A_134 = tpu.memref_slice %arg3[%add3A, %add3A_127, %dma_start3A_132, %dma_start3A_133] : memref<32x80x2x128xi32, #tpu.memory_space<hbm>> -> memref<1x1x2x128xi32, #tpu.memory_space<hbm>>
        %dma_start3A_135 = tpu.memref_squeeze %dma_start3A_134 : memref<1x1x2x128xi32, #tpu.memory_space<hbm>> -> memref<2x128xi32, #tpu.memory_space<hbm>>
        tpu.enqueue_dma source(%dma_start3A_135 : memref<2x128xi32, #tpu.memory_space<hbm>>) target(%arg6 : memref<2x128xi32, #tpu.memory_space<vmem>>) target_semaphore(%arg10 : memref<!tpu.dma_semaphore, #tpu.memory_space<semaphore_mem>>)
      } else {
      }
      %mul3A_104 = arith.constant 2 : i32
      %mul3A_105 = arith.muli %mul3A_104, %scan3A_87 : i32
      %add3A_106 = arith.constant 1 : i32
      %add3A_107 = arith.addi %mul3A_105, %add3A_106 : i32
      %dma_wait3A_108 = arith.constant 0 : i32
      %dma_wait3A_109 = arith.constant 0 : i32
      %dma_wait3A_110 = tpu.memref_slice %arg7[%dma_wait3A_108, %dma_wait3A_109] : memref<2x128xi32, #tpu.memory_space<vmem>> -> memref<1x128xi32, #tpu.memory_space<vmem>>
      %dma_wait3A_111 = tpu.memref_squeeze %dma_wait3A_110 : memref<1x128xi32, #tpu.memory_space<vmem>> -> memref<128xi32, #tpu.memory_space<vmem>>
      %dma_wait3A_112 = arith.constant 0 : i32
      %dma_wait3A_113 = arith.constant 0 : i32
      %dma_wait3A_114 = tpu.memref_slice %arg2[%dma_wait3A_112, %dma_wait3A_113] : memref<10000x128xf32, #tpu.memory_space<hbm>> -> memref<10000x128xf32, #tpu.memory_space<hbm>>
      tpu.wait_indirect_dma semaphore(%arg13 : memref<!tpu.dma_semaphore, #tpu.memory_space<semaphore_mem>>) src(%dma_wait3A_114 : memref<10000x128xf32, #tpu.memory_space<hbm>>) dst(%arg9 : memref<128x128xf32, #tpu.memory_space<vmem>>)
      %lt3A_115 = arith.constant 79 : i32
      %lt3A_116 = arith.cmpi slt, %add3A_107, %lt3A_115 : i32
      %convert_element_type3A_117 = arith.extui %lt3A_116 : i1 to i32
      %cond3A_118 = arith.constant 0 : i32
      %cond3A_119 = arith.cmpi ne, %convert_element_type3A_117, %cond3A_118 : i32
      scf.if %cond3A_119 {
        %add3A_126 = arith.constant 1 : i32
        %add3A_127 = arith.addi %add3A_107, %add3A_126 : i32
        %dma_wait3A_128 = arith.constant 0 : i32
        %dma_wait3A_129 = arith.constant 0 : i32
        %dma_wait3A_130 = tpu.memref_slice %arg3[%add3A, %add3A_127, %dma_wait3A_128, %dma_wait3A_129] : memref<32x80x2x128xi32, #tpu.memory_space<hbm>> -> memref<1x1x2x128xi32, #tpu.memory_space<hbm>>
        %dma_wait3A_131 = tpu.memref_squeeze %dma_wait3A_130 : memref<1x1x2x128xi32, #tpu.memory_space<hbm>> -> memref<2x128xi32, #tpu.memory_space<hbm>>
        %dma_wait3A_132 = arith.constant 0 : i32
        %dma_wait3A_133 = arith.constant 0 : i32
        %dma_wait3A_134 = tpu.memref_slice %arg3[%add3A, %add3A_127, %dma_wait3A_132, %dma_wait3A_133] : memref<32x80x2x128xi32, #tpu.memory_space<hbm>> -> memref<1x1x2x128xi32, #tpu.memory_space<hbm>>
        %dma_wait3A_135 = tpu.memref_squeeze %dma_wait3A_134 : memref<1x1x2x128xi32, #tpu.memory_space<hbm>> -> memref<2x128xi32, #tpu.memory_space<hbm>>
        tpu.wait_dma2 semaphore(%arg10 : memref<!tpu.dma_semaphore, #tpu.memory_space<semaphore_mem>>) src(%dma_wait3A_135 : memref<2x128xi32, #tpu.memory_space<hbm>>) dst(%arg6 : memref<2x128xi32, #tpu.memory_space<vmem>>)
        %dma_start3A_136 = arith.constant 0 : i32
        %dma_start3A_137 = arith.constant 0 : i32
        %dma_start3A_138 = tpu.memref_slice %arg6[%dma_start3A_136, %dma_start3A_137] : memref<2x128xi32, #tpu.memory_space<vmem>> -> memref<1x128xi32, #tpu.memory_space<vmem>>
        %dma_start3A_139 = tpu.memref_squeeze %dma_start3A_138 : memref<1x128xi32, #tpu.memory_space<vmem>> -> memref<128xi32, #tpu.memory_space<vmem>>
        %dma_start3A_140 = arith.constant 0 : i32
        %dma_start3A_141 = arith.constant 0 : i32
        %dma_start3A_142 = tpu.memref_slice %arg2[%dma_start3A_140, %dma_start3A_141] : memref<10000x128xf32, #tpu.memory_space<hbm>> -> memref<10000x128xf32, #tpu.memory_space<hbm>>
        tpu.enqueue_indirect_dma source(%dma_start3A_142 : memref<10000x128xf32, #tpu.memory_space<hbm>>) target(%arg8 : memref<128x128xf32, #tpu.memory_space<vmem>>) offsets(%dma_start3A_139 : memref<128xi32, #tpu.memory_space<vmem>>) semaphore(%arg12 : memref<!tpu.dma_semaphore, #tpu.memory_space<semaphore_mem>>)
      } else {
      }
      %run_scoped3A_120 = arith.constant 1 : i32
      "tpu.region"() ({
        %run_scoped3A_126 = tpu.sem_alloc : memref<!tpu.dma_semaphore, #tpu.memory_space<semaphore_mem>>
        %dma_start3A_127 = arith.constant 0 : i32
        %dma_start3A_128 = tpu.memref_slice %arg7[%run_scoped3A_120, %dma_start3A_127] : memref<2x128xi32, #tpu.memory_space<vmem>> -> memref<1x128xi32, #tpu.memory_space<vmem>>
        %dma_start3A_129 = tpu.memref_squeeze %dma_start3A_128 : memref<1x128xi32, #tpu.memory_space<vmem>> -> memref<128xi32, #tpu.memory_space<vmem>>
        %dma_start3A_130 = arith.constant 0 : i32
        %dma_start3A_131 = arith.constant 0 : i32
        %dma_start3A_132 = tpu.memref_slice %arg5[%dma_start3A_130, %dma_start3A_131] : memref<10240x128xf32, #tpu.memory_space<vmem_shared>> -> memref<10240x128xf32, #tpu.memory_space<vmem_shared>>
        tpu.enqueue_indirect_dma source(%arg9 : memref<128x128xf32, #tpu.memory_space<vmem>>) target(%dma_start3A_132 : memref<10240x128xf32, #tpu.memory_space<vmem_shared>>) offsets(%dma_start3A_129 : memref<128xi32, #tpu.memory_space<vmem>>) semaphore(%run_scoped3A_126 : memref<!tpu.dma_semaphore, #tpu.memory_space<semaphore_mem>>) {add = true}
        %dma_wait3A_133 = arith.constant 0 : i32
        %dma_wait3A_134 = tpu.memref_slice %arg7[%run_scoped3A_120, %dma_wait3A_133] : memref<2x128xi32, #tpu.memory_space<vmem>> -> memref<1x128xi32, #tpu.memory_space<vmem>>
        %dma_wait3A_135 = tpu.memref_squeeze %dma_wait3A_134 : memref<1x128xi32, #tpu.memory_space<vmem>> -> memref<128xi32, #tpu.memory_space<vmem>>
        %dma_wait3A_136 = arith.constant 0 : i32
        %dma_wait3A_137 = arith.constant 0 : i32
        %dma_wait3A_138 = tpu.memref_slice %arg5[%dma_wait3A_136, %dma_wait3A_137] : memref<10240x128xf32, #tpu.memory_space<vmem_shared>> -> memref<10240x128xf32, #tpu.memory_space<vmem_shared>>
        tpu.wait_indirect_dma semaphore(%run_scoped3A_126 : memref<!tpu.dma_semaphore, #tpu.memory_space<semaphore_mem>>) src(%arg9 : memref<128x128xf32, #tpu.memory_space<vmem>>) dst(%dma_wait3A_138 : memref<10240x128xf32, #tpu.memory_space<vmem_shared>>)
        tpu.yield
      }) : () -> ()
      %lt3A_121 = arith.constant 78 : i32
      %lt3A_122 = arith.cmpi slt, %add3A_107, %lt3A_121 : i32
      %convert_element_type3A_123 = arith.extui %lt3A_122 : i1 to i32
      %cond3A_124 = arith.constant 0 : i32
      %cond3A_125 = arith.cmpi ne, %convert_element_type3A_123, %cond3A_124 : i32
      scf.if %cond3A_125 {
        %add3A_126 = arith.constant 2 : i32
        %add3A_127 = arith.addi %add3A_107, %add3A_126 : i32
        %dma_start3A_128 = arith.constant 0 : i32
        %dma_start3A_129 = arith.constant 0 : i32
        %dma_start3A_130 = tpu.memref_slice %arg3[%add3A, %add3A_127, %dma_start3A_128, %dma_start3A_129] : memref<32x80x2x128xi32, #tpu.memory_space<hbm>> -> memref<1x1x2x128xi32, #tpu.memory_space<hbm>>
        %dma_start3A_131 = tpu.memref_squeeze %dma_start3A_130 : memref<1x1x2x128xi32, #tpu.memory_space<hbm>> -> memref<2x128xi32, #tpu.memory_space<hbm>>
        %dma_start3A_132 = arith.constant 0 : i32
        %dma_start3A_133 = arith.constant 0 : i32
        %dma_start3A_134 = tpu.memref_slice %arg3[%add3A, %add3A_127, %dma_start3A_132, %dma_start3A_133] : memref<32x80x2x128xi32, #tpu.memory_space<hbm>> -> memref<1x1x2x128xi32, #tpu.memory_space<hbm>>
        %dma_start3A_135 = tpu.memref_squeeze %dma_start3A_134 : memref<1x1x2x128xi32, #tpu.memory_space<hbm>> -> memref<2x128xi32, #tpu.memory_space<hbm>>
        tpu.enqueue_dma source(%dma_start3A_135 : memref<2x128xi32, #tpu.memory_space<hbm>>) target(%arg7 : memref<2x128xi32, #tpu.memory_space<vmem>>) target_semaphore(%arg11 : memref<!tpu.dma_semaphore, #tpu.memory_space<semaphore_mem>>)
      } else {
      }
    }
    %scan3A_65 = arith.constant 40 : i32
    %barrier3A_66 = arith.constant 0 : index
    tpu.barrier barrier_id(%barrier3A_66)
    %mul3A_67 = arith.constant 640 : i32
    %mul3A_68 = arith.muli %arg1, %mul3A_67 : i32
    %add3A_69 = arith.constant 0 : i32
    %add3A_70 = arith.addi %mul3A_68, %add3A_69 : i32
    "tpu.region"() ({
      %run_scoped3A = tpu.sem_alloc : memref<!tpu.dma_semaphore, #tpu.memory_space<semaphore_mem>>
      %dma_start3A_87 = arith.constant 0 : i32
      %dma_start3A_88 = tpu.memref_slice %arg5[%add3A_70, %dma_start3A_87] : memref<10240x128xf32, #tpu.memory_space<vmem_shared>> -> memref<128x128xf32, #tpu.memory_space<vmem_shared>>
      %dma_start3A_89 = arith.constant 0 : i32
      %dma_start3A_90 = tpu.memref_slice %arg5[%add3A_70, %dma_start3A_89] : memref<10240x128xf32, #tpu.memory_space<vmem_shared>> -> memref<128x128xf32, #tpu.memory_space<vmem_shared>>
      tpu.enqueue_dma source(%dma_start3A_90 : memref<128x128xf32, #tpu.memory_space<vmem_shared>>) target(%arg8 : memref<128x128xf32, #tpu.memory_space<vmem>>) target_semaphore(%run_scoped3A : memref<!tpu.dma_semaphore, #tpu.memory_space<semaphore_mem>>)
      %dma_wait3A_91 = arith.constant 0 : i32
      %dma_wait3A_92 = tpu.memref_slice %arg5[%add3A_70, %dma_wait3A_91] : memref<10240x128xf32, #tpu.memory_space<vmem_shared>> -> memref<128x128xf32, #tpu.memory_space<vmem_shared>>
      %dma_wait3A_93 = arith.constant 0 : i32
      %dma_wait3A_94 = tpu.memref_slice %arg5[%add3A_70, %dma_wait3A_93] : memref<10240x128xf32, #tpu.memory_space<vmem_shared>> -> memref<128x128xf32, #tpu.memory_space<vmem_shared>>
      tpu.wait_dma2 semaphore(%run_scoped3A : memref<!tpu.dma_semaphore, #tpu.memory_space<semaphore_mem>>) src(%dma_wait3A_94 : memref<128x128xf32, #tpu.memory_space<vmem_shared>>) dst(%arg8 : memref<128x128xf32, #tpu.memory_space<vmem>>)
      tpu.yield
    }) : () -> ()
    "tpu.region"() ({
      %run_scoped3A = tpu.sem_alloc : memref<!tpu.dma_semaphore, #tpu.memory_space<semaphore_mem>>
      %dma_start3A_87 = arith.constant 0 : i32
      %dma_start3A_88 = tpu.memref_slice %arg4[%arg0, %add3A_70, %dma_start3A_87] : memref<2x10240x128xf32, #tpu.memory_space<hbm>> -> memref<1x128x128xf32, #tpu.memory_space<hbm>>
      %dma_start3A_89 = tpu.memref_squeeze %dma_start3A_88 : memref<1x128x128xf32, #tpu.memory_space<hbm>> -> memref<128x128xf32, #tpu.memory_space<hbm>>
      %dma_start3A_90 = arith.constant 0 : i32
      %dma_start3A_91 = tpu.memref_slice %arg4[%arg0, %add3A_70, %dma_start3A_90] : memref<2x10240x128xf32, #tpu.memory_space<hbm>> -> memref<1x128x128xf32, #tpu.memory_space<hbm>>
      %dma_start3A_92 = tpu.memref_squeeze %dma_start3A_91 : memref<1x128x128xf32, #tpu.memory_space<hbm>> -> memref<128x128xf32, #tpu.memory_space<hbm>>
      tpu.enqueue_dma source(%arg8 : memref<128x128xf32, #tpu.memory_space<vmem>>) target(%dma_start3A_92 : memref<128x128xf32, #tpu.memory_space<hbm>>) target_semaphore(%run_scoped3A : memref<!tpu.dma_semaphore, #tpu.memory_space<semaphore_mem>>)
      %dma_wait3A_93 = arith.constant 0 : i32
      %dma_wait3A_94 = tpu.memref_slice %arg4[%arg0, %add3A_70, %dma_wait3A_93] : memref<2x10240x128xf32, #tpu.memory_space<hbm>> -> memref<1x128x128xf32, #tpu.memory_space<hbm>>
      %dma_wait3A_95 = tpu.memref_squeeze %dma_wait3A_94 : memref<1x128x128xf32, #tpu.memory_space<hbm>> -> memref<128x128xf32, #tpu.memory_space<hbm>>
      %dma_wait3A_96 = arith.constant 0 : i32
      %dma_wait3A_97 = tpu.memref_slice %arg4[%arg0, %add3A_70, %dma_wait3A_96] : memref<2x10240x128xf32, #tpu.memory_space<hbm>> -> memref<1x128x128xf32, #tpu.memory_space<hbm>>
      %dma_wait3A_98 = tpu.memref_squeeze %dma_wait3A_97 : memref<1x128x128xf32, #tpu.memory_space<hbm>> -> memref<128x128xf32, #tpu.memory_space<hbm>>
      tpu.wait_dma2 semaphore(%run_scoped3A : memref<!tpu.dma_semaphore, #tpu.memory_space<semaphore_mem>>) src(%arg8 : memref<128x128xf32, #tpu.memory_space<vmem>>) dst(%dma_wait3A_98 : memref<128x128xf32, #tpu.memory_space<hbm>>)
      tpu.yield
    }) : () -> ()
    %mul3A_71 = arith.constant 640 : i32
    %mul3A_72 = arith.muli %arg1, %mul3A_71 : i32
    %add3A_73 = arith.constant 128 : i32
    %add3A_74 = arith.addi %mul3A_72, %add3A_73 : i32
    "tpu.region"() ({
      %run_scoped3A = tpu.sem_alloc : memref<!tpu.dma_semaphore, #tpu.memory_space<semaphore_mem>>
      %dma_start3A_87 = arith.constant 0 : i32
      %dma_start3A_88 = tpu.memref_slice %arg5[%add3A_74, %dma_start3A_87] : memref<10240x128xf32, #tpu.memory_space<vmem_shared>> -> memref<128x128xf32, #tpu.memory_space<vmem_shared>>
      %dma_start3A_89 = arith.constant 0 : i32
      %dma_start3A_90 = tpu.memref_slice %arg5[%add3A_74, %dma_start3A_89] : memref<10240x128xf32, #tpu.memory_space<vmem_shared>> -> memref<128x128xf32, #tpu.memory_space<vmem_shared>>
      tpu.enqueue_dma source(%dma_start3A_90 : memref<128x128xf32, #tpu.memory_space<vmem_shared>>) target(%arg8 : memref<128x128xf32, #tpu.memory_space<vmem>>) target_semaphore(%run_scoped3A : memref<!tpu.dma_semaphore, #tpu.memory_space<semaphore_mem>>)
      %dma_wait3A_91 = arith.constant 0 : i32
      %dma_wait3A_92 = tpu.memref_slice %arg5[%add3A_74, %dma_wait3A_91] : memref<10240x128xf32, #tpu.memory_space<vmem_shared>> -> memref<128x128xf32, #tpu.memory_space<vmem_shared>>
      %dma_wait3A_93 = arith.constant 0 : i32
      %dma_wait3A_94 = tpu.memref_slice %arg5[%add3A_74, %dma_wait3A_93] : memref<10240x128xf32, #tpu.memory_space<vmem_shared>> -> memref<128x128xf32, #tpu.memory_space<vmem_shared>>
      tpu.wait_dma2 semaphore(%run_scoped3A : memref<!tpu.dma_semaphore, #tpu.memory_space<semaphore_mem>>) src(%dma_wait3A_94 : memref<128x128xf32, #tpu.memory_space<vmem_shared>>) dst(%arg8 : memref<128x128xf32, #tpu.memory_space<vmem>>)
      tpu.yield
    }) : () -> ()
    "tpu.region"() ({
      %run_scoped3A = tpu.sem_alloc : memref<!tpu.dma_semaphore, #tpu.memory_space<semaphore_mem>>
      %dma_start3A_87 = arith.constant 0 : i32
      %dma_start3A_88 = tpu.memref_slice %arg4[%arg0, %add3A_74, %dma_start3A_87] : memref<2x10240x128xf32, #tpu.memory_space<hbm>> -> memref<1x128x128xf32, #tpu.memory_space<hbm>>
      %dma_start3A_89 = tpu.memref_squeeze %dma_start3A_88 : memref<1x128x128xf32, #tpu.memory_space<hbm>> -> memref<128x128xf32, #tpu.memory_space<hbm>>
      %dma_start3A_90 = arith.constant 0 : i32
      %dma_start3A_91 = tpu.memref_slice %arg4[%arg0, %add3A_74, %dma_start3A_90] : memref<2x10240x128xf32, #tpu.memory_space<hbm>> -> memref<1x128x128xf32, #tpu.memory_space<hbm>>
      %dma_start3A_92 = tpu.memref_squeeze %dma_start3A_91 : memref<1x128x128xf32, #tpu.memory_space<hbm>> -> memref<128x128xf32, #tpu.memory_space<hbm>>
      tpu.enqueue_dma source(%arg8 : memref<128x128xf32, #tpu.memory_space<vmem>>) target(%dma_start3A_92 : memref<128x128xf32, #tpu.memory_space<hbm>>) target_semaphore(%run_scoped3A : memref<!tpu.dma_semaphore, #tpu.memory_space<semaphore_mem>>)
      %dma_wait3A_93 = arith.constant 0 : i32
      %dma_wait3A_94 = tpu.memref_slice %arg4[%arg0, %add3A_74, %dma_wait3A_93] : memref<2x10240x128xf32, #tpu.memory_space<hbm>> -> memref<1x128x128xf32, #tpu.memory_space<hbm>>
      %dma_wait3A_95 = tpu.memref_squeeze %dma_wait3A_94 : memref<1x128x128xf32, #tpu.memory_space<hbm>> -> memref<128x128xf32, #tpu.memory_space<hbm>>
      %dma_wait3A_96 = arith.constant 0 : i32
      %dma_wait3A_97 = tpu.memref_slice %arg4[%arg0, %add3A_74, %dma_wait3A_96] : memref<2x10240x128xf32, #tpu.memory_space<hbm>> -> memref<1x128x128xf32, #tpu.memory_space<hbm>>
      %dma_wait3A_98 = tpu.memref_squeeze %dma_wait3A_97 : memref<1x128x128xf32, #tpu.memory_space<hbm>> -> memref<128x128xf32, #tpu.memory_space<hbm>>
      tpu.wait_dma2 semaphore(%run_scoped3A : memref<!tpu.dma_semaphore, #tpu.memory_space<semaphore_mem>>) src(%arg8 : memref<128x128xf32, #tpu.memory_space<vmem>>) dst(%dma_wait3A_98 : memref<128x128xf32, #tpu.memory_space<hbm>>)
      tpu.yield
    }) : () -> ()
    %mul3A_75 = arith.constant 640 : i32
    %mul3A_76 = arith.muli %arg1, %mul3A_75 : i32
    %add3A_77 = arith.constant 256 : i32
    %add3A_78 = arith.addi %mul3A_76, %add3A_77 : i32
    "tpu.region"() ({
      %run_scoped3A = tpu.sem_alloc : memref<!tpu.dma_semaphore, #tpu.memory_space<semaphore_mem>>
      %dma_start3A_87 = arith.constant 0 : i32
      %dma_start3A_88 = tpu.memref_slice %arg5[%add3A_78, %dma_start3A_87] : memref<10240x128xf32, #tpu.memory_space<vmem_shared>> -> memref<128x128xf32, #tpu.memory_space<vmem_shared>>
      %dma_start3A_89 = arith.constant 0 : i32
      %dma_start3A_90 = tpu.memref_slice %arg5[%add3A_78, %dma_start3A_89] : memref<10240x128xf32, #tpu.memory_space<vmem_shared>> -> memref<128x128xf32, #tpu.memory_space<vmem_shared>>
      tpu.enqueue_dma source(%dma_start3A_90 : memref<128x128xf32, #tpu.memory_space<vmem_shared>>) target(%arg8 : memref<128x128xf32, #tpu.memory_space<vmem>>) target_semaphore(%run_scoped3A : memref<!tpu.dma_semaphore, #tpu.memory_space<semaphore_mem>>)
      %dma_wait3A_91 = arith.constant 0 : i32
      %dma_wait3A_92 = tpu.memref_slice %arg5[%add3A_78, %dma_wait3A_91] : memref<10240x128xf32, #tpu.memory_space<vmem_shared>> -> memref<128x128xf32, #tpu.memory_space<vmem_shared>>
      %dma_wait3A_93 = arith.constant 0 : i32
      %dma_wait3A_94 = tpu.memref_slice %arg5[%add3A_78, %dma_wait3A_93] : memref<10240x128xf32, #tpu.memory_space<vmem_shared>> -> memref<128x128xf32, #tpu.memory_space<vmem_shared>>
      tpu.wait_dma2 semaphore(%run_scoped3A : memref<!tpu.dma_semaphore, #tpu.memory_space<semaphore_mem>>) src(%dma_wait3A_94 : memref<128x128xf32, #tpu.memory_space<vmem_shared>>) dst(%arg8 : memref<128x128xf32, #tpu.memory_space<vmem>>)
      tpu.yield
    }) : () -> ()
    "tpu.region"() ({
      %run_scoped3A = tpu.sem_alloc : memref<!tpu.dma_semaphore, #tpu.memory_space<semaphore_mem>>
      %dma_start3A_87 = arith.constant 0 : i32
      %dma_start3A_88 = tpu.memref_slice %arg4[%arg0, %add3A_78, %dma_start3A_87] : memref<2x10240x128xf32, #tpu.memory_space<hbm>> -> memref<1x128x128xf32, #tpu.memory_space<hbm>>
      %dma_start3A_89 = tpu.memref_squeeze %dma_start3A_88 : memref<1x128x128xf32, #tpu.memory_space<hbm>> -> memref<128x128xf32, #tpu.memory_space<hbm>>
      %dma_start3A_90 = arith.constant 0 : i32
      %dma_start3A_91 = tpu.memref_slice %arg4[%arg0, %add3A_78, %dma_start3A_90] : memref<2x10240x128xf32, #tpu.memory_space<hbm>> -> memref<1x128x128xf32, #tpu.memory_space<hbm>>
      %dma_start3A_92 = tpu.memref_squeeze %dma_start3A_91 : memref<1x128x128xf32, #tpu.memory_space<hbm>> -> memref<128x128xf32, #tpu.memory_space<hbm>>
      tpu.enqueue_dma source(%arg8 : memref<128x128xf32, #tpu.memory_space<vmem>>) target(%dma_start3A_92 : memref<128x128xf32, #tpu.memory_space<hbm>>) target_semaphore(%run_scoped3A : memref<!tpu.dma_semaphore, #tpu.memory_space<semaphore_mem>>)
      %dma_wait3A_93 = arith.constant 0 : i32
      %dma_wait3A_94 = tpu.memref_slice %arg4[%arg0, %add3A_78, %dma_wait3A_93] : memref<2x10240x128xf32, #tpu.memory_space<hbm>> -> memref<1x128x128xf32, #tpu.memory_space<hbm>>
      %dma_wait3A_95 = tpu.memref_squeeze %dma_wait3A_94 : memref<1x128x128xf32, #tpu.memory_space<hbm>> -> memref<128x128xf32, #tpu.memory_space<hbm>>
      %dma_wait3A_96 = arith.constant 0 : i32
      %dma_wait3A_97 = tpu.memref_slice %arg4[%arg0, %add3A_78, %dma_wait3A_96] : memref<2x10240x128xf32, #tpu.memory_space<hbm>> -> memref<1x128x128xf32, #tpu.memory_space<hbm>>
      %dma_wait3A_98 = tpu.memref_squeeze %dma_wait3A_97 : memref<1x128x128xf32, #tpu.memory_space<hbm>> -> memref<128x128xf32, #tpu.memory_space<hbm>>
      tpu.wait_dma2 semaphore(%run_scoped3A : memref<!tpu.dma_semaphore, #tpu.memory_space<semaphore_mem>>) src(%arg8 : memref<128x128xf32, #tpu.memory_space<vmem>>) dst(%dma_wait3A_98 : memref<128x128xf32, #tpu.memory_space<hbm>>)
      tpu.yield
    }) : () -> ()
    %mul3A_79 = arith.constant 640 : i32
    %mul3A_80 = arith.muli %arg1, %mul3A_79 : i32
    %add3A_81 = arith.constant 384 : i32
    %add3A_82 = arith.addi %mul3A_80, %add3A_81 : i32
    "tpu.region"() ({
      %run_scoped3A = tpu.sem_alloc : memref<!tpu.dma_semaphore, #tpu.memory_space<semaphore_mem>>
      %dma_start3A_87 = arith.constant 0 : i32
      %dma_start3A_88 = tpu.memref_slice %arg5[%add3A_82, %dma_start3A_87] : memref<10240x128xf32, #tpu.memory_space<vmem_shared>> -> memref<128x128xf32, #tpu.memory_space<vmem_shared>>
      %dma_start3A_89 = arith.constant 0 : i32
      %dma_start3A_90 = tpu.memref_slice %arg5[%add3A_82, %dma_start3A_89] : memref<10240x128xf32, #tpu.memory_space<vmem_shared>> -> memref<128x128xf32, #tpu.memory_space<vmem_shared>>
      tpu.enqueue_dma source(%dma_start3A_90 : memref<128x128xf32, #tpu.memory_space<vmem_shared>>) target(%arg8 : memref<128x128xf32, #tpu.memory_space<vmem>>) target_semaphore(%run_scoped3A : memref<!tpu.dma_semaphore, #tpu.memory_space<semaphore_mem>>)
      %dma_wait3A_91 = arith.constant 0 : i32
      %dma_wait3A_92 = tpu.memref_slice %arg5[%add3A_82, %dma_wait3A_91] : memref<10240x128xf32, #tpu.memory_space<vmem_shared>> -> memref<128x128xf32, #tpu.memory_space<vmem_shared>>
      %dma_wait3A_93 = arith.constant 0 : i32
      %dma_wait3A_94 = tpu.memref_slice %arg5[%add3A_82, %dma_wait3A_93] : memref<10240x128xf32, #tpu.memory_space<vmem_shared>> -> memref<128x128xf32, #tpu.memory_space<vmem_shared>>
      tpu.wait_dma2 semaphore(%run_scoped3A : memref<!tpu.dma_semaphore, #tpu.memory_space<semaphore_mem>>) src(%dma_wait3A_94 : memref<128x128xf32, #tpu.memory_space<vmem_shared>>) dst(%arg8 : memref<128x128xf32, #tpu.memory_space<vmem>>)
      tpu.yield
    }) : () -> ()
    "tpu.region"() ({
      %run_scoped3A = tpu.sem_alloc : memref<!tpu.dma_semaphore, #tpu.memory_space<semaphore_mem>>
      %dma_start3A_87 = arith.constant 0 : i32
      %dma_start3A_88 = tpu.memref_slice %arg4[%arg0, %add3A_82, %dma_start3A_87] : memref<2x10240x128xf32, #tpu.memory_space<hbm>> -> memref<1x128x128xf32, #tpu.memory_space<hbm>>
      %dma_start3A_89 = tpu.memref_squeeze %dma_start3A_88 : memref<1x128x128xf32, #tpu.memory_space<hbm>> -> memref<128x128xf32, #tpu.memory_space<hbm>>
      %dma_start3A_90 = arith.constant 0 : i32
      %dma_start3A_91 = tpu.memref_slice %arg4[%arg0, %add3A_82, %dma_start3A_90] : memref<2x10240x128xf32, #tpu.memory_space<hbm>> -> memref<1x128x128xf32, #tpu.memory_space<hbm>>
      %dma_start3A_92 = tpu.memref_squeeze %dma_start3A_91 : memref<1x128x128xf32, #tpu.memory_space<hbm>> -> memref<128x128xf32, #tpu.memory_space<hbm>>
      tpu.enqueue_dma source(%arg8 : memref<128x128xf32, #tpu.memory_space<vmem>>) target(%dma_start3A_92 : memref<128x128xf32, #tpu.memory_space<hbm>>) target_semaphore(%run_scoped3A : memref<!tpu.dma_semaphore, #tpu.memory_space<semaphore_mem>>)
      %dma_wait3A_93 = arith.constant 0 : i32
      %dma_wait3A_94 = tpu.memref_slice %arg4[%arg0, %add3A_82, %dma_wait3A_93] : memref<2x10240x128xf32, #tpu.memory_space<hbm>> -> memref<1x128x128xf32, #tpu.memory_space<hbm>>
      %dma_wait3A_95 = tpu.memref_squeeze %dma_wait3A_94 : memref<1x128x128xf32, #tpu.memory_space<hbm>> -> memref<128x128xf32, #tpu.memory_space<hbm>>
      %dma_wait3A_96 = arith.constant 0 : i32
      %dma_wait3A_97 = tpu.memref_slice %arg4[%arg0, %add3A_82, %dma_wait3A_96] : memref<2x10240x128xf32, #tpu.memory_space<hbm>> -> memref<1x128x128xf32, #tpu.memory_space<hbm>>
      %dma_wait3A_98 = tpu.memref_squeeze %dma_wait3A_97 : memref<1x128x128xf32, #tpu.memory_space<hbm>> -> memref<128x128xf32, #tpu.memory_space<hbm>>
      tpu.wait_dma2 semaphore(%run_scoped3A : memref<!tpu.dma_semaphore, #tpu.memory_space<semaphore_mem>>) src(%arg8 : memref<128x128xf32, #tpu.memory_space<vmem>>) dst(%dma_wait3A_98 : memref<128x128xf32, #tpu.memory_space<hbm>>)
      tpu.yield
    }) : () -> ()
    %mul3A_83 = arith.constant 640 : i32
    %mul3A_84 = arith.muli %arg1, %mul3A_83 : i32
    %add3A_85 = arith.constant 512 : i32
    %add3A_86 = arith.addi %mul3A_84, %add3A_85 : i32
    "tpu.region"() ({
      %run_scoped3A = tpu.sem_alloc : memref<!tpu.dma_semaphore, #tpu.memory_space<semaphore_mem>>
      %dma_start3A_87 = arith.constant 0 : i32
      %dma_start3A_88 = tpu.memref_slice %arg5[%add3A_86, %dma_start3A_87] : memref<10240x128xf32, #tpu.memory_space<vmem_shared>> -> memref<128x128xf32, #tpu.memory_space<vmem_shared>>
      %dma_start3A_89 = arith.constant 0 : i32
      %dma_start3A_90 = tpu.memref_slice %arg5[%add3A_86, %dma_start3A_89] : memref<10240x128xf32, #tpu.memory_space<vmem_shared>> -> memref<128x128xf32, #tpu.memory_space<vmem_shared>>
      tpu.enqueue_dma source(%dma_start3A_90 : memref<128x128xf32, #tpu.memory_space<vmem_shared>>) target(%arg8 : memref<128x128xf32, #tpu.memory_space<vmem>>) target_semaphore(%run_scoped3A : memref<!tpu.dma_semaphore, #tpu.memory_space<semaphore_mem>>)
      %dma_wait3A_91 = arith.constant 0 : i32
      %dma_wait3A_92 = tpu.memref_slice %arg5[%add3A_86, %dma_wait3A_91] : memref<10240x128xf32, #tpu.memory_space<vmem_shared>> -> memref<128x128xf32, #tpu.memory_space<vmem_shared>>
      %dma_wait3A_93 = arith.constant 0 : i32
      %dma_wait3A_94 = tpu.memref_slice %arg5[%add3A_86, %dma_wait3A_93] : memref<10240x128xf32, #tpu.memory_space<vmem_shared>> -> memref<128x128xf32, #tpu.memory_space<vmem_shared>>
      tpu.wait_dma2 semaphore(%run_scoped3A : memref<!tpu.dma_semaphore, #tpu.memory_space<semaphore_mem>>) src(%dma_wait3A_94 : memref<128x128xf32, #tpu.memory_space<vmem_shared>>) dst(%arg8 : memref<128x128xf32, #tpu.memory_space<vmem>>)
      tpu.yield
    }) : () -> ()
    "tpu.region"() ({
      %run_scoped3A = tpu.sem_alloc : memref<!tpu.dma_semaphore, #tpu.memory_space<semaphore_mem>>
      %dma_start3A_87 = arith.constant 0 : i32
      %dma_start3A_88 = tpu.memref_slice %arg4[%arg0, %add3A_86, %dma_start3A_87] : memref<2x10240x128xf32, #tpu.memory_space<hbm>> -> memref<1x128x128xf32, #tpu.memory_space<hbm>>
      %dma_start3A_89 = tpu.memref_squeeze %dma_start3A_88 : memref<1x128x128xf32, #tpu.memory_space<hbm>> -> memref<128x128xf32, #tpu.memory_space<hbm>>
      %dma_start3A_90 = arith.constant 0 : i32
      %dma_start3A_91 = tpu.memref_slice %arg4[%arg0, %add3A_86, %dma_start3A_90] : memref<2x10240x128xf32, #tpu.memory_space<hbm>> -> memref<1x128x128xf32, #tpu.memory_space<hbm>>
      %dma_start3A_92 = tpu.memref_squeeze %dma_start3A_91 : memref<1x128x128xf32, #tpu.memory_space<hbm>> -> memref<128x128xf32, #tpu.memory_space<hbm>>
      tpu.enqueue_dma source(%arg8 : memref<128x128xf32, #tpu.memory_space<vmem>>) target(%dma_start3A_92 : memref<128x128xf32, #tpu.memory_space<hbm>>) target_semaphore(%run_scoped3A : memref<!tpu.dma_semaphore, #tpu.memory_space<semaphore_mem>>)
      %dma_wait3A_93 = arith.constant 0 : i32
      %dma_wait3A_94 = tpu.memref_slice %arg4[%arg0, %add3A_86, %dma_wait3A_93] : memref<2x10240x128xf32, #tpu.memory_space<hbm>> -> memref<1x128x128xf32, #tpu.memory_space<hbm>>
      %dma_wait3A_95 = tpu.memref_squeeze %dma_wait3A_94 : memref<1x128x128xf32, #tpu.memory_space<hbm>> -> memref<128x128xf32, #tpu.memory_space<hbm>>
      %dma_wait3A_96 = arith.constant 0 : i32
      %dma_wait3A_97 = tpu.memref_slice %arg4[%arg0, %add3A_86, %dma_wait3A_96] : memref<2x10240x128xf32, #tpu.memory_space<hbm>> -> memref<1x128x128xf32, #tpu.memory_space<hbm>>
      %dma_wait3A_98 = tpu.memref_squeeze %dma_wait3A_97 : memref<1x128x128xf32, #tpu.memory_space<hbm>> -> memref<128x128xf32, #tpu.memory_space<hbm>>
      tpu.wait_dma2 semaphore(%run_scoped3A : memref<!tpu.dma_semaphore, #tpu.memory_space<semaphore_mem>>) src(%arg8 : memref<128x128xf32, #tpu.memory_space<vmem>>) dst(%dma_wait3A_98 : memref<128x128xf32, #tpu.memory_space<hbm>>)
      tpu.yield
    }) : () -> ()
    return
  }
}

#map = affine_map<(d0, d1) -> (0, 0)>
#map1 = affine_map<(d0, d1) -> (0, 0, 0, 0)>
#map2 = affine_map<(d0, d1) -> (0, 0, 0)>
module attributes {stable_mosaic.version = 14 : i64} {
  func.func @_agg_body(%arg0: i32, %arg1: i32, %arg2: memref<10000x128xf32, #tpu.memory_space<hbm>>, %arg3: memref<32x80x2x128xi32, #tpu.memory_space<hbm>>, %arg4: memref<2x10240x128xf32, #tpu.memory_space<hbm>>, %arg5: memref<10240x128xf32, #tpu.memory_space<vmem_shared>>, %arg6: memref<2x128xi32, #tpu.memory_space<vmem>>, %arg7: memref<2x128xi32, #tpu.memory_space<vmem>>, %arg8: memref<128x128xf32, #tpu.memory_space<vmem>>, %arg9: memref<128x128xf32, #tpu.memory_space<vmem>>, %arg10: memref<!tpu.dma_semaphore, #tpu.memory_space<semaphore_mem>>, %arg11: memref<!tpu.dma_semaphore, #tpu.memory_space<semaphore_mem>>, %arg12: memref<!tpu.dma_semaphore, #tpu.memory_space<semaphore_mem>>, %arg13: memref<!tpu.dma_semaphore, #tpu.memory_space<semaphore_mem>>) attributes {dimension_semantics = [#tpu.dimension_semantics<core_parallel>, #tpu.dimension_semantics<subcore_parallel>], iteration_bounds = array<i64: 2, 16>, scalar_prefetch = 0 : i64, scratch_operands = 9 : i64, tpu.core_type = #tpu.core_type<sc_vector_subcore>, window_params = [{transform_indices = #map}, {transform_indices = #map1}, {transform_indices = #map2}]} {
    %mul3A = arith.constant 16 : i32
    %mul3A_0 = arith.muli %arg0, %mul3A : i32
    %add3A = arith.addi %mul3A_0, %arg1 : i32
    %broadcast_in_dim3A = arith.constant 0.000000e+00 : f32
    %broadcast_in_dim3A_1 = vector.broadcast %broadcast_in_dim3A : f32 to vector<16xf32>
    %scan3A = arith.constant 0 : i32
    %scan3A_2 = arith.constant 0 : i32
    %scan3A_3 = arith.constant 128 : i32
    %scan3A_4 = arith.addi %scan3A_2, %scan3A_3 : i32
    %scan3A_5 = arith.constant 1 : i32
    %scan3A_6 = scf.for %scan3A_87 = %scan3A_2 to %scan3A_4 step %scan3A_5 iter_args(%scan3A_88 = %scan3A) -> (i32)  : i32 {
      %swap3A = arith.index_cast %scan3A_87 : i32 to index
      %swap3A_89 = arith.constant 0 : index
      %swap3A_90 = tpu.vector_load %arg8[%swap3A, %swap3A_89] {strides = array<i32>} : memref<128x128xf32, #tpu.memory_space<vmem>>, vector<1x16xf32>,
      %swap3A_91 = vector.shape_cast %swap3A_90 : vector<1x16xf32> to vector<16xf32>
      %swap3A_92 = vector.shape_cast %broadcast_in_dim3A_1 : vector<16xf32> to vector<1x16xf32>
      tpu.vector_store %arg8[%swap3A, %swap3A_89], %swap3A_92 {strides = array<i32>} : memref<128x128xf32, #tpu.memory_space<vmem>>, vector<1x16xf32>,
      %swap3A_93 = arith.index_cast %scan3A_87 : i32 to index
      %swap3A_94 = arith.constant 16 : index
      %swap3A_95 = tpu.vector_load %arg8[%swap3A_93, %swap3A_94] {strides = array<i32>} : memref<128x128xf32, #tpu.memory_space<vmem>>, vector<1x16xf32>,
      %swap3A_96 = vector.shape_cast %swap3A_95 : vector<1x16xf32> to vector<16xf32>
      %swap3A_97 = vector.shape_cast %broadcast_in_dim3A_1 : vector<16xf32> to vector<1x16xf32>
      tpu.vector_store %arg8[%swap3A_93, %swap3A_94], %swap3A_97 {strides = array<i32>} : memref<128x128xf32, #tpu.memory_space<vmem>>, vector<1x16xf32>,
      %swap3A_98 = arith.index_cast %scan3A_87 : i32 to index
      %swap3A_99 = arith.constant 32 : index
      %swap3A_100 = tpu.vector_load %arg8[%swap3A_98, %swap3A_99] {strides = array<i32>} : memref<128x128xf32, #tpu.memory_space<vmem>>, vector<1x16xf32>,
      %swap3A_101 = vector.shape_cast %swap3A_100 : vector<1x16xf32> to vector<16xf32>
      %swap3A_102 = vector.shape_cast %broadcast_in_dim3A_1 : vector<16xf32> to vector<1x16xf32>
      tpu.vector_store %arg8[%swap3A_98, %swap3A_99], %swap3A_102 {strides = array<i32>} : memref<128x128xf32, #tpu.memory_space<vmem>>, vector<1x16xf32>,
      %swap3A_103 = arith.index_cast %scan3A_87 : i32 to index
      %swap3A_104 = arith.constant 48 : index
      %swap3A_105 = tpu.vector_load %arg8[%swap3A_103, %swap3A_104] {strides = array<i32>} : memref<128x128xf32, #tpu.memory_space<vmem>>, vector<1x16xf32>,
      %swap3A_106 = vector.shape_cast %swap3A_105 : vector<1x16xf32> to vector<16xf32>
      %swap3A_107 = vector.shape_cast %broadcast_in_dim3A_1 : vector<16xf32> to vector<1x16xf32>
      tpu.vector_store %arg8[%swap3A_103, %swap3A_104], %swap3A_107 {strides = array<i32>} : memref<128x128xf32, #tpu.memory_space<vmem>>, vector<1x16xf32>,
      %swap3A_108 = arith.index_cast %scan3A_87 : i32 to index
      %swap3A_109 = arith.constant 64 : index
      %swap3A_110 = tpu.vector_load %arg8[%swap3A_108, %swap3A_109] {strides = array<i32>} : memref<128x128xf32, #tpu.memory_space<vmem>>, vector<1x16xf32>,
      %swap3A_111 = vector.shape_cast %swap3A_110 : vector<1x16xf32> to vector<16xf32>
      %swap3A_112 = vector.shape_cast %broadcast_in_dim3A_1 : vector<16xf32> to vector<1x16xf32>
      tpu.vector_store %arg8[%swap3A_108, %swap3A_109], %swap3A_112 {strides = array<i32>} : memref<128x128xf32, #tpu.memory_space<vmem>>, vector<1x16xf32>,
      %swap3A_113 = arith.index_cast %scan3A_87 : i32 to index
      %swap3A_114 = arith.constant 80 : index
      %swap3A_115 = tpu.vector_load %arg8[%swap3A_113, %swap3A_114] {strides = array<i32>} : memref<128x128xf32, #tpu.memory_space<vmem>>, vector<1x16xf32>,
      %swap3A_116 = vector.shape_cast %swap3A_115 : vector<1x16xf32> to vector<16xf32>
      %swap3A_117 = vector.shape_cast %broadcast_in_dim3A_1 : vector<16xf32> to vector<1x16xf32>
      tpu.vector_store %arg8[%swap3A_113, %swap3A_114], %swap3A_117 {strides = array<i32>} : memref<128x128xf32, #tpu.memory_space<vmem>>, vector<1x16xf32>,
      %swap3A_118 = arith.index_cast %scan3A_87 : i32 to index
      %swap3A_119 = arith.constant 96 : index
      %swap3A_120 = tpu.vector_load %arg8[%swap3A_118, %swap3A_119] {strides = array<i32>} : memref<128x128xf32, #tpu.memory_space<vmem>>, vector<1x16xf32>,
      %swap3A_121 = vector.shape_cast %swap3A_120 : vector<1x16xf32> to vector<16xf32>
      %swap3A_122 = vector.shape_cast %broadcast_in_dim3A_1 : vector<16xf32> to vector<1x16xf32>
      tpu.vector_store %arg8[%swap3A_118, %swap3A_119], %swap3A_122 {strides = array<i32>} : memref<128x128xf32, #tpu.memory_space<vmem>>, vector<1x16xf32>,
      %swap3A_123 = arith.index_cast %scan3A_87 : i32 to index
      %swap3A_124 = arith.constant 112 : index
      %swap3A_125 = tpu.vector_load %arg8[%swap3A_123, %swap3A_124] {strides = array<i32>} : memref<128x128xf32, #tpu.memory_space<vmem>>, vector<1x16xf32>,
      %swap3A_126 = vector.shape_cast %swap3A_125 : vector<1x16xf32> to vector<16xf32>
      %swap3A_127 = vector.shape_cast %broadcast_in_dim3A_1 : vector<16xf32> to vector<1x16xf32>
      tpu.vector_store %arg8[%swap3A_123, %swap3A_124], %swap3A_127 {strides = array<i32>} : memref<128x128xf32, #tpu.memory_space<vmem>>, vector<1x16xf32>,
      %scan3A_128 = arith.constant 0 : i32
      scf.yield %scan3A_128 : i32
    }
    %scan3A_7 = arith.constant 128 : i32
    %mul3A_8 = arith.constant 640 : i32
    %mul3A_9 = arith.muli %arg1, %mul3A_8 : i32
    %add3A_10 = arith.constant 0 : i32
    %add3A_11 = arith.addi %mul3A_9, %add3A_10 : i32
    "tpu.region"() ({
      %run_scoped3A = tpu.sem_alloc : memref<!tpu.dma_semaphore, #tpu.memory_space<semaphore_mem>>
      %dma_start3A_87 = arith.constant 0 : i32
      %dma_start3A_88 = tpu.memref_slice %arg5[%add3A_11, %dma_start3A_87] : memref<10240x128xf32, #tpu.memory_space<vmem_shared>> -> memref<128x128xf32, #tpu.memory_space<vmem_shared>>
      %dma_start3A_89 = arith.constant 0 : i32
      %dma_start3A_90 = tpu.memref_slice %arg5[%add3A_11, %dma_start3A_89] : memref<10240x128xf32, #tpu.memory_space<vmem_shared>> -> memref<128x128xf32, #tpu.memory_space<vmem_shared>>
      tpu.enqueue_dma source(%arg8 : memref<128x128xf32, #tpu.memory_space<vmem>>) target(%dma_start3A_90 : memref<128x128xf32, #tpu.memory_space<vmem_shared>>) target_semaphore(%run_scoped3A : memref<!tpu.dma_semaphore, #tpu.memory_space<semaphore_mem>>)
      %dma_wait3A_91 = arith.constant 0 : i32
      %dma_wait3A_92 = tpu.memref_slice %arg5[%add3A_11, %dma_wait3A_91] : memref<10240x128xf32, #tpu.memory_space<vmem_shared>> -> memref<128x128xf32, #tpu.memory_space<vmem_shared>>
      %dma_wait3A_93 = arith.constant 0 : i32
      %dma_wait3A_94 = tpu.memref_slice %arg5[%add3A_11, %dma_wait3A_93] : memref<10240x128xf32, #tpu.memory_space<vmem_shared>> -> memref<128x128xf32, #tpu.memory_space<vmem_shared>>
      tpu.wait_dma2 semaphore(%run_scoped3A : memref<!tpu.dma_semaphore, #tpu.memory_space<semaphore_mem>>) src(%arg8 : memref<128x128xf32, #tpu.memory_space<vmem>>) dst(%dma_wait3A_94 : memref<128x128xf32, #tpu.memory_space<vmem_shared>>)
      tpu.yield
    }) : () -> ()
    %mul3A_12 = arith.constant 640 : i32
    %mul3A_13 = arith.muli %arg1, %mul3A_12 : i32
    %add3A_14 = arith.constant 128 : i32
    %add3A_15 = arith.addi %mul3A_13, %add3A_14 : i32
    "tpu.region"() ({
      %run_scoped3A = tpu.sem_alloc : memref<!tpu.dma_semaphore, #tpu.memory_space<semaphore_mem>>
      %dma_start3A_87 = arith.constant 0 : i32
      %dma_start3A_88 = tpu.memref_slice %arg5[%add3A_15, %dma_start3A_87] : memref<10240x128xf32, #tpu.memory_space<vmem_shared>> -> memref<128x128xf32, #tpu.memory_space<vmem_shared>>
      %dma_start3A_89 = arith.constant 0 : i32
      %dma_start3A_90 = tpu.memref_slice %arg5[%add3A_15, %dma_start3A_89] : memref<10240x128xf32, #tpu.memory_space<vmem_shared>> -> memref<128x128xf32, #tpu.memory_space<vmem_shared>>
      tpu.enqueue_dma source(%arg8 : memref<128x128xf32, #tpu.memory_space<vmem>>) target(%dma_start3A_90 : memref<128x128xf32, #tpu.memory_space<vmem_shared>>) target_semaphore(%run_scoped3A : memref<!tpu.dma_semaphore, #tpu.memory_space<semaphore_mem>>)
      %dma_wait3A_91 = arith.constant 0 : i32
      %dma_wait3A_92 = tpu.memref_slice %arg5[%add3A_15, %dma_wait3A_91] : memref<10240x128xf32, #tpu.memory_space<vmem_shared>> -> memref<128x128xf32, #tpu.memory_space<vmem_shared>>
      %dma_wait3A_93 = arith.constant 0 : i32
      %dma_wait3A_94 = tpu.memref_slice %arg5[%add3A_15, %dma_wait3A_93] : memref<10240x128xf32, #tpu.memory_space<vmem_shared>> -> memref<128x128xf32, #tpu.memory_space<vmem_shared>>
      tpu.wait_dma2 semaphore(%run_scoped3A : memref<!tpu.dma_semaphore, #tpu.memory_space<semaphore_mem>>) src(%arg8 : memref<128x128xf32, #tpu.memory_space<vmem>>) dst(%dma_wait3A_94 : memref<128x128xf32, #tpu.memory_space<vmem_shared>>)
      tpu.yield
    }) : () -> ()
    %mul3A_16 = arith.constant 640 : i32
    %mul3A_17 = arith.muli %arg1, %mul3A_16 : i32
    %add3A_18 = arith.constant 256 : i32
    %add3A_19 = arith.addi %mul3A_17, %add3A_18 : i32
    "tpu.region"() ({
      %run_scoped3A = tpu.sem_alloc : memref<!tpu.dma_semaphore, #tpu.memory_space<semaphore_mem>>
      %dma_start3A_87 = arith.constant 0 : i32
      %dma_start3A_88 = tpu.memref_slice %arg5[%add3A_19, %dma_start3A_87] : memref<10240x128xf32, #tpu.memory_space<vmem_shared>> -> memref<128x128xf32, #tpu.memory_space<vmem_shared>>
      %dma_start3A_89 = arith.constant 0 : i32
      %dma_start3A_90 = tpu.memref_slice %arg5[%add3A_19, %dma_start3A_89] : memref<10240x128xf32, #tpu.memory_space<vmem_shared>> -> memref<128x128xf32, #tpu.memory_space<vmem_shared>>
      tpu.enqueue_dma source(%arg8 : memref<128x128xf32, #tpu.memory_space<vmem>>) target(%dma_start3A_90 : memref<128x128xf32, #tpu.memory_space<vmem_shared>>) target_semaphore(%run_scoped3A : memref<!tpu.dma_semaphore, #tpu.memory_space<semaphore_mem>>)
      %dma_wait3A_91 = arith.constant 0 : i32
      %dma_wait3A_92 = tpu.memref_slice %arg5[%add3A_19, %dma_wait3A_91] : memref<10240x128xf32, #tpu.memory_space<vmem_shared>> -> memref<128x128xf32, #tpu.memory_space<vmem_shared>>
      %dma_wait3A_93 = arith.constant 0 : i32
      %dma_wait3A_94 = tpu.memref_slice %arg5[%add3A_19, %dma_wait3A_93] : memref<10240x128xf32, #tpu.memory_space<vmem_shared>> -> memref<128x128xf32, #tpu.memory_space<vmem_shared>>
      tpu.wait_dma2 semaphore(%run_scoped3A : memref<!tpu.dma_semaphore, #tpu.memory_space<semaphore_mem>>) src(%arg8 : memref<128x128xf32, #tpu.memory_space<vmem>>) dst(%dma_wait3A_94 : memref<128x128xf32, #tpu.memory_space<vmem_shared>>)
      tpu.yield
    }) : () -> ()
    %mul3A_20 = arith.constant 640 : i32
    %mul3A_21 = arith.muli %arg1, %mul3A_20 : i32
    %add3A_22 = arith.constant 384 : i32
    %add3A_23 = arith.addi %mul3A_21, %add3A_22 : i32
    "tpu.region"() ({
      %run_scoped3A = tpu.sem_alloc : memref<!tpu.dma_semaphore, #tpu.memory_space<semaphore_mem>>
      %dma_start3A_87 = arith.constant 0 : i32
      %dma_start3A_88 = tpu.memref_slice %arg5[%add3A_23, %dma_start3A_87] : memref<10240x128xf32, #tpu.memory_space<vmem_shared>> -> memref<128x128xf32, #tpu.memory_space<vmem_shared>>
      %dma_start3A_89 = arith.constant 0 : i32
      %dma_start3A_90 = tpu.memref_slice %arg5[%add3A_23, %dma_start3A_89] : memref<10240x128xf32, #tpu.memory_space<vmem_shared>> -> memref<128x128xf32, #tpu.memory_space<vmem_shared>>
      tpu.enqueue_dma source(%arg8 : memref<128x128xf32, #tpu.memory_space<vmem>>) target(%dma_start3A_90 : memref<128x128xf32, #tpu.memory_space<vmem_shared>>) target_semaphore(%run_scoped3A : memref<!tpu.dma_semaphore, #tpu.memory_space<semaphore_mem>>)
      %dma_wait3A_91 = arith.constant 0 : i32
      %dma_wait3A_92 = tpu.memref_slice %arg5[%add3A_23, %dma_wait3A_91] : memref<10240x128xf32, #tpu.memory_space<vmem_shared>> -> memref<128x128xf32, #tpu.memory_space<vmem_shared>>
      %dma_wait3A_93 = arith.constant 0 : i32
      %dma_wait3A_94 = tpu.memref_slice %arg5[%add3A_23, %dma_wait3A_93] : memref<10240x128xf32, #tpu.memory_space<vmem_shared>> -> memref<128x128xf32, #tpu.memory_space<vmem_shared>>
      tpu.wait_dma2 semaphore(%run_scoped3A : memref<!tpu.dma_semaphore, #tpu.memory_space<semaphore_mem>>) src(%arg8 : memref<128x128xf32, #tpu.memory_space<vmem>>) dst(%dma_wait3A_94 : memref<128x128xf32, #tpu.memory_space<vmem_shared>>)
      tpu.yield
    }) : () -> ()
    %mul3A_24 = arith.constant 640 : i32
    %mul3A_25 = arith.muli %arg1, %mul3A_24 : i32
    %add3A_26 = arith.constant 512 : i32
    %add3A_27 = arith.addi %mul3A_25, %add3A_26 : i32
    "tpu.region"() ({
      %run_scoped3A = tpu.sem_alloc : memref<!tpu.dma_semaphore, #tpu.memory_space<semaphore_mem>>
      %dma_start3A_87 = arith.constant 0 : i32
      %dma_start3A_88 = tpu.memref_slice %arg5[%add3A_27, %dma_start3A_87] : memref<10240x128xf32, #tpu.memory_space<vmem_shared>> -> memref<128x128xf32, #tpu.memory_space<vmem_shared>>
      %dma_start3A_89 = arith.constant 0 : i32
      %dma_start3A_90 = tpu.memref_slice %arg5[%add3A_27, %dma_start3A_89] : memref<10240x128xf32, #tpu.memory_space<vmem_shared>> -> memref<128x128xf32, #tpu.memory_space<vmem_shared>>
      tpu.enqueue_dma source(%arg8 : memref<128x128xf32, #tpu.memory_space<vmem>>) target(%dma_start3A_90 : memref<128x128xf32, #tpu.memory_space<vmem_shared>>) target_semaphore(%run_scoped3A : memref<!tpu.dma_semaphore, #tpu.memory_space<semaphore_mem>>)
      %dma_wait3A_91 = arith.constant 0 : i32
      %dma_wait3A_92 = tpu.memref_slice %arg5[%add3A_27, %dma_wait3A_91] : memref<10240x128xf32, #tpu.memory_space<vmem_shared>> -> memref<128x128xf32, #tpu.memory_space<vmem_shared>>
      %dma_wait3A_93 = arith.constant 0 : i32
      %dma_wait3A_94 = tpu.memref_slice %arg5[%add3A_27, %dma_wait3A_93] : memref<10240x128xf32, #tpu.memory_space<vmem_shared>> -> memref<128x128xf32, #tpu.memory_space<vmem_shared>>
      tpu.wait_dma2 semaphore(%run_scoped3A : memref<!tpu.dma_semaphore, #tpu.memory_space<semaphore_mem>>) src(%arg8 : memref<128x128xf32, #tpu.memory_space<vmem>>) dst(%dma_wait3A_94 : memref<128x128xf32, #tpu.memory_space<vmem_shared>>)
      tpu.yield
    }) : () -> ()
    %barrier3A = arith.constant 0 : index
    tpu.barrier barrier_id(%barrier3A)
    %dma_start3A = arith.constant 0 : i32
    %dma_start3A_28 = arith.constant 0 : i32
    %dma_start3A_29 = arith.constant 0 : i32
    %dma_start3A_30 = tpu.memref_slice %arg3[%add3A, %dma_start3A, %dma_start3A_28, %dma_start3A_29] : memref<32x80x2x128xi32, #tpu.memory_space<hbm>> -> memref<1x1x2x128xi32, #tpu.memory_space<hbm>>
    %dma_start3A_31 = tpu.memref_squeeze %dma_start3A_30 : memref<1x1x2x128xi32, #tpu.memory_space<hbm>> -> memref<2x128xi32, #tpu.memory_space<hbm>>
    %dma_start3A_32 = arith.constant 0 : i32
    %dma_start3A_33 = arith.constant 0 : i32
    %dma_start3A_34 = tpu.memref_slice %arg3[%add3A, %dma_start3A, %dma_start3A_32, %dma_start3A_33] : memref<32x80x2x128xi32, #tpu.memory_space<hbm>> -> memref<1x1x2x128xi32, #tpu.memory_space<hbm>>
    %dma_start3A_35 = tpu.memref_squeeze %dma_start3A_34 : memref<1x1x2x128xi32, #tpu.memory_space<hbm>> -> memref<2x128xi32, #tpu.memory_space<hbm>>
    tpu.enqueue_dma source(%dma_start3A_35 : memref<2x128xi32, #tpu.memory_space<hbm>>) target(%arg6 : memref<2x128xi32, #tpu.memory_space<vmem>>) target_semaphore(%arg10 : memref<!tpu.dma_semaphore, #tpu.memory_space<semaphore_mem>>)
    %dma_start3A_36 = arith.constant 1 : i32
    %dma_start3A_37 = arith.constant 0 : i32
    %dma_start3A_38 = arith.constant 0 : i32
    %dma_start3A_39 = tpu.memref_slice %arg3[%add3A, %dma_start3A_36, %dma_start3A_37, %dma_start3A_38] : memref<32x80x2x128xi32, #tpu.memory_space<hbm>> -> memref<1x1x2x128xi32, #tpu.memory_space<hbm>>
    %dma_start3A_40 = tpu.memref_squeeze %dma_start3A_39 : memref<1x1x2x128xi32, #tpu.memory_space<hbm>> -> memref<2x128xi32, #tpu.memory_space<hbm>>
    %dma_start3A_41 = arith.constant 0 : i32
    %dma_start3A_42 = arith.constant 0 : i32
    %dma_start3A_43 = tpu.memref_slice %arg3[%add3A, %dma_start3A_36, %dma_start3A_41, %dma_start3A_42] : memref<32x80x2x128xi32, #tpu.memory_space<hbm>> -> memref<1x1x2x128xi32, #tpu.memory_space<hbm>>
    %dma_start3A_44 = tpu.memref_squeeze %dma_start3A_43 : memref<1x1x2x128xi32, #tpu.memory_space<hbm>> -> memref<2x128xi32, #tpu.memory_space<hbm>>
    tpu.enqueue_dma source(%dma_start3A_44 : memref<2x128xi32, #tpu.memory_space<hbm>>) target(%arg7 : memref<2x128xi32, #tpu.memory_space<vmem>>) target_semaphore(%arg11 : memref<!tpu.dma_semaphore, #tpu.memory_space<semaphore_mem>>)
    %dma_wait3A = arith.constant 0 : i32
    %dma_wait3A_45 = arith.constant 0 : i32
    %dma_wait3A_46 = arith.constant 0 : i32
    %dma_wait3A_47 = tpu.memref_slice %arg3[%add3A, %dma_wait3A, %dma_wait3A_45, %dma_wait3A_46] : memref<32x80x2x128xi32, #tpu.memory_space<hbm>> -> memref<1x1x2x128xi32, #tpu.memory_space<hbm>>
    %dma_wait3A_48 = tpu.memref_squeeze %dma_wait3A_47 : memref<1x1x2x128xi32, #tpu.memory_space<hbm>> -> memref<2x128xi32, #tpu.memory_space<hbm>>
    %dma_wait3A_49 = arith.constant 0 : i32
    %dma_wait3A_50 = arith.constant 0 : i32
    %dma_wait3A_51 = tpu.memref_slice %arg3[%add3A, %dma_wait3A, %dma_wait3A_49, %dma_wait3A_50] : memref<32x80x2x128xi32, #tpu.memory_space<hbm>> -> memref<1x1x2x128xi32, #tpu.memory_space<hbm>>
    %dma_wait3A_52 = tpu.memref_squeeze %dma_wait3A_51 : memref<1x1x2x128xi32, #tpu.memory_space<hbm>> -> memref<2x128xi32, #tpu.memory_space<hbm>>
    tpu.wait_dma2 semaphore(%arg10 : memref<!tpu.dma_semaphore, #tpu.memory_space<semaphore_mem>>) src(%dma_wait3A_52 : memref<2x128xi32, #tpu.memory_space<hbm>>) dst(%arg6 : memref<2x128xi32, #tpu.memory_space<vmem>>)
    %dma_start3A_53 = arith.constant 0 : i32
    %dma_start3A_54 = arith.constant 0 : i32
    %dma_start3A_55 = tpu.memref_slice %arg6[%dma_start3A_53, %dma_start3A_54] : memref<2x128xi32, #tpu.memory_space<vmem>> -> memref<1x128xi32, #tpu.memory_space<vmem>>
    %dma_start3A_56 = tpu.memref_squeeze %dma_start3A_55 : memref<1x128xi32, #tpu.memory_space<vmem>> -> memref<128xi32, #tpu.memory_space<vmem>>
    %dma_start3A_57 = arith.constant 0 : i32
    %dma_start3A_58 = arith.constant 0 : i32
    %dma_start3A_59 = tpu.memref_slice %arg2[%dma_start3A_57, %dma_start3A_58] : memref<10000x128xf32, #tpu.memory_space<hbm>> -> memref<10000x128xf32, #tpu.memory_space<hbm>>
    tpu.enqueue_indirect_dma source(%dma_start3A_59 : memref<10000x128xf32, #tpu.memory_space<hbm>>) target(%arg8 : memref<128x128xf32, #tpu.memory_space<vmem>>) offsets(%dma_start3A_56 : memref<128xi32, #tpu.memory_space<vmem>>) semaphore(%arg12 : memref<!tpu.dma_semaphore, #tpu.memory_space<semaphore_mem>>)
    %scan3A_60 = arith.constant 0 : i32
    %scan3A_61 = arith.constant 0 : i32
    %scan3A_62 = arith.constant 40 : i32
    %scan3A_63 = arith.addi %scan3A_61, %scan3A_62 : i32
    %scan3A_64 = arith.constant 1 : i32
    scf.for %scan3A_87 = %scan3A_61 to %scan3A_63 step %scan3A_64  : i32 {
      %mul3A_88 = arith.constant 2 : i32
      %mul3A_89 = arith.muli %mul3A_88, %scan3A_87 : i32
      %dma_wait3A_90 = arith.constant 0 : i32
      %dma_wait3A_91 = arith.constant 0 : i32
      %dma_wait3A_92 = tpu.memref_slice %arg6[%dma_wait3A_90, %dma_wait3A_91] : memref<2x128xi32, #tpu.memory_space<vmem>> -> memref<1x128xi32, #tpu.memory_space<vmem>>
      %dma_wait3A_93 = tpu.memref_squeeze %dma_wait3A_92 : memref<1x128xi32, #tpu.memory_space<vmem>> -> memref<128xi32, #tpu.memory_space<vmem>>
      %dma_wait3A_94 = arith.constant 0 : i32
      %dma_wait3A_95 = arith.constant 0 : i32
      %dma_wait3A_96 = tpu.memref_slice %arg2[%dma_wait3A_94, %dma_wait3A_95] : memref<10000x128xf32, #tpu.memory_space<hbm>> -> memref<10000x128xf32, #tpu.memory_space<hbm>>
      tpu.wait_indirect_dma semaphore(%arg12 : memref<!tpu.dma_semaphore, #tpu.memory_space<semaphore_mem>>) src(%dma_wait3A_96 : memref<10000x128xf32, #tpu.memory_space<hbm>>) dst(%arg8 : memref<128x128xf32, #tpu.memory_space<vmem>>)
      %lt3A = arith.constant 79 : i32
      %lt3A_97 = arith.cmpi slt, %mul3A_89, %lt3A : i32
      %convert_element_type3A = arith.extui %lt3A_97 : i1 to i32
      %cond3A = arith.constant 0 : i32
      %cond3A_98 = arith.cmpi ne, %convert_element_type3A, %cond3A : i32
      scf.if %cond3A_98 {
        %add3A_126 = arith.constant 1 : i32
        %add3A_127 = arith.addi %mul3A_89, %add3A_126 : i32
        %dma_wait3A_128 = arith.constant 0 : i32
        %dma_wait3A_129 = arith.constant 0 : i32
        %dma_wait3A_130 = tpu.memref_slice %arg3[%add3A, %add3A_127, %dma_wait3A_128, %dma_wait3A_129] : memref<32x80x2x128xi32, #tpu.memory_space<hbm>> -> memref<1x1x2x128xi32, #tpu.memory_space<hbm>>
        %dma_wait3A_131 = tpu.memref_squeeze %dma_wait3A_130 : memref<1x1x2x128xi32, #tpu.memory_space<hbm>> -> memref<2x128xi32, #tpu.memory_space<hbm>>
        %dma_wait3A_132 = arith.constant 0 : i32
        %dma_wait3A_133 = arith.constant 0 : i32
        %dma_wait3A_134 = tpu.memref_slice %arg3[%add3A, %add3A_127, %dma_wait3A_132, %dma_wait3A_133] : memref<32x80x2x128xi32, #tpu.memory_space<hbm>> -> memref<1x1x2x128xi32, #tpu.memory_space<hbm>>
        %dma_wait3A_135 = tpu.memref_squeeze %dma_wait3A_134 : memref<1x1x2x128xi32, #tpu.memory_space<hbm>> -> memref<2x128xi32, #tpu.memory_space<hbm>>
        tpu.wait_dma2 semaphore(%arg11 : memref<!tpu.dma_semaphore, #tpu.memory_space<semaphore_mem>>) src(%dma_wait3A_135 : memref<2x128xi32, #tpu.memory_space<hbm>>) dst(%arg7 : memref<2x128xi32, #tpu.memory_space<vmem>>)
        %dma_start3A_136 = arith.constant 0 : i32
        %dma_start3A_137 = arith.constant 0 : i32
        %dma_start3A_138 = tpu.memref_slice %arg7[%dma_start3A_136, %dma_start3A_137] : memref<2x128xi32, #tpu.memory_space<vmem>> -> memref<1x128xi32, #tpu.memory_space<vmem>>
        %dma_start3A_139 = tpu.memref_squeeze %dma_start3A_138 : memref<1x128xi32, #tpu.memory_space<vmem>> -> memref<128xi32, #tpu.memory_space<vmem>>
        %dma_start3A_140 = arith.constant 0 : i32
        %dma_start3A_141 = arith.constant 0 : i32
        %dma_start3A_142 = tpu.memref_slice %arg2[%dma_start3A_140, %dma_start3A_141] : memref<10000x128xf32, #tpu.memory_space<hbm>> -> memref<10000x128xf32, #tpu.memory_space<hbm>>
        tpu.enqueue_indirect_dma source(%dma_start3A_142 : memref<10000x128xf32, #tpu.memory_space<hbm>>) target(%arg9 : memref<128x128xf32, #tpu.memory_space<vmem>>) offsets(%dma_start3A_139 : memref<128xi32, #tpu.memory_space<vmem>>) semaphore(%arg13 : memref<!tpu.dma_semaphore, #tpu.memory_space<semaphore_mem>>)
      } else {
      }
      %run_scoped3A = arith.constant 1 : i32
      "tpu.region"() ({
        %run_scoped3A_126 = tpu.sem_alloc : memref<!tpu.dma_semaphore, #tpu.memory_space<semaphore_mem>>
        %dma_start3A_127 = arith.constant 0 : i32
        %dma_start3A_128 = tpu.memref_slice %arg6[%run_scoped3A, %dma_start3A_127] : memref<2x128xi32, #tpu.memory_space<vmem>> -> memref<1x128xi32, #tpu.memory_space<vmem>>
        %dma_start3A_129 = tpu.memref_squeeze %dma_start3A_128 : memref<1x128xi32, #tpu.memory_space<vmem>> -> memref<128xi32, #tpu.memory_space<vmem>>
        %dma_start3A_130 = arith.constant 0 : i32
        %dma_start3A_131 = arith.constant 0 : i32
        %dma_start3A_132 = tpu.memref_slice %arg5[%dma_start3A_130, %dma_start3A_131] : memref<10240x128xf32, #tpu.memory_space<vmem_shared>> -> memref<10240x128xf32, #tpu.memory_space<vmem_shared>>
        tpu.enqueue_indirect_dma source(%arg8 : memref<128x128xf32, #tpu.memory_space<vmem>>) target(%dma_start3A_132 : memref<10240x128xf32, #tpu.memory_space<vmem_shared>>) offsets(%dma_start3A_129 : memref<128xi32, #tpu.memory_space<vmem>>) semaphore(%run_scoped3A_126 : memref<!tpu.dma_semaphore, #tpu.memory_space<semaphore_mem>>) {add = true}
        %dma_wait3A_133 = arith.constant 0 : i32
        %dma_wait3A_134 = tpu.memref_slice %arg6[%run_scoped3A, %dma_wait3A_133] : memref<2x128xi32, #tpu.memory_space<vmem>> -> memref<1x128xi32, #tpu.memory_space<vmem>>
        %dma_wait3A_135 = tpu.memref_squeeze %dma_wait3A_134 : memref<1x128xi32, #tpu.memory_space<vmem>> -> memref<128xi32, #tpu.memory_space<vmem>>
        %dma_wait3A_136 = arith.constant 0 : i32
        %dma_wait3A_137 = arith.constant 0 : i32
        %dma_wait3A_138 = tpu.memref_slice %arg5[%dma_wait3A_136, %dma_wait3A_137] : memref<10240x128xf32, #tpu.memory_space<vmem_shared>> -> memref<10240x128xf32, #tpu.memory_space<vmem_shared>>
        tpu.wait_indirect_dma semaphore(%run_scoped3A_126 : memref<!tpu.dma_semaphore, #tpu.memory_space<semaphore_mem>>) src(%arg8 : memref<128x128xf32, #tpu.memory_space<vmem>>) dst(%dma_wait3A_138 : memref<10240x128xf32, #tpu.memory_space<vmem_shared>>)
        tpu.yield
      }) : () -> ()
      %lt3A_99 = arith.constant 78 : i32
      %lt3A_100 = arith.cmpi slt, %mul3A_89, %lt3A_99 : i32
      %convert_element_type3A_101 = arith.extui %lt3A_100 : i1 to i32
      %cond3A_102 = arith.constant 0 : i32
      %cond3A_103 = arith.cmpi ne, %convert_element_type3A_101, %cond3A_102 : i32
      scf.if %cond3A_103 {
        %add3A_126 = arith.constant 2 : i32
        %add3A_127 = arith.addi %mul3A_89, %add3A_126 : i32
        %dma_start3A_128 = arith.constant 0 : i32
        %dma_start3A_129 = arith.constant 0 : i32
        %dma_start3A_130 = tpu.memref_slice %arg3[%add3A, %add3A_127, %dma_start3A_128, %dma_start3A_129] : memref<32x80x2x128xi32, #tpu.memory_space<hbm>> -> memref<1x1x2x128xi32, #tpu.memory_space<hbm>>
        %dma_start3A_131 = tpu.memref_squeeze %dma_start3A_130 : memref<1x1x2x128xi32, #tpu.memory_space<hbm>> -> memref<2x128xi32, #tpu.memory_space<hbm>>
        %dma_start3A_132 = arith.constant 0 : i32
        %dma_start3A_133 = arith.constant 0 : i32
        %dma_start3A_134 = tpu.memref_slice %arg3[%add3A, %add3A_127, %dma_start3A_132, %dma_start3A_133] : memref<32x80x2x128xi32, #tpu.memory_space<hbm>> -> memref<1x1x2x128xi32, #tpu.memory_space<hbm>>
        %dma_start3A_135 = tpu.memref_squeeze %dma_start3A_134 : memref<1x1x2x128xi32, #tpu.memory_space<hbm>> -> memref<2x128xi32, #tpu.memory_space<hbm>>
        tpu.enqueue_dma source(%dma_start3A_135 : memref<2x128xi32, #tpu.memory_space<hbm>>) target(%arg6 : memref<2x128xi32, #tpu.memory_space<vmem>>) target_semaphore(%arg10 : memref<!tpu.dma_semaphore, #tpu.memory_space<semaphore_mem>>)
      } else {
      }
      %mul3A_104 = arith.constant 2 : i32
      %mul3A_105 = arith.muli %mul3A_104, %scan3A_87 : i32
      %add3A_106 = arith.constant 1 : i32
      %add3A_107 = arith.addi %mul3A_105, %add3A_106 : i32
      %dma_wait3A_108 = arith.constant 0 : i32
      %dma_wait3A_109 = arith.constant 0 : i32
      %dma_wait3A_110 = tpu.memref_slice %arg7[%dma_wait3A_108, %dma_wait3A_109] : memref<2x128xi32, #tpu.memory_space<vmem>> -> memref<1x128xi32, #tpu.memory_space<vmem>>
      %dma_wait3A_111 = tpu.memref_squeeze %dma_wait3A_110 : memref<1x128xi32, #tpu.memory_space<vmem>> -> memref<128xi32, #tpu.memory_space<vmem>>
      %dma_wait3A_112 = arith.constant 0 : i32
      %dma_wait3A_113 = arith.constant 0 : i32
      %dma_wait3A_114 = tpu.memref_slice %arg2[%dma_wait3A_112, %dma_wait3A_113] : memref<10000x128xf32, #tpu.memory_space<hbm>> -> memref<10000x128xf32, #tpu.memory_space<hbm>>
      tpu.wait_indirect_dma semaphore(%arg13 : memref<!tpu.dma_semaphore, #tpu.memory_space<semaphore_mem>>) src(%dma_wait3A_114 : memref<10000x128xf32, #tpu.memory_space<hbm>>) dst(%arg9 : memref<128x128xf32, #tpu.memory_space<vmem>>)
      %lt3A_115 = arith.constant 79 : i32
      %lt3A_116 = arith.cmpi slt, %add3A_107, %lt3A_115 : i32
      %convert_element_type3A_117 = arith.extui %lt3A_116 : i1 to i32
      %cond3A_118 = arith.constant 0 : i32
      %cond3A_119 = arith.cmpi ne, %convert_element_type3A_117, %cond3A_118 : i32
      scf.if %cond3A_119 {
        %add3A_126 = arith.constant 1 : i32
        %add3A_127 = arith.addi %add3A_107, %add3A_126 : i32
        %dma_wait3A_128 = arith.constant 0 : i32
        %dma_wait3A_129 = arith.constant 0 : i32
        %dma_wait3A_130 = tpu.memref_slice %arg3[%add3A, %add3A_127, %dma_wait3A_128, %dma_wait3A_129] : memref<32x80x2x128xi32, #tpu.memory_space<hbm>> -> memref<1x1x2x128xi32, #tpu.memory_space<hbm>>
        %dma_wait3A_131 = tpu.memref_squeeze %dma_wait3A_130 : memref<1x1x2x128xi32, #tpu.memory_space<hbm>> -> memref<2x128xi32, #tpu.memory_space<hbm>>
        %dma_wait3A_132 = arith.constant 0 : i32
        %dma_wait3A_133 = arith.constant 0 : i32
        %dma_wait3A_134 = tpu.memref_slice %arg3[%add3A, %add3A_127, %dma_wait3A_132, %dma_wait3A_133] : memref<32x80x2x128xi32, #tpu.memory_space<hbm>> -> memref<1x1x2x128xi32, #tpu.memory_space<hbm>>
        %dma_wait3A_135 = tpu.memref_squeeze %dma_wait3A_134 : memref<1x1x2x128xi32, #tpu.memory_space<hbm>> -> memref<2x128xi32, #tpu.memory_space<hbm>>
        tpu.wait_dma2 semaphore(%arg10 : memref<!tpu.dma_semaphore, #tpu.memory_space<semaphore_mem>>) src(%dma_wait3A_135 : memref<2x128xi32, #tpu.memory_space<hbm>>) dst(%arg6 : memref<2x128xi32, #tpu.memory_space<vmem>>)
        %dma_start3A_136 = arith.constant 0 : i32
        %dma_start3A_137 = arith.constant 0 : i32
        %dma_start3A_138 = tpu.memref_slice %arg6[%dma_start3A_136, %dma_start3A_137] : memref<2x128xi32, #tpu.memory_space<vmem>> -> memref<1x128xi32, #tpu.memory_space<vmem>>
        %dma_start3A_139 = tpu.memref_squeeze %dma_start3A_138 : memref<1x128xi32, #tpu.memory_space<vmem>> -> memref<128xi32, #tpu.memory_space<vmem>>
        %dma_start3A_140 = arith.constant 0 : i32
        %dma_start3A_141 = arith.constant 0 : i32
        %dma_start3A_142 = tpu.memref_slice %arg2[%dma_start3A_140, %dma_start3A_141] : memref<10000x128xf32, #tpu.memory_space<hbm>> -> memref<10000x128xf32, #tpu.memory_space<hbm>>
        tpu.enqueue_indirect_dma source(%dma_start3A_142 : memref<10000x128xf32, #tpu.memory_space<hbm>>) target(%arg8 : memref<128x128xf32, #tpu.memory_space<vmem>>) offsets(%dma_start3A_139 : memref<128xi32, #tpu.memory_space<vmem>>) semaphore(%arg12 : memref<!tpu.dma_semaphore, #tpu.memory_space<semaphore_mem>>)
      } else {
      }
      %run_scoped3A_120 = arith.constant 1 : i32
      "tpu.region"() ({
        %run_scoped3A_126 = tpu.sem_alloc : memref<!tpu.dma_semaphore, #tpu.memory_space<semaphore_mem>>
        %dma_start3A_127 = arith.constant 0 : i32
        %dma_start3A_128 = tpu.memref_slice %arg7[%run_scoped3A_120, %dma_start3A_127] : memref<2x128xi32, #tpu.memory_space<vmem>> -> memref<1x128xi32, #tpu.memory_space<vmem>>
        %dma_start3A_129 = tpu.memref_squeeze %dma_start3A_128 : memref<1x128xi32, #tpu.memory_space<vmem>> -> memref<128xi32, #tpu.memory_space<vmem>>
        %dma_start3A_130 = arith.constant 0 : i32
        %dma_start3A_131 = arith.constant 0 : i32
        %dma_start3A_132 = tpu.memref_slice %arg5[%dma_start3A_130, %dma_start3A_131] : memref<10240x128xf32, #tpu.memory_space<vmem_shared>> -> memref<10240x128xf32, #tpu.memory_space<vmem_shared>>
        tpu.enqueue_indirect_dma source(%arg9 : memref<128x128xf32, #tpu.memory_space<vmem>>) target(%dma_start3A_132 : memref<10240x128xf32, #tpu.memory_space<vmem_shared>>) offsets(%dma_start3A_129 : memref<128xi32, #tpu.memory_space<vmem>>) semaphore(%run_scoped3A_126 : memref<!tpu.dma_semaphore, #tpu.memory_space<semaphore_mem>>) {add = true}
        %dma_wait3A_133 = arith.constant 0 : i32
        %dma_wait3A_134 = tpu.memref_slice %arg7[%run_scoped3A_120, %dma_wait3A_133] : memref<2x128xi32, #tpu.memory_space<vmem>> -> memref<1x128xi32, #tpu.memory_space<vmem>>
        %dma_wait3A_135 = tpu.memref_squeeze %dma_wait3A_134 : memref<1x128xi32, #tpu.memory_space<vmem>> -> memref<128xi32, #tpu.memory_space<vmem>>
        %dma_wait3A_136 = arith.constant 0 : i32
        %dma_wait3A_137 = arith.constant 0 : i32
        %dma_wait3A_138 = tpu.memref_slice %arg5[%dma_wait3A_136, %dma_wait3A_137] : memref<10240x128xf32, #tpu.memory_space<vmem_shared>> -> memref<10240x128xf32, #tpu.memory_space<vmem_shared>>
        tpu.wait_indirect_dma semaphore(%run_scoped3A_126 : memref<!tpu.dma_semaphore, #tpu.memory_space<semaphore_mem>>) src(%arg9 : memref<128x128xf32, #tpu.memory_space<vmem>>) dst(%dma_wait3A_138 : memref<10240x128xf32, #tpu.memory_space<vmem_shared>>)
        tpu.yield
      }) : () -> ()
      %lt3A_121 = arith.constant 78 : i32
      %lt3A_122 = arith.cmpi slt, %add3A_107, %lt3A_121 : i32
      %convert_element_type3A_123 = arith.extui %lt3A_122 : i1 to i32
      %cond3A_124 = arith.constant 0 : i32
      %cond3A_125 = arith.cmpi ne, %convert_element_type3A_123, %cond3A_124 : i32
      scf.if %cond3A_125 {
        %add3A_126 = arith.constant 2 : i32
        %add3A_127 = arith.addi %add3A_107, %add3A_126 : i32
        %dma_start3A_128 = arith.constant 0 : i32
        %dma_start3A_129 = arith.constant 0 : i32
        %dma_start3A_130 = tpu.memref_slice %arg3[%add3A, %add3A_127, %dma_start3A_128, %dma_start3A_129] : memref<32x80x2x128xi32, #tpu.memory_space<hbm>> -> memref<1x1x2x128xi32, #tpu.memory_space<hbm>>
        %dma_start3A_131 = tpu.memref_squeeze %dma_start3A_130 : memref<1x1x2x128xi32, #tpu.memory_space<hbm>> -> memref<2x128xi32, #tpu.memory_space<hbm>>
        %dma_start3A_132 = arith.constant 0 : i32
        %dma_start3A_133 = arith.constant 0 : i32
        %dma_start3A_134 = tpu.memref_slice %arg3[%add3A, %add3A_127, %dma_start3A_132, %dma_start3A_133] : memref<32x80x2x128xi32, #tpu.memory_space<hbm>> -> memref<1x1x2x128xi32, #tpu.memory_space<hbm>>
        %dma_start3A_135 = tpu.memref_squeeze %dma_start3A_134 : memref<1x1x2x128xi32, #tpu.memory_space<hbm>> -> memref<2x128xi32, #tpu.memory_space<hbm>>
        tpu.enqueue_dma source(%dma_start3A_135 : memref<2x128xi32, #tpu.memory_space<hbm>>) target(%arg7 : memref<2x128xi32, #tpu.memory_space<vmem>>) target_semaphore(%arg11 : memref<!tpu.dma_semaphore, #tpu.memory_space<semaphore_mem>>)
      } else {
      }
    }
    %scan3A_65 = arith.constant 40 : i32
    %barrier3A_66 = arith.constant 0 : index
    tpu.barrier barrier_id(%barrier3A_66)
    %mul3A_67 = arith.constant 640 : i32
    %mul3A_68 = arith.muli %arg1, %mul3A_67 : i32
    %add3A_69 = arith.constant 0 : i32
    %add3A_70 = arith.addi %mul3A_68, %add3A_69 : i32
    "tpu.region"() ({
      %run_scoped3A = tpu.sem_alloc : memref<!tpu.dma_semaphore, #tpu.memory_space<semaphore_mem>>
      %dma_start3A_87 = arith.constant 0 : i32
      %dma_start3A_88 = tpu.memref_slice %arg5[%add3A_70, %dma_start3A_87] : memref<10240x128xf32, #tpu.memory_space<vmem_shared>> -> memref<128x128xf32, #tpu.memory_space<vmem_shared>>
      %dma_start3A_89 = arith.constant 0 : i32
      %dma_start3A_90 = tpu.memref_slice %arg5[%add3A_70, %dma_start3A_89] : memref<10240x128xf32, #tpu.memory_space<vmem_shared>> -> memref<128x128xf32, #tpu.memory_space<vmem_shared>>
      tpu.enqueue_dma source(%dma_start3A_90 : memref<128x128xf32, #tpu.memory_space<vmem_shared>>) target(%arg8 : memref<128x128xf32, #tpu.memory_space<vmem>>) target_semaphore(%run_scoped3A : memref<!tpu.dma_semaphore, #tpu.memory_space<semaphore_mem>>)
      %dma_wait3A_91 = arith.constant 0 : i32
      %dma_wait3A_92 = tpu.memref_slice %arg5[%add3A_70, %dma_wait3A_91] : memref<10240x128xf32, #tpu.memory_space<vmem_shared>> -> memref<128x128xf32, #tpu.memory_space<vmem_shared>>
      %dma_wait3A_93 = arith.constant 0 : i32
      %dma_wait3A_94 = tpu.memref_slice %arg5[%add3A_70, %dma_wait3A_93] : memref<10240x128xf32, #tpu.memory_space<vmem_shared>> -> memref<128x128xf32, #tpu.memory_space<vmem_shared>>
      tpu.wait_dma2 semaphore(%run_scoped3A : memref<!tpu.dma_semaphore, #tpu.memory_space<semaphore_mem>>) src(%dma_wait3A_94 : memref<128x128xf32, #tpu.memory_space<vmem_shared>>) dst(%arg8 : memref<128x128xf32, #tpu.memory_space<vmem>>)
      tpu.yield
    }) : () -> ()
    "tpu.region"() ({
      %run_scoped3A = tpu.sem_alloc : memref<!tpu.dma_semaphore, #tpu.memory_space<semaphore_mem>>
      %dma_start3A_87 = arith.constant 0 : i32
      %dma_start3A_88 = tpu.memref_slice %arg4[%arg0, %add3A_70, %dma_start3A_87] : memref<2x10240x128xf32, #tpu.memory_space<hbm>> -> memref<1x128x128xf32, #tpu.memory_space<hbm>>
      %dma_start3A_89 = tpu.memref_squeeze %dma_start3A_88 : memref<1x128x128xf32, #tpu.memory_space<hbm>> -> memref<128x128xf32, #tpu.memory_space<hbm>>
      %dma_start3A_90 = arith.constant 0 : i32
      %dma_start3A_91 = tpu.memref_slice %arg4[%arg0, %add3A_70, %dma_start3A_90] : memref<2x10240x128xf32, #tpu.memory_space<hbm>> -> memref<1x128x128xf32, #tpu.memory_space<hbm>>
      %dma_start3A_92 = tpu.memref_squeeze %dma_start3A_91 : memref<1x128x128xf32, #tpu.memory_space<hbm>> -> memref<128x128xf32, #tpu.memory_space<hbm>>
      tpu.enqueue_dma source(%arg8 : memref<128x128xf32, #tpu.memory_space<vmem>>) target(%dma_start3A_92 : memref<128x128xf32, #tpu.memory_space<hbm>>) target_semaphore(%run_scoped3A : memref<!tpu.dma_semaphore, #tpu.memory_space<semaphore_mem>>)
      %dma_wait3A_93 = arith.constant 0 : i32
      %dma_wait3A_94 = tpu.memref_slice %arg4[%arg0, %add3A_70, %dma_wait3A_93] : memref<2x10240x128xf32, #tpu.memory_space<hbm>> -> memref<1x128x128xf32, #tpu.memory_space<hbm>>
      %dma_wait3A_95 = tpu.memref_squeeze %dma_wait3A_94 : memref<1x128x128xf32, #tpu.memory_space<hbm>> -> memref<128x128xf32, #tpu.memory_space<hbm>>
      %dma_wait3A_96 = arith.constant 0 : i32
      %dma_wait3A_97 = tpu.memref_slice %arg4[%arg0, %add3A_70, %dma_wait3A_96] : memref<2x10240x128xf32, #tpu.memory_space<hbm>> -> memref<1x128x128xf32, #tpu.memory_space<hbm>>
      %dma_wait3A_98 = tpu.memref_squeeze %dma_wait3A_97 : memref<1x128x128xf32, #tpu.memory_space<hbm>> -> memref<128x128xf32, #tpu.memory_space<hbm>>
      tpu.wait_dma2 semaphore(%run_scoped3A : memref<!tpu.dma_semaphore, #tpu.memory_space<semaphore_mem>>) src(%arg8 : memref<128x128xf32, #tpu.memory_space<vmem>>) dst(%dma_wait3A_98 : memref<128x128xf32, #tpu.memory_space<hbm>>)
      tpu.yield
    }) : () -> ()
    %mul3A_71 = arith.constant 640 : i32
    %mul3A_72 = arith.muli %arg1, %mul3A_71 : i32
    %add3A_73 = arith.constant 128 : i32
    %add3A_74 = arith.addi %mul3A_72, %add3A_73 : i32
    "tpu.region"() ({
      %run_scoped3A = tpu.sem_alloc : memref<!tpu.dma_semaphore, #tpu.memory_space<semaphore_mem>>
      %dma_start3A_87 = arith.constant 0 : i32
      %dma_start3A_88 = tpu.memref_slice %arg5[%add3A_74, %dma_start3A_87] : memref<10240x128xf32, #tpu.memory_space<vmem_shared>> -> memref<128x128xf32, #tpu.memory_space<vmem_shared>>
      %dma_start3A_89 = arith.constant 0 : i32
      %dma_start3A_90 = tpu.memref_slice %arg5[%add3A_74, %dma_start3A_89] : memref<10240x128xf32, #tpu.memory_space<vmem_shared>> -> memref<128x128xf32, #tpu.memory_space<vmem_shared>>
      tpu.enqueue_dma source(%dma_start3A_90 : memref<128x128xf32, #tpu.memory_space<vmem_shared>>) target(%arg8 : memref<128x128xf32, #tpu.memory_space<vmem>>) target_semaphore(%run_scoped3A : memref<!tpu.dma_semaphore, #tpu.memory_space<semaphore_mem>>)
      %dma_wait3A_91 = arith.constant 0 : i32
      %dma_wait3A_92 = tpu.memref_slice %arg5[%add3A_74, %dma_wait3A_91] : memref<10240x128xf32, #tpu.memory_space<vmem_shared>> -> memref<128x128xf32, #tpu.memory_space<vmem_shared>>
      %dma_wait3A_93 = arith.constant 0 : i32
      %dma_wait3A_94 = tpu.memref_slice %arg5[%add3A_74, %dma_wait3A_93] : memref<10240x128xf32, #tpu.memory_space<vmem_shared>> -> memref<128x128xf32, #tpu.memory_space<vmem_shared>>
      tpu.wait_dma2 semaphore(%run_scoped3A : memref<!tpu.dma_semaphore, #tpu.memory_space<semaphore_mem>>) src(%dma_wait3A_94 : memref<128x128xf32, #tpu.memory_space<vmem_shared>>) dst(%arg8 : memref<128x128xf32, #tpu.memory_space<vmem>>)
      tpu.yield
    }) : () -> ()
    "tpu.region"() ({
      %run_scoped3A = tpu.sem_alloc : memref<!tpu.dma_semaphore, #tpu.memory_space<semaphore_mem>>
      %dma_start3A_87 = arith.constant 0 : i32
      %dma_start3A_88 = tpu.memref_slice %arg4[%arg0, %add3A_74, %dma_start3A_87] : memref<2x10240x128xf32, #tpu.memory_space<hbm>> -> memref<1x128x128xf32, #tpu.memory_space<hbm>>
      %dma_start3A_89 = tpu.memref_squeeze %dma_start3A_88 : memref<1x128x128xf32, #tpu.memory_space<hbm>> -> memref<128x128xf32, #tpu.memory_space<hbm>>
      %dma_start3A_90 = arith.constant 0 : i32
      %dma_start3A_91 = tpu.memref_slice %arg4[%arg0, %add3A_74, %dma_start3A_90] : memref<2x10240x128xf32, #tpu.memory_space<hbm>> -> memref<1x128x128xf32, #tpu.memory_space<hbm>>
      %dma_start3A_92 = tpu.memref_squeeze %dma_start3A_91 : memref<1x128x128xf32, #tpu.memory_space<hbm>> -> memref<128x128xf32, #tpu.memory_space<hbm>>
      tpu.enqueue_dma source(%arg8 : memref<128x128xf32, #tpu.memory_space<vmem>>) target(%dma_start3A_92 : memref<128x128xf32, #tpu.memory_space<hbm>>) target_semaphore(%run_scoped3A : memref<!tpu.dma_semaphore, #tpu.memory_space<semaphore_mem>>)
      %dma_wait3A_93 = arith.constant 0 : i32
      %dma_wait3A_94 = tpu.memref_slice %arg4[%arg0, %add3A_74, %dma_wait3A_93] : memref<2x10240x128xf32, #tpu.memory_space<hbm>> -> memref<1x128x128xf32, #tpu.memory_space<hbm>>
      %dma_wait3A_95 = tpu.memref_squeeze %dma_wait3A_94 : memref<1x128x128xf32, #tpu.memory_space<hbm>> -> memref<128x128xf32, #tpu.memory_space<hbm>>
      %dma_wait3A_96 = arith.constant 0 : i32
      %dma_wait3A_97 = tpu.memref_slice %arg4[%arg0, %add3A_74, %dma_wait3A_96] : memref<2x10240x128xf32, #tpu.memory_space<hbm>> -> memref<1x128x128xf32, #tpu.memory_space<hbm>>
      %dma_wait3A_98 = tpu.memref_squeeze %dma_wait3A_97 : memref<1x128x128xf32, #tpu.memory_space<hbm>> -> memref<128x128xf32, #tpu.memory_space<hbm>>
      tpu.wait_dma2 semaphore(%run_scoped3A : memref<!tpu.dma_semaphore, #tpu.memory_space<semaphore_mem>>) src(%arg8 : memref<128x128xf32, #tpu.memory_space<vmem>>) dst(%dma_wait3A_98 : memref<128x128xf32, #tpu.memory_space<hbm>>)
      tpu.yield
    }) : () -> ()
    %mul3A_75 = arith.constant 640 : i32
    %mul3A_76 = arith.muli %arg1, %mul3A_75 : i32
    %add3A_77 = arith.constant 256 : i32
    %add3A_78 = arith.addi %mul3A_76, %add3A_77 : i32
    "tpu.region"() ({
      %run_scoped3A = tpu.sem_alloc : memref<!tpu.dma_semaphore, #tpu.memory_space<semaphore_mem>>
      %dma_start3A_87 = arith.constant 0 : i32
      %dma_start3A_88 = tpu.memref_slice %arg5[%add3A_78, %dma_start3A_87] : memref<10240x128xf32, #tpu.memory_space<vmem_shared>> -> memref<128x128xf32, #tpu.memory_space<vmem_shared>>
      %dma_start3A_89 = arith.constant 0 : i32
      %dma_start3A_90 = tpu.memref_slice %arg5[%add3A_78, %dma_start3A_89] : memref<10240x128xf32, #tpu.memory_space<vmem_shared>> -> memref<128x128xf32, #tpu.memory_space<vmem_shared>>
      tpu.enqueue_dma source(%dma_start3A_90 : memref<128x128xf32, #tpu.memory_space<vmem_shared>>) target(%arg8 : memref<128x128xf32, #tpu.memory_space<vmem>>) target_semaphore(%run_scoped3A : memref<!tpu.dma_semaphore, #tpu.memory_space<semaphore_mem>>)
      %dma_wait3A_91 = arith.constant 0 : i32
      %dma_wait3A_92 = tpu.memref_slice %arg5[%add3A_78, %dma_wait3A_91] : memref<10240x128xf32, #tpu.memory_space<vmem_shared>> -> memref<128x128xf32, #tpu.memory_space<vmem_shared>>
      %dma_wait3A_93 = arith.constant 0 : i32
      %dma_wait3A_94 = tpu.memref_slice %arg5[%add3A_78, %dma_wait3A_93] : memref<10240x128xf32, #tpu.memory_space<vmem_shared>> -> memref<128x128xf32, #tpu.memory_space<vmem_shared>>
      tpu.wait_dma2 semaphore(%run_scoped3A : memref<!tpu.dma_semaphore, #tpu.memory_space<semaphore_mem>>) src(%dma_wait3A_94 : memref<128x128xf32, #tpu.memory_space<vmem_shared>>) dst(%arg8 : memref<128x128xf32, #tpu.memory_space<vmem>>)
      tpu.yield
    }) : () -> ()
    "tpu.region"() ({
      %run_scoped3A = tpu.sem_alloc : memref<!tpu.dma_semaphore, #tpu.memory_space<semaphore_mem>>
      %dma_start3A_87 = arith.constant 0 : i32
      %dma_start3A_88 = tpu.memref_slice %arg4[%arg0, %add3A_78, %dma_start3A_87] : memref<2x10240x128xf32, #tpu.memory_space<hbm>> -> memref<1x128x128xf32, #tpu.memory_space<hbm>>
      %dma_start3A_89 = tpu.memref_squeeze %dma_start3A_88 : memref<1x128x128xf32, #tpu.memory_space<hbm>> -> memref<128x128xf32, #tpu.memory_space<hbm>>
      %dma_start3A_90 = arith.constant 0 : i32
      %dma_start3A_91 = tpu.memref_slice %arg4[%arg0, %add3A_78, %dma_start3A_90] : memref<2x10240x128xf32, #tpu.memory_space<hbm>> -> memref<1x128x128xf32, #tpu.memory_space<hbm>>
      %dma_start3A_92 = tpu.memref_squeeze %dma_start3A_91 : memref<1x128x128xf32, #tpu.memory_space<hbm>> -> memref<128x128xf32, #tpu.memory_space<hbm>>
      tpu.enqueue_dma source(%arg8 : memref<128x128xf32, #tpu.memory_space<vmem>>) target(%dma_start3A_92 : memref<128x128xf32, #tpu.memory_space<hbm>>) target_semaphore(%run_scoped3A : memref<!tpu.dma_semaphore, #tpu.memory_space<semaphore_mem>>)
      %dma_wait3A_93 = arith.constant 0 : i32
      %dma_wait3A_94 = tpu.memref_slice %arg4[%arg0, %add3A_78, %dma_wait3A_93] : memref<2x10240x128xf32, #tpu.memory_space<hbm>> -> memref<1x128x128xf32, #tpu.memory_space<hbm>>
      %dma_wait3A_95 = tpu.memref_squeeze %dma_wait3A_94 : memref<1x128x128xf32, #tpu.memory_space<hbm>> -> memref<128x128xf32, #tpu.memory_space<hbm>>
      %dma_wait3A_96 = arith.constant 0 : i32
      %dma_wait3A_97 = tpu.memref_slice %arg4[%arg0, %add3A_78, %dma_wait3A_96] : memref<2x10240x128xf32, #tpu.memory_space<hbm>> -> memref<1x128x128xf32, #tpu.memory_space<hbm>>
      %dma_wait3A_98 = tpu.memref_squeeze %dma_wait3A_97 : memref<1x128x128xf32, #tpu.memory_space<hbm>> -> memref<128x128xf32, #tpu.memory_space<hbm>>
      tpu.wait_dma2 semaphore(%run_scoped3A : memref<!tpu.dma_semaphore, #tpu.memory_space<semaphore_mem>>) src(%arg8 : memref<128x128xf32, #tpu.memory_space<vmem>>) dst(%dma_wait3A_98 : memref<128x128xf32, #tpu.memory_space<hbm>>)
      tpu.yield
    }) : () -> ()
    %mul3A_79 = arith.constant 640 : i32
    %mul3A_80 = arith.muli %arg1, %mul3A_79 : i32
    %add3A_81 = arith.constant 384 : i32
    %add3A_82 = arith.addi %mul3A_80, %add3A_81 : i32
    "tpu.region"() ({
      %run_scoped3A = tpu.sem_alloc : memref<!tpu.dma_semaphore, #tpu.memory_space<semaphore_mem>>
      %dma_start3A_87 = arith.constant 0 : i32
      %dma_start3A_88 = tpu.memref_slice %arg5[%add3A_82, %dma_start3A_87] : memref<10240x128xf32, #tpu.memory_space<vmem_shared>> -> memref<128x128xf32, #tpu.memory_space<vmem_shared>>
      %dma_start3A_89 = arith.constant 0 : i32
      %dma_start3A_90 = tpu.memref_slice %arg5[%add3A_82, %dma_start3A_89] : memref<10240x128xf32, #tpu.memory_space<vmem_shared>> -> memref<128x128xf32, #tpu.memory_space<vmem_shared>>
      tpu.enqueue_dma source(%dma_start3A_90 : memref<128x128xf32, #tpu.memory_space<vmem_shared>>) target(%arg8 : memref<128x128xf32, #tpu.memory_space<vmem>>) target_semaphore(%run_scoped3A : memref<!tpu.dma_semaphore, #tpu.memory_space<semaphore_mem>>)
      %dma_wait3A_91 = arith.constant 0 : i32
      %dma_wait3A_92 = tpu.memref_slice %arg5[%add3A_82, %dma_wait3A_91] : memref<10240x128xf32, #tpu.memory_space<vmem_shared>> -> memref<128x128xf32, #tpu.memory_space<vmem_shared>>
      %dma_wait3A_93 = arith.constant 0 : i32
      %dma_wait3A_94 = tpu.memref_slice %arg5[%add3A_82, %dma_wait3A_93] : memref<10240x128xf32, #tpu.memory_space<vmem_shared>> -> memref<128x128xf32, #tpu.memory_space<vmem_shared>>
      tpu.wait_dma2 semaphore(%run_scoped3A : memref<!tpu.dma_semaphore, #tpu.memory_space<semaphore_mem>>) src(%dma_wait3A_94 : memref<128x128xf32, #tpu.memory_space<vmem_shared>>) dst(%arg8 : memref<128x128xf32, #tpu.memory_space<vmem>>)
      tpu.yield
    }) : () -> ()
    "tpu.region"() ({
      %run_scoped3A = tpu.sem_alloc : memref<!tpu.dma_semaphore, #tpu.memory_space<semaphore_mem>>
      %dma_start3A_87 = arith.constant 0 : i32
      %dma_start3A_88 = tpu.memref_slice %arg4[%arg0, %add3A_82, %dma_start3A_87] : memref<2x10240x128xf32, #tpu.memory_space<hbm>> -> memref<1x128x128xf32, #tpu.memory_space<hbm>>
      %dma_start3A_89 = tpu.memref_squeeze %dma_start3A_88 : memref<1x128x128xf32, #tpu.memory_space<hbm>> -> memref<128x128xf32, #tpu.memory_space<hbm>>
      %dma_start3A_90 = arith.constant 0 : i32
      %dma_start3A_91 = tpu.memref_slice %arg4[%arg0, %add3A_82, %dma_start3A_90] : memref<2x10240x128xf32, #tpu.memory_space<hbm>> -> memref<1x128x128xf32, #tpu.memory_space<hbm>>
      %dma_start3A_92 = tpu.memref_squeeze %dma_start3A_91 : memref<1x128x128xf32, #tpu.memory_space<hbm>> -> memref<128x128xf32, #tpu.memory_space<hbm>>
      tpu.enqueue_dma source(%arg8 : memref<128x128xf32, #tpu.memory_space<vmem>>) target(%dma_start3A_92 : memref<128x128xf32, #tpu.memory_space<hbm>>) target_semaphore(%run_scoped3A : memref<!tpu.dma_semaphore, #tpu.memory_space<semaphore_mem>>)
      %dma_wait3A_93 = arith.constant 0 : i32
      %dma_wait3A_94 = tpu.memref_slice %arg4[%arg0, %add3A_82, %dma_wait3A_93] : memref<2x10240x128xf32, #tpu.memory_space<hbm>> -> memref<1x128x128xf32, #tpu.memory_space<hbm>>
      %dma_wait3A_95 = tpu.memref_squeeze %dma_wait3A_94 : memref<1x128x128xf32, #tpu.memory_space<hbm>> -> memref<128x128xf32, #tpu.memory_space<hbm>>
      %dma_wait3A_96 = arith.constant 0 : i32
      %dma_wait3A_97 = tpu.memref_slice %arg4[%arg0, %add3A_82, %dma_wait3A_96] : memref<2x10240x128xf32, #tpu.memory_space<hbm>> -> memref<1x128x128xf32, #tpu.memory_space<hbm>>
      %dma_wait3A_98 = tpu.memref_squeeze %dma_wait3A_97 : memref<1x128x128xf32, #tpu.memory_space<hbm>> -> memref<128x128xf32, #tpu.memory_space<hbm>>
      tpu.wait_dma2 semaphore(%run_scoped3A : memref<!tpu.dma_semaphore, #tpu.memory_space<semaphore_mem>>) src(%arg8 : memref<128x128xf32, #tpu.memory_space<vmem>>) dst(%dma_wait3A_98 : memref<128x128xf32, #tpu.memory_space<hbm>>)
      tpu.yield
    }) : () -> ()
    %mul3A_83 = arith.constant 640 : i32
    %mul3A_84 = arith.muli %arg1, %mul3A_83 : i32
    %add3A_85 = arith.constant 512 : i32
    %add3A_86 = arith.addi %mul3A_84, %add3A_85 : i32
    "tpu.region"() ({
      %run_scoped3A = tpu.sem_alloc : memref<!tpu.dma_semaphore, #tpu.memory_space<semaphore_mem>>
      %dma_start3A_87 = arith.constant 0 : i32
      %dma_start3A_88 = tpu.memref_slice %arg5[%add3A_86, %dma_start3A_87] : memref<10240x128xf32, #tpu.memory_space<vmem_shared>> -> memref<128x128xf32, #tpu.memory_space<vmem_shared>>
      %dma_start3A_89 = arith.constant 0 : i32
      %dma_start3A_90 = tpu.memref_slice %arg5[%add3A_86, %dma_start3A_89] : memref<10240x128xf32, #tpu.memory_space<vmem_shared>> -> memref<128x128xf32, #tpu.memory_space<vmem_shared>>
      tpu.enqueue_dma source(%dma_start3A_90 : memref<128x128xf32, #tpu.memory_space<vmem_shared>>) target(%arg8 : memref<128x128xf32, #tpu.memory_space<vmem>>) target_semaphore(%run_scoped3A : memref<!tpu.dma_semaphore, #tpu.memory_space<semaphore_mem>>)
      %dma_wait3A_91 = arith.constant 0 : i32
      %dma_wait3A_92 = tpu.memref_slice %arg5[%add3A_86, %dma_wait3A_91] : memref<10240x128xf32, #tpu.memory_space<vmem_shared>> -> memref<128x128xf32, #tpu.memory_space<vmem_shared>>
      %dma_wait3A_93 = arith.constant 0 : i32
      %dma_wait3A_94 = tpu.memref_slice %arg5[%add3A_86, %dma_wait3A_93] : memref<10240x128xf32, #tpu.memory_space<vmem_shared>> -> memref<128x128xf32, #tpu.memory_space<vmem_shared>>
      tpu.wait_dma2 semaphore(%run_scoped3A : memref<!tpu.dma_semaphore, #tpu.memory_space<semaphore_mem>>) src(%dma_wait3A_94 : memref<128x128xf32, #tpu.memory_space<vmem_shared>>) dst(%arg8 : memref<128x128xf32, #tpu.memory_space<vmem>>)
      tpu.yield
    }) : () -> ()
    "tpu.region"() ({
      %run_scoped3A = tpu.sem_alloc : memref<!tpu.dma_semaphore, #tpu.memory_space<semaphore_mem>>
      %dma_start3A_87 = arith.constant 0 : i32
      %dma_start3A_88 = tpu.memref_slice %arg4[%arg0, %add3A_86, %dma_start3A_87] : memref<2x10240x128xf32, #tpu.memory_space<hbm>> -> memref<1x128x128xf32, #tpu.memory_space<hbm>>
      %dma_start3A_89 = tpu.memref_squeeze %dma_start3A_88 : memref<1x128x128xf32, #tpu.memory_space<hbm>> -> memref<128x128xf32, #tpu.memory_space<hbm>>
      %dma_start3A_90 = arith.constant 0 : i32
      %dma_start3A_91 = tpu.memref_slice %arg4[%arg0, %add3A_86, %dma_start3A_90] : memref<2x10240x128xf32, #tpu.memory_space<hbm>> -> memref<1x128x128xf32, #tpu.memory_space<hbm>>
      %dma_start3A_92 = tpu.memref_squeeze %dma_start3A_91 : memref<1x128x128xf32, #tpu.memory_space<hbm>> -> memref<128x128xf32, #tpu.memory_space<hbm>>
      tpu.enqueue_dma source(%arg8 : memref<128x128xf32, #tpu.memory_space<vmem>>) target(%dma_start3A_92 : memref<128x128xf32, #tpu.memory_space<hbm>>) target_semaphore(%run_scoped3A : memref<!tpu.dma_semaphore, #tpu.memory_space<semaphore_mem>>)
      %dma_wait3A_93 = arith.constant 0 : i32
      %dma_wait3A_94 = tpu.memref_slice %arg4[%arg0, %add3A_86, %dma_wait3A_93] : memref<2x10240x128xf32, #tpu.memory_space<hbm>> -> memref<1x128x128xf32, #tpu.memory_space<hbm>>
      %dma_wait3A_95 = tpu.memref_squeeze %dma_wait3A_94 : memref<1x128x128xf32, #tpu.memory_space<hbm>> -> memref<128x128xf32, #tpu.memory_space<hbm>>
      %dma_wait3A_96 = arith.constant 0 : i32
      %dma_wait3A_97 = tpu.memref_slice %arg4[%arg0, %add3A_86, %dma_wait3A_96] : memref<2x10240x128xf32, #tpu.memory_space<hbm>> -> memref<1x128x128xf32, #tpu.memory_space<hbm>>
      %dma_wait3A_98 = tpu.memref_squeeze %dma_wait3A_97 : memref<1x128x128xf32, #tpu.memory_space<hbm>> -> memref<128x128xf32, #tpu.memory_space<hbm>>
      tpu.wait_dma2 semaphore(%run_scoped3A : memref<!tpu.dma_semaphore, #tpu.memory_space<semaphore_mem>>) src(%arg8 : memref<128x128xf32, #tpu.memory_space<vmem>>) dst(%dma_wait3A_98 : memref<128x128xf32, #tpu.memory_space<hbm>>)
      tpu.yield
    }) : () -> ()
    return
  }
}

module attributes {stable_mosaic.version = 14 : i64} {
  func.func @_tc_body(%arg0: i32, %arg1: memref<1000x128xf32, #tpu.memory_space<vmem>>, %arg2: memref<2x1000x128xf32, #tpu.memory_space<vmem>>, %arg3: memref<1000x2xf32, #tpu.memory_space<vmem>>, %arg4: memref<128x128xf32, #tpu.memory_space<vmem>>, %arg5: memref<128x128xf32, #tpu.memory_space<vmem>>, %arg6: memref<1000x128xf32, #tpu.memory_space<vmem>>) attributes {dimension_semantics = [#tpu.dimension_semantics<arbitrary>], iteration_bounds = array<i64: 10>, scalar_prefetch = 0 : i64, scratch_operands = 0 : i64, tpu.core_type = #tpu.core_type<tc>, window_params = [{transform_indices = @transform_0, window_bounds = array<i64: 1000, 128>}, {transform_indices = @transform_1, window_bounds = array<i64: 2, 1000, 128>}, {transform_indices = @transform_2, window_bounds = array<i64: 1000, 2>}, {pipeline_mode = #tpu.pipeline_mode<synchronous>, transform_indices = @transform_3, window_bounds = array<i64: 128, 128>}, {pipeline_mode = #tpu.pipeline_mode<synchronous>, transform_indices = @transform_4, window_bounds = array<i64: 128, 128>}, {transform_indices = @transform_5, window_bounds = array<i64: 1000, 128>}]} {
    %get3A = arith.constant 0 : index
    %get3A_0 = arith.constant 0 : index
    %get3A_1 = vector.load %arg3[%get3A, %get3A_0] : memref<1000x2xf32, #tpu.memory_space<vmem>>, vector<1000x2xf32>
    %reduce_sum3A = arith.constant dense<0.000000e+00> : vector<1000xf32>
    %reduce_sum3A_2 = vector.multi_reduction <add>, %get3A_1, %reduce_sum3A [1] : vector<1000x2xf32> to vector<1000xf32>
    %max3A = arith.constant 1.000000e+00 : f32
    %max3A_3 = vector.broadcast %max3A : f32 to vector<1000xf32>
    %max3A_4 = arith.maximumf %reduce_sum3A_2, %max3A_3 : vector<1000xf32>
    %get3A_5 = arith.constant 0 : index
    %get3A_6 = arith.constant 0 : index
    %get3A_7 = arith.constant 0 : index
    %get3A_8 = vector.load %arg2[%get3A_5, %get3A_6, %get3A_7] : memref<2x1000x128xf32, #tpu.memory_space<vmem>>, vector<1x1000x128xf32>
    %get3A_9 = vector.shape_cast %get3A_8 : vector<1x1000x128xf32> to vector<1000x128xf32>
    %get3A_10 = arith.constant 1 : index
    %get3A_11 = arith.constant 0 : index
    %get3A_12 = arith.constant 0 : index
    %get3A_13 = vector.load %arg2[%get3A_10, %get3A_11, %get3A_12] : memref<2x1000x128xf32, #tpu.memory_space<vmem>>, vector<1x1000x128xf32>
    %get3A_14 = vector.shape_cast %get3A_13 : vector<1x1000x128xf32> to vector<1000x128xf32>
    %add3A = arith.addf %get3A_9, %get3A_14 : vector<1000x128xf32>
    %div3A = arith.constant 1.000000e+00 : f32
    %div3A_15 = vector.broadcast %div3A : f32 to vector<1000xf32>
    %div3A_16 = arith.divf %div3A_15, %max3A_4 : vector<1000xf32>
    %broadcast_in_dim3A = vector.shape_cast %div3A_16 : vector<1000xf32> to vector<1000x1xf32>
    %mul3A = vector.broadcast %broadcast_in_dim3A : vector<1000x1xf32> to vector<1000x128xf32>
    %mul3A_17 = arith.mulf %add3A, %mul3A : vector<1000x128xf32>
    %get3A_18 = arith.constant 0 : index
    %get3A_19 = arith.constant 0 : index
    %get3A_20 = vector.load %arg1[%get3A_18, %get3A_19] : memref<1000x128xf32, #tpu.memory_space<vmem>>, vector<1000x128xf32>
    %get3A_21 = arith.constant 0 : index
    %get3A_22 = arith.constant 0 : index
    %get3A_23 = vector.load %arg4[%get3A_21, %get3A_22] : memref<128x128xf32, #tpu.memory_space<vmem>>, vector<128x128xf32>
    %dot_general3A = arith.constant dense<0.000000e+00> : vector<1000x128xf32>
    %dot_general3A_24 = tpu.matmul %get3A_20, %get3A_23, %dot_general3A {dimension_numbers = #tpu.dot_dimension_numbers<[1], [0], [0], [1], [0, 0, 1, 1], [], []>, transpose_lhs_hint = false} : vector<1000x128xf32>, vector<128x128xf32>, vector<1000x128xf32> -> vector<1000x128xf32>
    %get3A_25 = arith.constant 0 : index
    %get3A_26 = arith.constant 0 : index
    %get3A_27 = vector.load %arg5[%get3A_25, %get3A_26] : memref<128x128xf32, #tpu.memory_space<vmem>>, vector<128x128xf32>
    %dot_general3A_28 = arith.constant dense<0.000000e+00> : vector<1000x128xf32>
    %dot_general3A_29 = tpu.matmul %mul3A_17, %get3A_27, %dot_general3A_28 {dimension_numbers = #tpu.dot_dimension_numbers<[1], [0], [0], [1], [0, 0, 1, 1], [], []>, transpose_lhs_hint = false} : vector<1000x128xf32>, vector<128x128xf32>, vector<1000x128xf32> -> vector<1000x128xf32>
    %add3A_30 = arith.addf %dot_general3A_24, %dot_general3A_29 : vector<1000x128xf32>
    %max3A_31 = arith.constant 0.000000e+00 : f32
    %max3A_32 = vector.broadcast %max3A_31 : f32 to vector<1000x128xf32>
    %max3A_33 = arith.maximumf %add3A_30, %max3A_32 : vector<1000x128xf32>
    %swap3A = arith.constant 0 : index
    %swap3A_34 = arith.constant 0 : index
    %swap3A_35 = vector.load %arg6[%swap3A, %swap3A_34] : memref<1000x128xf32, #tpu.memory_space<vmem>>, vector<1000x128xf32>
    tpu.vector_store %arg6[%swap3A, %swap3A_34], %max3A_33 {strides = array<i32>} : memref<1000x128xf32, #tpu.memory_space<vmem>>, vector<1000x128xf32>,
    return
  }
  func.func @transform_0(%arg0: i32) -> (i32, i32) {
    %c0_i32 = arith.constant 0 : i32
    %c0_i32_0 = arith.constant 0 : i32
    return %arg0, %c0_i32 : i32, i32
  }
  func.func @transform_1(%arg0: i32) -> (i32, i32, i32) {
    %c0_i32 = arith.constant 0 : i32
    %c0_i32_0 = arith.constant 0 : i32
    %c0_i32_1 = arith.constant 0 : i32
    return %c0_i32, %arg0, %c0_i32_0 : i32, i32, i32
  }
  func.func @transform_2(%arg0: i32) -> (i32, i32) {
    %c0_i32 = arith.constant 0 : i32
    %c0_i32_0 = arith.constant 0 : i32
    return %arg0, %c0_i32 : i32, i32
  }
  func.func @transform_3(%arg0: i32) -> (i32, i32) {
    %c0_i32 = arith.constant 0 : i32
    %c0_i32_0 = arith.constant 0 : i32
    %c0_i32_1 = arith.constant 0 : i32
    return %c0_i32, %c0_i32_0 : i32, i32
  }
  func.func @transform_4(%arg0: i32) -> (i32, i32) {
    %c0_i32 = arith.constant 0 : i32
    %c0_i32_0 = arith.constant 0 : i32
    %c0_i32_1 = arith.constant 0 : i32
    return %c0_i32, %c0_i32_0 : i32, i32
  }
  func.func @transform_5(%arg0: i32) -> (i32, i32) {
    %c0_i32 = arith.constant 0 : i32
    %c0_i32_0 = arith.constant 0 : i32
    return %arg0, %c0_i32 : i32, i32
  }
}

module attributes {stable_mosaic.version = 14 : i64} {
  func.func @_tc_body(%arg0: i32, %arg1: memref<1000x128xf32, #tpu.memory_space<vmem>>, %arg2: memref<2x1000x128xf32, #tpu.memory_space<vmem>>, %arg3: memref<1000x2xf32, #tpu.memory_space<vmem>>, %arg4: memref<128x128xf32, #tpu.memory_space<vmem>>, %arg5: memref<128x128xf32, #tpu.memory_space<vmem>>, %arg6: memref<1000x128xf32, #tpu.memory_space<vmem>>) attributes {dimension_semantics = [#tpu.dimension_semantics<arbitrary>], iteration_bounds = array<i64: 10>, scalar_prefetch = 0 : i64, scratch_operands = 0 : i64, tpu.core_type = #tpu.core_type<tc>, window_params = [{transform_indices = @transform_0, window_bounds = array<i64: 1000, 128>}, {transform_indices = @transform_1, window_bounds = array<i64: 2, 1000, 128>}, {transform_indices = @transform_2, window_bounds = array<i64: 1000, 2>}, {pipeline_mode = #tpu.pipeline_mode<synchronous>, transform_indices = @transform_3, window_bounds = array<i64: 128, 128>}, {pipeline_mode = #tpu.pipeline_mode<synchronous>, transform_indices = @transform_4, window_bounds = array<i64: 128, 128>}, {transform_indices = @transform_5, window_bounds = array<i64: 1000, 128>}]} {
    %get3A = arith.constant 0 : index
    %get3A_0 = arith.constant 0 : index
    %get3A_1 = vector.load %arg3[%get3A, %get3A_0] : memref<1000x2xf32, #tpu.memory_space<vmem>>, vector<1000x2xf32>
    %reduce_sum3A = arith.constant dense<0.000000e+00> : vector<1000xf32>
    %reduce_sum3A_2 = vector.multi_reduction <add>, %get3A_1, %reduce_sum3A [1] : vector<1000x2xf32> to vector<1000xf32>
    %max3A = arith.constant 1.000000e+00 : f32
    %max3A_3 = vector.broadcast %max3A : f32 to vector<1000xf32>
    %max3A_4 = arith.maximumf %reduce_sum3A_2, %max3A_3 : vector<1000xf32>
    %get3A_5 = arith.constant 0 : index
    %get3A_6 = arith.constant 0 : index
    %get3A_7 = arith.constant 0 : index
    %get3A_8 = vector.load %arg2[%get3A_5, %get3A_6, %get3A_7] : memref<2x1000x128xf32, #tpu.memory_space<vmem>>, vector<1x1000x128xf32>
    %get3A_9 = vector.shape_cast %get3A_8 : vector<1x1000x128xf32> to vector<1000x128xf32>
    %get3A_10 = arith.constant 1 : index
    %get3A_11 = arith.constant 0 : index
    %get3A_12 = arith.constant 0 : index
    %get3A_13 = vector.load %arg2[%get3A_10, %get3A_11, %get3A_12] : memref<2x1000x128xf32, #tpu.memory_space<vmem>>, vector<1x1000x128xf32>
    %get3A_14 = vector.shape_cast %get3A_13 : vector<1x1000x128xf32> to vector<1000x128xf32>
    %add3A = arith.addf %get3A_9, %get3A_14 : vector<1000x128xf32>
    %div3A = arith.constant 1.000000e+00 : f32
    %div3A_15 = vector.broadcast %div3A : f32 to vector<1000xf32>
    %div3A_16 = arith.divf %div3A_15, %max3A_4 : vector<1000xf32>
    %broadcast_in_dim3A = vector.shape_cast %div3A_16 : vector<1000xf32> to vector<1000x1xf32>
    %mul3A = vector.broadcast %broadcast_in_dim3A : vector<1000x1xf32> to vector<1000x128xf32>
    %mul3A_17 = arith.mulf %add3A, %mul3A : vector<1000x128xf32>
    %get3A_18 = arith.constant 0 : index
    %get3A_19 = arith.constant 0 : index
    %get3A_20 = vector.load %arg1[%get3A_18, %get3A_19] : memref<1000x128xf32, #tpu.memory_space<vmem>>, vector<1000x128xf32>
    %get3A_21 = arith.constant 0 : index
    %get3A_22 = arith.constant 0 : index
    %get3A_23 = vector.load %arg4[%get3A_21, %get3A_22] : memref<128x128xf32, #tpu.memory_space<vmem>>, vector<128x128xf32>
    %dot_general3A = arith.constant dense<0.000000e+00> : vector<1000x128xf32>
    %dot_general3A_24 = tpu.matmul %get3A_20, %get3A_23, %dot_general3A {dimension_numbers = #tpu.dot_dimension_numbers<[1], [0], [0], [1], [0, 0, 1, 1], [], []>, transpose_lhs_hint = false} : vector<1000x128xf32>, vector<128x128xf32>, vector<1000x128xf32> -> vector<1000x128xf32>
    %get3A_25 = arith.constant 0 : index
    %get3A_26 = arith.constant 0 : index
    %get3A_27 = vector.load %arg5[%get3A_25, %get3A_26] : memref<128x128xf32, #tpu.memory_space<vmem>>, vector<128x128xf32>
    %dot_general3A_28 = arith.constant dense<0.000000e+00> : vector<1000x128xf32>
    %dot_general3A_29 = tpu.matmul %mul3A_17, %get3A_27, %dot_general3A_28 {dimension_numbers = #tpu.dot_dimension_numbers<[1], [0], [0], [1], [0, 0, 1, 1], [], []>, transpose_lhs_hint = false} : vector<1000x128xf32>, vector<128x128xf32>, vector<1000x128xf32> -> vector<1000x128xf32>
    %add3A_30 = arith.addf %dot_general3A_24, %dot_general3A_29 : vector<1000x128xf32>
    %max3A_31 = arith.constant 0.000000e+00 : f32
    %max3A_32 = vector.broadcast %max3A_31 : f32 to vector<1000x128xf32>
    %max3A_33 = arith.maximumf %add3A_30, %max3A_32 : vector<1000x128xf32>
    %swap3A = arith.constant 0 : index
    %swap3A_34 = arith.constant 0 : index
    %swap3A_35 = vector.load %arg6[%swap3A, %swap3A_34] : memref<1000x128xf32, #tpu.memory_space<vmem>>, vector<1000x128xf32>
    tpu.vector_store %arg6[%swap3A, %swap3A_34], %max3A_33 {strides = array<i32>} : memref<1000x128xf32, #tpu.memory_space<vmem>>, vector<1000x128xf32>,
    return
  }
  func.func @transform_0(%arg0: i32) -> (i32, i32) {
    %c0_i32 = arith.constant 0 : i32
    %c0_i32_0 = arith.constant 0 : i32
    return %arg0, %c0_i32 : i32, i32
  }
  func.func @transform_1(%arg0: i32) -> (i32, i32, i32) {
    %c0_i32 = arith.constant 0 : i32
    %c0_i32_0 = arith.constant 0 : i32
    %c0_i32_1 = arith.constant 0 : i32
    return %c0_i32, %arg0, %c0_i32_0 : i32, i32, i32
  }
  func.func @transform_2(%arg0: i32) -> (i32, i32) {
    %c0_i32 = arith.constant 0 : i32
    %c0_i32_0 = arith.constant 0 : i32
    return %arg0, %c0_i32 : i32, i32
  }
  func.func @transform_3(%arg0: i32) -> (i32, i32) {
    %c0_i32 = arith.constant 0 : i32
    %c0_i32_0 = arith.constant 0 : i32
    %c0_i32_1 = arith.constant 0 : i32
    return %c0_i32, %c0_i32_0 : i32, i32
  }
  func.func @transform_4(%arg0: i32) -> (i32, i32) {
    %c0_i32 = arith.constant 0 : i32
    %c0_i32_0 = arith.constant 0 : i32
    %c0_i32_1 = arith.constant 0 : i32
    return %c0_i32, %c0_i32_0 : i32, i32
  }
  func.func @transform_5(%arg0: i32) -> (i32, i32) {
    %c0_i32 = arith.constant 0 : i32
    %c0_i32_0 = arith.constant 0 : i32
    return %arg0, %c0_i32 : i32, i32
  }
}

</mosaic_0001>

<sc_bundles>
// kernel: kernel.10.cloned.1.call-start
scs
__scs_entry_jumppad:
0x0: {  	(pc) =	sbr.rel $0x88, $3  }
0x1: {  	(tag) =	ssettag $0x0;
	lr =	simm.s32 $0x1  }
0x2: {  	[smem:$0x3F9D] =	sst lr;
	_ =	strace $0xD0000000  }
0x3: {  	_ = 	snop  }
0x4: {  	_ = 	snop  }
0x5: {  	_ = 	snop  }
0x6: {  	_ = 	snop  }
0x7: {  	_ = 	snop  }
__scs_overlays_trampoline_lowered:
0x8: {  	[smem:$0x3FAC] =	sst s0  }
0x9: {  	[smem:$0x3FAD] =	sst s1  }
0xa: {  	[smem:$0x3FAE] =	sst s2  }
0xb: {  	[smem:$0x3FAF] =	sst s3  }
0xc: {  	[smem:$0x3FB0] =	sst s4  }
0xd: {  	[smem:$0x3FB1] =	sst s5  }
0xe: {  	[smem:$0x3FB2] =	sst s6  }
0xf: {  	[smem:$0x3FB3] =	sst s7  }
0x10: {  	[smem:$0x3FB4] =	sst s8  }
0x11: {  	[smem:$0x3FB5] =	sst s9;
	s0 =	simm.s32 @!p0 $0x0  }
0x12: {  	s1 =	sld [smem:$0x3F9B];
	s0 =	simm.s32 @p0 $0x1  }
0x13: {  	[smem:$0x3FB6] =	sst s0;
	s0 =	simm.s32 @!p1 $0x0  }
0x14: {  	s2 =	sld [smem:$0x3F9A];
	s0 =	simm.s32 @p1 $0x1  }
0x15: {  	[smem:$0x3FB7] =	sst s0;
	s0 =	simm.s32 @!p2 $0x0  }
0x16: {  	s3 =	sld [smem:$0x3FDB];
	s0 =	simm.s32 @p2 $0x1  }
0x17: {  	s4 =	simm.s32 $0x1BF5;
	[smem:$0x3FB9] =	sst s0  }
0x18: {  	s0 =	sld [smem:$0x3F9C];
	_ =	swait.ge [sflag:s4], $0x0  }
0x19: {  	s7 =	sld [smem:$0x3F9D]  }
0x1a: {  	s8 =	sadd.s32 $0xFFFFE003, lr  }
0x1b: {  	s9 =	sadd.s32 $0xFFFFFEF7, lr;
	s5 =	simm.s32 $0xFFFFFFFF;
	p2 =	slt.u32 s8, $0xFFFFF086  }
0x1c: {  	p1 =	slt.u32 s9, $0xF7A;
	s5 =	simm.s32 @!p2 $0x0  }
0x1d: {  	s5 =	simm.s32 @p1 $0x1;
	p0 =	seq.s32 s7, s2  }
0x1e: {  	s7 =	smul.u32 @!p0 $0xF7A, s2;
	p2 =	seq.s32 @!p0 s5, $0x0  }
0x1f: {  	s9 =	smul.u32 $0xF7A, s1;
	s8 =	simm.s32 @!p0 $0x1BF5;
	p2 =	por !p2, p0  }
0x20: {  	[sflag:s8] =	ssyncset.s32 @!p0 $0xFFFFF086;
	s6 =	sadd.s32 @!p0 s3, s7;
	s7 =	simm.s32 @!p0 $0x108  }
0x21: {  	s3 =	sadd.s32 s3, s9;
	s6 =	sadd.s32 @!p0 $0x88, s6;
	s7 =	simm.s32 @p2 $0x1082  }
0x22: {  	[simem:s7], [sflag:s8] =	dma.local @!p0 [hbm:s6], $0xF7A  }
0x23: {  	s9 =	sor.u32 $0xD0000000, s2;
	s6 =	simm.s32 $0x108;
	_ =	swait.ge @!p0 [sflag:s8], $0x0  }
0x24: {  	s3 =	sadd.s32 $0x88, s3;
	s6 =	simm.s32 @!p1 $0x1082;
	[sflag:s4] =	ssyncset.s32 $0xFFFFF086  }
0x25: {  	[simem:s6], [sflag:s4] =	dma.local [hbm:s3], $0xF7A  }
0x26: {  	[smem:$0x3F9D] =	sst s1;
	(tag) =	ssettag s2;
	_ =	strace s9  }
0x27: {  	s1 =	sld [smem:$0x3FAD]  }
0x28: {  	s2 =	sld [smem:$0x3FAE]  }
0x29: {  	s4 =	sld [smem:$0x3FB0]  }
0x2a: {  	p0 =	seq.s32 s5, $0x0;
	s5 =	sld [smem:$0x3FB1]  }
0x2b: {  	s6 =	sld [smem:$0x3FB2]  }
0x2c: {  	s7 =	sld [smem:$0x3FB3]  }
0x2d: {  	s3 =	simm.s32 $0x108;
	s8 =	sld [smem:$0x3FB4]  }
0x2e: {  	s3 =	simm.s32 @!p0 $0x1082;
	s9 =	sld [smem:$0x3FB5]  }
0x2f: {  	lr =	sadd.s32 s0, s3;
	s0 =	sld [smem:$0x3FAC]  }
0x30: {  	s3 =	sld [smem:$0x3FAF]  }
0x31: {  	[smem:$0x3FB8] =	sst s10  }
0x32: {  	s10 =	sld [smem:$0x3FB6];
	_ =	sdelay $0x3  }
0x33: {  	p0 =	seq.s32 s10, $0x1;
	s10 =	sld [smem:$0x3FB8];
	_ =	sdelay $0x3  }
0x34: {  	[smem:$0x3FB8] =	sst s10  }
0x35: {  	s10 =	sld [smem:$0x3FB7];
	_ =	sdelay $0x3  }
0x36: {  	p1 =	seq.s32 s10, $0x1;
	s10 =	sld [smem:$0x3FB8];
	_ =	sdelay $0x3  }
0x37: {  	[smem:$0x3FB8] =	sst s10  }
0x38: {  	s10 =	sld [smem:$0x3FB9]  }
0x39: {  	_ = 	snop;
	(pc) =	sbr.ind lr, $3  }
0x3a: {  	_ = 	snop  }
0x3b: {  	_ = 	snop  }
0x3c: {  	p2 =	seq.s32 s10, $0x1;
	s10 =	sld [smem:$0x3FB8]  }
0x3d: {  	_ =	shalt  }
0x3e: {  	_ =	shalt  }
0x3f: {  	_ =	shalt  }
0x40: {  	_ =	shalt  }
0x41: {  	_ =	shalt  }
0x42: {  	_ =	shalt  }
0x43: {  	_ =	shalt  }
0x44: {  	_ =	shalt  }
0x45: {  	_ =	shalt  }
0x46: {  	_ =	shalt  }
0x47: {  	_ =	shalt  }
0x48: {  	_ =	shalt  }
0x49: {  	_ =	shalt  }
0x4a: {  	_ =	shalt  }
0x4b: {  	_ =	shalt  }
0x4c: {  	_ =	shalt  }
0x4d: {  	_ =	shalt  }
0x4e: {  	_ =	shalt  }
0x4f: {  	_ =	shalt  }
0x50: {  	_ =	shalt  }
0x51: {  	_ =	shalt  }
0x52: {  	_ =	shalt  }
0x53: {  	_ =	shalt  }
0x54: {  	_ =	shalt  }
0x55: {  	_ =	shalt  }
0x56: {  	_ =	shalt  }
0x57: {  	_ =	shalt  }
0x58: {  	_ =	shalt  }
0x59: {  	_ =	shalt  }
0x5a: {  	_ =	shalt  }
0x5b: {  	_ =	shalt  }
0x5c: {  	_ =	shalt  }
0x5d: {  	_ =	shalt  }
0x5e: {  	_ =	shalt  }
0x5f: {  	_ =	shalt  }
0x60: {  	_ =	shalt  }
0x61: {  	_ =	shalt  }
0x62: {  	_ =	shalt  }
0x63: {  	_ =	shalt  }
0x64: {  	_ =	shalt  }
0x65: {  	_ =	shalt  }
0x66: {  	_ =	shalt  }
0x67: {  	_ =	shalt  }
0x68: {  	_ =	shalt  }
0x69: {  	_ =	shalt  }
0x6a: {  	_ =	shalt  }
0x6b: {  	_ =	shalt  }
0x6c: {  	_ =	shalt  }
0x6d: {  	_ =	shalt  }
0x6e: {  	_ =	shalt  }
0x6f: {  	_ =	shalt  }
0x70: {  	_ =	shalt  }
0x71: {  	_ =	shalt  }
0x72: {  	_ =	shalt  }
0x73: {  	_ =	shalt  }
0x74: {  	_ =	shalt  }
0x75: {  	_ =	shalt  }
0x76: {  	_ =	shalt  }
0x77: {  	_ =	shalt  }
0x78: {  	_ =	shalt  }
0x79: {  	_ =	shalt  }
0x7a: {  	_ =	shalt  }
0x7b: {  	_ =	shalt  }
0x7c: {  	_ =	shalt  }
0x7d: {  	_ =	shalt  }
0x7e: {  	_ =	shalt  }
0x7f: {  	_ =	shalt  }
0x80: {  	_ =	shalt  }
0x81: {  	_ =	shalt  }
0x82: {  	_ =	shalt  }
0x83: {  	_ =	shalt  }
0x84: {  	_ =	shalt  }
0x85: {  	_ =	shalt  }
0x86: {  	_ =	shalt  }
0x87: {  	_ =	shalt  }
.Lfunc_end0:
.L_simem_size_0:
called_computation.1_lowered:
.L_overlay_start_0:
0x88: {  	s2 =	sld [smem:$0x3FD9]  }
0x89: {  	s3 =	sld [smem:$0x3FFE];
	_ =	sdelay $0x1  }
0x8a: {  	s1 =	srdreg.scid  }
0x8b: {  	s0 =	sand.u32 $0x1, s1  }
0x8c: {  	s17 =	sshll.u32 s0, $0xA;
	s2 =	sadd.s32 s3, s2  }
0x8d: {  	s2 =	sadd.s32 s2, s17  }
0x8e: {  	[smem:$0x3FC4] =	sst s2  }
0x8f: {  	_ = 	snop  }
0x90: {  	s18 =	sld [smem:$0x3FC9];
	(tm) =	ssettm $0x1  }
0x91: {  	s19 =	sld [smem:$0x3FFB];
	_ =	sdelay $0x3  }
0x92: {  	_ =	strace s19  }
0x93: {  	s2 =	sld [smem:$0x3FFC];
	_ =	sdelay $0x3  }
0x94: {  	_ =	strace s2  }
0x95: {  	s2 =	sld [smem:$0x3FFD];
	_ =	sdelay $0x3  }
0x96: {  	_ =	strace s2  }
0x97: {  	_ =	strace $0x8FFFFFFF  }
0x98: {  	s20 =	sld [smem:$0x3FDB];
	_ =	sdelay $0x1  }
0x99: {  	s4 =	simm.s32 $_scs_section_size  }
0x9a: {  	s5 =	simm.s32 $_size__tile_overlayer_lowered;
	s6 =	simm.s32 $_tile_overlayer_lowered  }
0x9b: {  	s7 =	simm.s32 $0x1BFF;
	s21 =	sshll.u32 s6, $0x1;
	s4 =	sadd.s32 s4, s20  }
0x9c: {  	s22 =	simm.s32 $0x0;
	s5 =	sshll.u32 s5, $0x1;
	s6 =	sadd.s32 s21, s4  }
0x9d: {  	[timem:s22], [sflag:s7] =	dma.local [hbm:s6], s5  }
0x9e: {  	_ =	swait.ge [sflag:s7], s5  }
0x9f: {  	s5 =	ssub.s32 $0x0, s5;
	[sflag:s7] =	ssyncset.done $0x0  }
0xa0: {  	[sflag:s7] =	ssyncadd.s32 s5;
	_ =	sdelay $0x1  }
0xa1: {  	s23 =	simm.s32 $0x1B8B  }
0xa2: {  	_ =	swait.ge [sflag:s23], $0x1  }
0xa3: {  	[sflag:s23] =	ssyncset.done $0x0  }
0xa4: {  	[sflag:s23] =	ssyncadd.s32 $0xFFFFFFFF  }
0xa5: {  	s5 =	sld [smem:$0x0]  }
0xa6: {  	s6 =	sand.u32 $0xFFFFFFFE, s1  }
0xa7: {  	p0 =	sne.s32 s1, s6  }
0xa8: {  	s6 =	sshll.u32 @p0 s6, $0xE  }
0xa9: {  	s6 =	sadd.s32 @p0 $0x11B8D, s6;
	s7 =	sshll.u32 @p0 s5, $0x11  }
0xaa: {  	s6 =	sor.u32 @p0 s7, s6  }
0xab: {  	[sflag:s6] =	ssyncadd.remote.s32 @p0 $0x1;
	_ =	sdelay $0x1  }
0xac: {  	s6 =	simm.s32 @p0 $0x1B8D  }
0xad: {  	_ =	swait.eq @p0 [sflag:s6], $0x1  }
0xae: {  	[sflag:s6] =	ssyncadd.s32 @p0 $0xFFFFFFFF  }
0xaf: {  	s7 =	sshll.u32 @!p0 s1, $0xE  }
0xb0: {  	s7 =	sor.u32 @!p0 $0x4000, s7;
	s6 =	simm.s32 @!p0 $0x1B8D  }
0xb1: {  	s5 =	sshll.u32 @!p0 s5, $0x11;
	s7 =	sadd.s32 @!p0 $0x11B8D, s7;
	_ =	swait.eq @!p0 [sflag:s6], $0x1  }
0xb2: {  	s5 =	sor.u32 @!p0 s5, s7;
	[sflag:s6] =	ssyncadd.s32 @!p0 $0xFFFFFFFF  }
0xb3: {  	s25 =	simm.s32 $0x1B8E;
	s24 =	sld [smem:$0x3FFE];
	[sflag:s5] =	ssyncadd.remote.s32 @!p0 $0x1  }
0xb4: {  	s26 =	simm.s32 $execute0_lowered;
	[smem:$0x3FD2] =	sst s25  }
0xb5: {  	s6 =	sshll.u32 s26, $0x1;
	_ =	strace $0x80000049;
	[dreg:$0x1] =	wrdreg $0xFFFFFFFF  }
0xb6: {  	s28 =	simm.s32 $_size_execute0_lowered;
	s4 =	sadd.s32 s4, s6;
	[dreg:$0x0] =	wrdreg $0x0  }
0xb7: {  	s6 =	sshll.u32 s28, $0x1;
	[dreg:$0x2] =	wrdreg s4  }
0xb8: {  	[dreg:$0x3] =	wrdreg s6  }
0xb9: {  	[dreg:$0x4] =	wrdreg $0xC0  }
0xba: {  	_ =	task [dreg:s22], $0x5FFFF  }
0xbb: {  	[dreg:$0x1] =	wrdreg $0xFFFFFFFF  }
0xbc: {  	[dreg:$0x0] =	wrdreg $0x60  }
0xbd: {  	[dreg:$0x2] =	wrdreg s18  }
0xbe: {  	[dreg:$0x3] =	wrdreg s24  }
0xbf: {  	[dreg:$0x4] =	wrdreg $0x0  }
0xc0: {  	[dreg:$0x5] =	wrdreg $0xA  }
0xc1: {  	_ =	task.clear_ibuf [dreg:s22], $0x6FFFF;
	_ =	strace $0x90000049  }
0xc2: {  	s29 =	simm.s32 $0xA;
	_ =	strace $0x8000004B  }
0xc3: {  	_ =	swait.ge [sflag:s29], $0x1  }
0xc4: {  	[sflag:s29] =	ssyncadd.s32 $0xFFFFFFFF  }
0xc5: {  	_ =	strace $0x9000004B  }
0xc6: {  	_ =	sfence  }
0xc7: {  	s30 =	sld [smem:$0x0];
	_ =	sdelay $0x2  }
0xc8: {  	s31 =	sshll.u32 s1, $0xD;
	s1 =	sshrl.u32 s1, $0x2  }
0xc9: {  	s4 =	sand.u32 $0x4000, s31;
	s1 =	sadd.s32 s1, s30  }
0xca: {  	s0 =	sor.u32 s4, s0;
	s1 =	sshll.u32 s1, $0x11  }
0xcb: {  	s0 =	sor.u32 s1, s0  }
0xcc: {  	s0 =	sadd.s32 $0x8F2B, s0  }
0xcd: {  	[sflag:s0] =	ssyncadd.remote.s32 $0x1  }
0xce: {  	_ =	sfence.sel $0xFFFF  }
0xcf: {  	[dreg:$0x0] =	wrdreg $0xFFFFFFFF;
	(pc) =	sbr.abs _section_cstart, $3  }
0xd0: {  	[dreg:$0x1] =	wrdreg $0xFFFFFFFF  }
0xd1: {  	_ =	task.clear_ibuf [dreg:s22], $0x2FFFF;
	_ =	strace $0x9FFFFFFF  }
0xd2: {  	(tm) =	ssettm $0x7FFFFFFF  }
0xd3: {  	_ =	shalt  }
tec
execute0_lowered:
.L_overlay_start_1:
0x0: {  	(tag) =	ssettag $0x1  }
0x1: {  	s1 =	rddreg [dreg:$0x0]  }
0x2: {  	s0 =	rddreg [dreg:$0x1]  }
0x3: {  	s2 =	rddreg [dreg:$0x2];
	s4 =	simm.s32 $0x0;
	s3 =	srdreg.scid  }
0x4: {  	s20 =	stileid.u32;
	s28 =	simm.s32 $0x2;
	s29 =	simm.s32 $0x18200  }
0x5: {  	s30 =	simm.s32 $0x14080;
	s31 =	simm.s32 $0x4;
	s6 =	smul.u32 $0x50000, s20  }
0x6: {  	[smem:$0x7FF] =	sst s4;
	s3 =	sand.u32 $0x1, s3;
	s10 =	smul.u32 $0x14000, s20  }
0x7: {  	s11 =	sadd.s32 $0x1A00, s0;
	s0 =	sadd.s32 $0x15A00, s0;
	s25 =	smul.u32 $0x5000, s20  }
0x8: {  	_ =	strace $0x8000004A;
	s5 =	ssub.s32 $0x2, s3;
	s17 =	sshll.u32 s3, $0x4  }
0x9: {  	s7 =	sshrl.u32 s5, $0x1;
	s18 =	sor.u32 s20, s17;
	s19 =	sshrl.u32 s6, $0x2  }
0xa: {  	s13 =	sadd.s32 $0x4000, s10;
	s15 =	sadd.s32 $0x8000, s10;
	s17 =	smul.u32 $0x140000, s3  }
0xb: {  	s16 =	sadd.s32 $0xC000, s10;
	s3 =	smul.u32 $0x50000, s3;
	s20 =	simm.s32 $0x14200  }
0xc: {  	s12 =	ssub.s32 s5, s7;
	s5 =	sadd.s32 s19, s2;
	s6 =	sadd.s32 s13, s2  }
0xd: {  	s14 =	smul.u32 $0x5000, s18;
	s7 =	sadd.s32 s15, s2;
	s18 =	sadd.s32 $0x10000, s10  }
0xe: {  	s8 =	sadd.s32 s16, s2;
	s9 =	sadd.s32 s18, s2;
	s19 =	sadd.s32 s10, s17  }
0xf: {  	s13 =	sadd.s32 s17, s13;
	s23 =	sadd.s32 s17, s15;
	s24 =	sadd.s32 s17, s16  }
0x10: {  	s17 =	sadd.s32 s17, s18;
	s3 =	sadd.s32 s25, s3;
	s25 =	simm.s32 $0x80  }
0x11: {  	s14 =	sshrl.u32 s14, $0x3;
	s21 =	sshrl.u32 s19, $0x3;
	s13 =	sshrl.u32 s13, $0x3  }
0x12: {  	s15 =	sshrl.u32 s24, $0x3;
	s17 =	sshrl.u32 s17, $0x3;
	s26 =	sor.u32 $0x300, s3  }
0x13: {  	s3 =	sor.u32 $0x200, s3;
	s24 =	simm.s32 $0x1;
	s10 =	sadd.s32 s11, s14  }
0x14: {  	s14 =	sadd.s32 s0, s21;
	s13 =	sadd.s32 s0, s13;
	s15 =	sadd.s32 s0, s15  }
0x15: {  	s16 =	sadd.s32 s0, s17;
	s17 =	smax.u32 s12, $0x1;
	s3 =	sshrl.u32 s3, $0x3  }
0x16: {  	s21 =	simm.s32 $0x5;
	s22 =	sadd.s32 $0x20, s10;
	[dreg:$0x5] =	wrdreg s14  }
0x17: {  	[dreg:$0x6] =	wrdreg s13;
	s14 =	sshrl.u32 s23, $0x3;
	s19 =	sadd.s32 s3, s11  }
0x18: {  	s23 =	simm.s32 $0x14100;
	s3 =	simm.s32 $0x0;
	[dreg:$0x4] =	wrdreg s22  }
0x19: {  	s14 =	sadd.s32 s0, s14;
	s0 =	sshrl.u32 s26, $0x3;
	s22 =	simm.s32 $0x14000  }
0x1a: {  	v0 =	vimm.f32 $0.0e+00;
	s26 =	simm.s32 $0x3;
	s18 =	sadd.s32 s0, s11;
	s0 =	simm.s32 $0x14180  }
.LBB2_1:
0x1b: {  	s11 =	simm.s32 $0x0;
	s12 =	simm.s32 $0x200  }
.LBB2_2:
0x1c: {  	p0 =	sne.s32 s12, $0xFE00;
	[tilespmem:s11+$0x14270] =	vst v0  }
0x1d: {  	[tilespmem:s11+$0x14200] =	vst v0  }
0x1e: {  	[tilespmem:s11+$0x14210] =	vst v0  }
.Ltmp0:
0x1f: {  	[tilespmem:s11+$0x14220] =	vst v0;
	(pc) =	sbr.rel @p0 .LBB2_2-.Ltmp0, $4  }
0x20: {  	[tilespmem:s11+$0x14230] =	vst v0  }
0x21: {  	[tilespmem:s11+$0x14240] =	vst v0  }
0x22: {  	[tilespmem:s11+$0x14250] =	vst v0  }
0x23: {  	[tilespmem:s11+$0x14260] =	vst v0;
	s11 =	sshra.s32 s12, $0x2;
	s12 =	sadd.s32 $0x200, s12  }
0x24: {  	[tilespmem:s11+$0x14270] =	vst v0  }
0x25: {  	[tilespmem:s11+$0x14200] =	vst v0  }
0x26: {  	[tilespmem:s11+$0x14210] =	vst v0  }
0x27: {  	[tilespmem:s11+$0x14220] =	vst v0  }
0x28: {  	[tilespmem:s11+$0x14230] =	vst v0  }
0x29: {  	[tilespmem:s11+$0x14240] =	vst v0  }
0x2a: {  	[tilespmem:s11+$0x14250] =	vst v0  }
0x2b: {  	[tilespmem:s11+$0x14260] =	vst v0  }
0x2c: {  	[spmem:s5] =	stream.linear.scatter [tilespmem:s20], [sflag:$0x5], $0x4000, $0x38;
	[tilespmem:$0x1C200] =	vst v63  }
0x2d: {  	_ =	swait.ge [sflag:s21], $0x4000  }
0x2e: {  	[sflag:s21] =	ssyncset.done $0x0  }
0x2f: {  	[sflag:s21] =	ssyncadd.s32 $0xFFFFC000  }
0x30: {  	[spmem:s6] =	stream.linear.scatter [tilespmem:s20], [sflag:$0x5], $0x4000, $0x38;
	[tilespmem:$0x1C200] =	vst v63  }
0x31: {  	_ =	swait.ge [sflag:s21], $0x4000  }
0x32: {  	[sflag:s21] =	ssyncset.done $0x0  }
0x33: {  	[sflag:s21] =	ssyncadd.s32 $0xFFFFC000  }
0x34: {  	[spmem:s7] =	stream.linear.scatter [tilespmem:s20], [sflag:$0x5], $0x4000, $0x38;
	[tilespmem:$0x1C200] =	vst v63  }
0x35: {  	_ =	swait.ge [sflag:s21], $0x4000  }
0x36: {  	[sflag:s21] =	ssyncset.done $0x0  }
0x37: {  	[sflag:s21] =	ssyncadd.s32 $0xFFFFC000  }
0x38: {  	[spmem:s8] =	stream.linear.scatter [tilespmem:s20], [sflag:$0x5], $0x4000, $0x38;
	[tilespmem:$0x1C200] =	vst v63  }
0x39: {  	_ =	swait.ge [sflag:s21], $0x4000  }
0x3a: {  	[sflag:s21] =	ssyncset.done $0x0  }
0x3b: {  	[sflag:s21] =	ssyncadd.s32 $0xFFFFC000  }
0x3c: {  	[spmem:s9] =	stream.linear.scatter [tilespmem:s20], [sflag:$0x5], $0x4000, $0x38;
	[tilespmem:$0x1C200] =	vst v63  }
0x3d: {  	_ =	swait.ge [sflag:s21], $0x4000  }
0x3e: {  	[sflag:s21] =	ssyncset.done $0x0  }
0x3f: {  	[sflag:s21] =	ssyncadd.s32 $0xFFFFC000  }
0x40: {  	s13 =	simm.s32 $0x0;
	[bflag:$0x0] =	sbarrier.arrive $0xFFFF  }
0x41: {  	[tilespmem:s22], [sflag:$0x1] =	stream.linear.gather [hbm4b:s10+s13], $0x100, $0x38;
	[tilespmem:$0x1C200] =	vst v63  }
0x42: {  	s12 =	rddreg [dreg:$0x4]  }
0x43: {  	[tilespmem:s23], [sflag:$0x2] =	stream.linear.gather [hbm4b:s12+s13], $0x100, $0x38;
	[tilespmem:$0x1C200] =	vst v63  }
0x44: {  	_ =	swait.ge [sflag:s24], $0x100  }
0x45: {  	[sflag:s24] =	ssyncset.done $0x0  }
0x46: {  	[sflag:s24] =	ssyncadd.s32 $0xFFFFFF00  }
0x47: {  	[tilespmem:s20], [sflag:$0x3] =	stream.indirect.gather [hbm4b:s1+s25], $0x80, s22, s25, $0xb8;
	[tilespmem:$0x1C200] =	vst v63  }
0x48: {  	_ =	swait.ge [sflag:s26], $0x4000  }
0x49: {  	[sflag:s26] =	ssyncset.done $0x0  }
0x4a: {  	[sflag:s26] =	ssyncadd.s32 $0xFFFFC000  }
0x4b: {  	_ =	swait.ge [sflag:s28], $0x100  }
0x4c: {  	[sflag:s28] =	ssyncset.done $0x0  }
0x4d: {  	[sflag:s28] =	ssyncadd.s32 $0xFFFFFF00  }
0x4e: {  	[tilespmem:s29], [sflag:$0x4] =	stream.indirect.gather [hbm4b:s1+s25], $0x80, s23, s25, $0xb8;
	[tilespmem:$0x1C200] =	vst v63  }
0x4f: {  	_ = 	snop  }
0x50: {  	[spmem:s2] =	stream.indirect.scatter.add.f32 [tilespmem:s20], [sflag:$0x5], $0x80, s30, s25, $0xb8;
	[tilespmem:$0x1C200] =	vst v63  }
0x51: {  	_ =	swait.ge [sflag:s21], $0x4000  }
0x52: {  	[sflag:s21] =	ssyncset.done $0x0  }
0x53: {  	s13 =	sadd.s32 $0x0, s19;
	[sflag:s21] =	ssyncadd.s32 $0xFFFFC000  }
0x54: {  	[tilespmem:s22], [sflag:$0x1] =	stream.linear.gather [hbm4b:s13+s4], $0x100, $0x38;
	[tilespmem:$0x1C200] =	vst v63  }
0x55: {  	_ =	swait.ge [sflag:s31], $0x4000  }
0x56: {  	[sflag:s31] =	ssyncset.done $0x0  }
0x57: {  	[sflag:s31] =	ssyncadd.s32 $0xFFFFC000  }
0x58: {  	_ =	swait.ge [sflag:s24], $0x100  }
0x59: {  	[sflag:s24] =	ssyncset.done $0x0  }
0x5a: {  	[sflag:s24] =	ssyncadd.s32 $0xFFFFFF00  }
0x5b: {  	[tilespmem:s20], [sflag:$0x3] =	stream.indirect.gather [hbm4b:s1+s25], $0x80, s22, s25, $0xb8;
	[tilespmem:$0x1C200] =	vst v63  }
0x5c: {  	_ = 	snop  }
0x5d: {  	[spmem:s2] =	stream.indirect.scatter.add.f32 [tilespmem:s29], [sflag:$0x5], $0x80, s0, s25, $0xb8;
	[tilespmem:$0x1C200] =	vst v63  }
0x5e: {  	_ =	swait.ge [sflag:s21], $0x4000  }
0x5f: {  	[sflag:s21] =	ssyncset.done $0x0  }
0x60: {  	s11 =	simm.s32 $0x40;
	s12 =	sadd.s32 $0x0, s18;
	[sflag:s21] =	ssyncadd.s32 $0xFFFFC000  }
.LBB2_4:
0x61: {  	[tilespmem:s23], [sflag:$0x2] =	stream.linear.gather [hbm4b:s12+s4], $0x100, $0x38;
	[tilespmem:$0x1C200] =	vst v63  }
0x62: {  	s12 =	smov.u32 s11  }
0x63: {  	p0 =	sne.s32 s11, $0x980;
	s11 =	sadd.s32 $0x40, s11;
	_ =	swait.ge [sflag:s26], $0x4000  }
0x64: {  	[sflag:s26] =	ssyncset.done $0x0  }
0x65: {  	[sflag:s26] =	ssyncadd.s32 $0xFFFFC000  }
0x66: {  	_ =	swait.ge [sflag:s28], $0x100  }
0x67: {  	[sflag:s28] =	ssyncset.done $0x0  }
0x68: {  	[sflag:s28] =	ssyncadd.s32 $0xFFFFFF00  }
0x69: {  	[tilespmem:s29], [sflag:$0x4] =	stream.indirect.gather [hbm4b:s1+s25], $0x80, s23, s25, $0xb8;
	[tilespmem:$0x1C200] =	vst v63  }
0x6a: {  	_ = 	snop  }
0x6b: {  	[spmem:s2] =	stream.indirect.scatter.add.f32 [tilespmem:s20], [sflag:$0x5], $0x80, s30, s25, $0xb8;
	[tilespmem:$0x1C200] =	vst v63  }
0x6c: {  	_ =	swait.ge [sflag:s21], $0x4000  }
0x6d: {  	[sflag:s21] =	ssyncset.done $0x0  }
0x6e: {  	s13 =	sadd.s32 s12, s19;
	[sflag:s21] =	ssyncadd.s32 $0xFFFFC000  }
0x6f: {  	[tilespmem:s22], [sflag:$0x1] =	stream.linear.gather [hbm4b:s13+s4], $0x100, $0x38;
	[tilespmem:$0x1C200] =	vst v63  }
0x70: {  	_ =	swait.ge [sflag:s31], $0x4000  }
0x71: {  	[sflag:s31] =	ssyncset.done $0x0  }
0x72: {  	[sflag:s31] =	ssyncadd.s32 $0xFFFFC000  }
0x73: {  	_ =	swait.ge [sflag:s24], $0x100  }
0x74: {  	[sflag:s24] =	ssyncset.done $0x0  }
0x75: {  	[sflag:s24] =	ssyncadd.s32 $0xFFFFFF00  }
0x76: {  	[tilespmem:s20], [sflag:$0x3] =	stream.indirect.gather [hbm4b:s1+s25], $0x80, s22, s25, $0xb8;
	[tilespmem:$0x1C200] =	vst v63  }
.Ltmp1:
0x77: {  	(pc) =	sbr.rel @p0 .LBB2_4-.Ltmp1, $4  }
0x78: {  	[spmem:s2] =	stream.indirect.scatter.add.f32 [tilespmem:s29], [sflag:$0x5], $0x80, s0, s25, $0xb8;
	[tilespmem:$0x1C200] =	vst v63  }
0x79: {  	_ =	swait.ge [sflag:s21], $0x4000  }
0x7a: {  	[sflag:s21] =	ssyncset.done $0x0  }
0x7b: {  	s12 =	sadd.s32 s12, s18;
	[sflag:s21] =	ssyncadd.s32 $0xFFFFC000  }
0x7c: {  	[tilespmem:s23], [sflag:$0x2] =	stream.linear.gather [hbm4b:s12+s4], $0x100, $0x38;
	[tilespmem:$0x1C200] =	vst v63  }
0x7d: {  	_ =	swait.ge [sflag:s26], $0x4000  }
0x7e: {  	[sflag:s26] =	ssyncset.done $0x0  }
0x7f: {  	[sflag:s26] =	ssyncadd.s32 $0xFFFFC000  }
0x80: {  	_ =	swait.ge [sflag:s28], $0x100  }
0x81: {  	[sflag:s28] =	ssyncset.done $0x0  }
0x82: {  	[sflag:s28] =	ssyncadd.s32 $0xFFFFFF00  }
0x83: {  	[tilespmem:s29], [sflag:$0x4] =	stream.indirect.gather [hbm4b:s1+s25], $0x80, s23, s25, $0xb8;
	[tilespmem:$0x1C200] =	vst v63  }
0x84: {  	_ = 	snop  }
0x85: {  	[spmem:s2] =	stream.indirect.scatter.add.f32 [tilespmem:s20], [sflag:$0x5], $0x80, s30, s25, $0xb8;
	[tilespmem:$0x1C200] =	vst v63  }
0x86: {  	_ =	swait.ge [sflag:s21], $0x4000  }
0x87: {  	[sflag:s21] =	ssyncset.done $0x0  }
0x88: {  	[sflag:s21] =	ssyncadd.s32 $0xFFFFC000  }
0x89: {  	_ =	swait.ge [sflag:s31], $0x4000  }
0x8a: {  	[sflag:s31] =	ssyncset.done $0x0  }
0x8b: {  	[sflag:s31] =	ssyncadd.s32 $0xFFFFC000  }
0x8c: {  	[spmem:s2] =	stream.indirect.scatter.add.f32 [tilespmem:s29], [sflag:$0x5], $0x80, s0, s25, $0xb8;
	[tilespmem:$0x1C200] =	vst v63  }
0x8d: {  	_ =	swait.ge [sflag:s21], $0x4000  }
0x8e: {  	[sflag:s21] =	ssyncset.done $0x0  }
0x8f: {  	[sflag:s21] =	ssyncadd.s32 $0xFFFFC000  }
0x90: {  	[bflag:$0x0] =	sbarrier.arrive $0xFFFF  }
0x91: {  	[tilespmem:s20], [sflag:$0x5] =	stream.linear.gather [spmem:s5], $0x4000, $0x38;
	[tilespmem:$0x1C200] =	vst v63  }
0x92: {  	_ =	swait.ge [sflag:s21], $0x4000  }
0x93: {  	[sflag:s21] =	ssyncset.done $0x0  }
0x94: {  	s11 =	rddreg [dreg:$0x5];
	[sflag:s21] =	ssyncadd.s32 $0xFFFFC000  }
0x95: {  	[hbm4b:s11+s4] =	stream.linear.scatter [tilespmem:s20], [sflag:$0x5], $0x4000, $0x38;
	[tilespmem:$0x1C200] =	vst v63  }
0x96: {  	_ =	swait.ge [sflag:s21], $0x4000  }
0x97: {  	[sflag:s21] =	ssyncset.done $0x0  }
0x98: {  	[sflag:s21] =	ssyncadd.s32 $0xFFFFC000  }
0x99: {  	[tilespmem:s20], [sflag:$0x5] =	stream.linear.gather [spmem:s6], $0x4000, $0x38;
	[tilespmem:$0x1C200] =	vst v63  }
0x9a: {  	_ =	swait.ge [sflag:s21], $0x4000  }
0x9b: {  	[sflag:s21] =	ssyncset.done $0x0  }
0x9c: {  	s13 =	rddreg [dreg:$0x6];
	[sflag:s21] =	ssyncadd.s32 $0xFFFFC000  }
0x9d: {  	[hbm4b:s13+s4] =	stream.linear.scatter [tilespmem:s20], [sflag:$0x5], $0x4000, $0x38;
	[tilespmem:$0x1C200] =	vst v63  }
0x9e: {  	_ =	swait.ge [sflag:s21], $0x4000  }
0x9f: {  	[sflag:s21] =	ssyncset.done $0x0  }
0xa0: {  	[sflag:s21] =	ssyncadd.s32 $0xFFFFC000  }
0xa1: {  	[tilespmem:s20], [sflag:$0x5] =	stream.linear.gather [spmem:s7], $0x4000, $0x38;
	[tilespmem:$0x1C200] =	vst v63  }
0xa2: {  	_ =	swait.ge [sflag:s21], $0x4000  }
0xa3: {  	[sflag:s21] =	ssyncset.done $0x0  }
0xa4: {  	[sflag:s21] =	ssyncadd.s32 $0xFFFFC000  }
0xa5: {  	[hbm4b:s14+s4] =	stream.linear.scatter [tilespmem:s20], [sflag:$0x5], $0x4000, $0x38;
	[tilespmem:$0x1C200] =	vst v63  }
0xa6: {  	_ =	swait.ge [sflag:s21], $0x4000  }
0xa7: {  	[sflag:s21] =	ssyncset.done $0x0  }
0xa8: {  	[sflag:s21] =	ssyncadd.s32 $0xFFFFC000  }
0xa9: {  	[tilespmem:s20], [sflag:$0x5] =	stream.linear.gather [spmem:s8], $0x4000, $0x38;
	[tilespmem:$0x1C200] =	vst v63  }
0xaa: {  	_ =	swait.ge [sflag:s21], $0x4000  }
0xab: {  	[sflag:s21] =	ssyncset.done $0x0  }
0xac: {  	[sflag:s21] =	ssyncadd.s32 $0xFFFFC000  }
0xad: {  	[hbm4b:s15+s4] =	stream.linear.scatter [tilespmem:s20], [sflag:$0x5], $0x4000, $0x38;
	[tilespmem:$0x1C200] =	vst v63  }
0xae: {  	_ =	swait.ge [sflag:s21], $0x4000  }
0xaf: {  	[sflag:s21] =	ssyncset.done $0x0  }
0xb0: {  	[sflag:s21] =	ssyncadd.s32 $0xFFFFC000  }
0xb1: {  	[tilespmem:s20], [sflag:$0x5] =	stream.linear.gather [spmem:s9], $0x4000, $0x38;
	[tilespmem:$0x1C200] =	vst v63  }
0xb2: {  	s3 =	sadd.s32 $0x1, s3;
	_ =	swait.ge [sflag:s21], $0x4000  }
0xb3: {  	p0 =	sne.s32 s3, s17;
	[sflag:s21] =	ssyncset.done $0x0  }
.Ltmp2:
0xb4: {  	[sflag:s21] =	ssyncadd.s32 $0xFFFFC000;
	(pc) =	sbr.rel @p0 .LBB2_1-.Ltmp2, $4  }
0xb5: {  	[hbm4b:s16+s4] =	stream.linear.scatter [tilespmem:s20], [sflag:$0x5], $0x4000, $0x38;
	[tilespmem:$0x1C200] =	vst v63  }
0xb6: {  	_ =	swait.ge [sflag:s21], $0x4000  }
0xb7: {  	[sflag:s21] =	ssyncset.done $0x0  }
0xb8: {  	[sflag:s21] =	ssyncadd.s32 $0xFFFFC000  }
0xb9: {  	_ =	sfence.sel $0x180000  }
0xba: {  	[bflag:$0x0] =	sbarrier.arrive $0xFFFF  }
0xbb: {  	_ =	strace $0x9000004A  }
0xbc: {  	s0 =	stileid.u32;
	[bflag:$0x2] =	sbarrier.arrive $0xFFFF  }
0xbd: {  	p0 =	sne.s32 s0, $0x0;
	s0 =	rddreg [dreg:$0x3]  }
0xbe: {  	s0 =	sadd.s32 @!p0 $0x100000, s0  }
0xbf: {  	[sflag:s0] =	ssyncadd.tile.s32 @!p0 $0x1;
	_ =	shalt  }
.Lfunc_end2:
_tile_overlayer_lowered:
.L_overlay_start_2:
0xc0: {  	(tag) =	ssettag $0x2  }
0xc1: {  	s0 =	rddreg [dreg:$0x0];
	s2 =	stileid.u32  }
0xc2: {  	s1 =	rddreg [dreg:$0x1];
	p0 =	sne.s32 s2, $0x0  }
0xc3: {  	s3 =	rddreg [dreg:$0x2];
	[bflag:$0x3] =	sbarrier.arrive $0xFFFF;
	s2 =	simm.s32 @!p0 $0x1C05  }
0xc4: {  	[timem:s3], [sflag:s2] =	dma.local @!p0 [hbm:s0], s1  }
0xc5: {  	s0 =	simm.s32 @!p0 $0x5  }
0xc6: {  	_ =	swait.ge @!p0 [sflag:s0], s1  }
0xc7: {  	s1 =	ssub.s32 @!p0 $0x0, s1;
	[sflag:s0] =	ssyncset.done @!p0 $0x0  }
0xc8: {  	[sflag:s0] =	ssyncadd.s32 @!p0 s1  }
0xc9: {  	[bflag:$0x3] =	sbarrier.arrive $0xFFFF  }
0xca: {  	_ =	shalt  }

// kernel: kernel.13.cloned.1.call-start
scs
__scs_entry_jumppad:
0x0: {  	(pc) =	sbr.rel $0x88, $3  }
0x1: {  	(tag) =	ssettag $0x0;
	lr =	simm.s32 $0x1  }
0x2: {  	[smem:$0x3F9D] =	sst lr;
	_ =	strace $0xD0000000  }
0x3: {  	_ = 	snop  }
0x4: {  	_ = 	snop  }
0x5: {  	_ = 	snop  }
0x6: {  	_ = 	snop  }
0x7: {  	_ = 	snop  }
__scs_overlays_trampoline_lowered:
0x8: {  	[smem:$0x3FAC] =	sst s0  }
0x9: {  	[smem:$0x3FAD] =	sst s1  }
0xa: {  	[smem:$0x3FAE] =	sst s2  }
0xb: {  	[smem:$0x3FAF] =	sst s3  }
0xc: {  	[smem:$0x3FB0] =	sst s4  }
0xd: {  	[smem:$0x3FB1] =	sst s5  }
0xe: {  	[smem:$0x3FB2] =	sst s6  }
0xf: {  	[smem:$0x3FB3] =	sst s7  }
0x10: {  	[smem:$0x3FB4] =	sst s8  }
0x11: {  	[smem:$0x3FB5] =	sst s9;
	s0 =	simm.s32 @!p0 $0x0  }
0x12: {  	s1 =	sld [smem:$0x3F9B];
	s0 =	simm.s32 @p0 $0x1  }
0x13: {  	[smem:$0x3FB6] =	sst s0;
	s0 =	simm.s32 @!p1 $0x0  }
0x14: {  	s2 =	sld [smem:$0x3F9A];
	s0 =	simm.s32 @p1 $0x1  }
0x15: {  	[smem:$0x3FB7] =	sst s0;
	s0 =	simm.s32 @!p2 $0x0  }
0x16: {  	s3 =	sld [smem:$0x3FDB];
	s0 =	simm.s32 @p2 $0x1  }
0x17: {  	s4 =	simm.s32 $0x1BF5;
	[smem:$0x3FB9] =	sst s0  }
0x18: {  	s0 =	sld [smem:$0x3F9C];
	_ =	swait.ge [sflag:s4], $0x0  }
0x19: {  	s7 =	sld [smem:$0x3F9D]  }
0x1a: {  	s8 =	sadd.s32 $0xFFFFE003, lr  }
0x1b: {  	s9 =	sadd.s32 $0xFFFFFEF7, lr;
	s5 =	simm.s32 $0xFFFFFFFF;
	p2 =	slt.u32 s8, $0xFFFFF086  }
0x1c: {  	p1 =	slt.u32 s9, $0xF7A;
	s5 =	simm.s32 @!p2 $0x0  }
0x1d: {  	s5 =	simm.s32 @p1 $0x1;
	p0 =	seq.s32 s7, s2  }
0x1e: {  	s7 =	smul.u32 @!p0 $0xF7A, s2;
	p2 =	seq.s32 @!p0 s5, $0x0  }
0x1f: {  	s9 =	smul.u32 $0xF7A, s1;
	s8 =	simm.s32 @!p0 $0x1BF5;
	p2 =	por !p2, p0  }
0x20: {  	[sflag:s8] =	ssyncset.s32 @!p0 $0xFFFFF086;
	s6 =	sadd.s32 @!p0 s3, s7;
	s7 =	simm.s32 @!p0 $0x108  }
0x21: {  	s3 =	sadd.s32 s3, s9;
	s6 =	sadd.s32 @!p0 $0x88, s6;
	s7 =	simm.s32 @p2 $0x1082  }
0x22: {  	[simem:s7], [sflag:s8] =	dma.local @!p0 [hbm:s6], $0xF7A  }
0x23: {  	s9 =	sor.u32 $0xD0000000, s2;
	s6 =	simm.s32 $0x108;
	_ =	swait.ge @!p0 [sflag:s8], $0x0  }
0x24: {  	s3 =	sadd.s32 $0x88, s3;
	s6 =	simm.s32 @!p1 $0x1082;
	[sflag:s4] =	ssyncset.s32 $0xFFFFF086  }
0x25: {  	[simem:s6], [sflag:s4] =	dma.local [hbm:s3], $0xF7A  }
0x26: {  	[smem:$0x3F9D] =	sst s1;
	(tag) =	ssettag s2;
	_ =	strace s9  }
0x27: {  	s1 =	sld [smem:$0x3FAD]  }
0x28: {  	s2 =	sld [smem:$0x3FAE]  }
0x29: {  	s4 =	sld [smem:$0x3FB0]  }
0x2a: {  	p0 =	seq.s32 s5, $0x0;
	s5 =	sld [smem:$0x3FB1]  }
0x2b: {  	s6 =	sld [smem:$0x3FB2]  }
0x2c: {  	s7 =	sld [smem:$0x3FB3]  }
0x2d: {  	s3 =	simm.s32 $0x108;
	s8 =	sld [smem:$0x3FB4]  }
0x2e: {  	s3 =	simm.s32 @!p0 $0x1082;
	s9 =	sld [smem:$0x3FB5]  }
0x2f: {  	lr =	sadd.s32 s0, s3;
	s0 =	sld [smem:$0x3FAC]  }
0x30: {  	s3 =	sld [smem:$0x3FAF]  }
0x31: {  	[smem:$0x3FB8] =	sst s10  }
0x32: {  	s10 =	sld [smem:$0x3FB6];
	_ =	sdelay $0x3  }
0x33: {  	p0 =	seq.s32 s10, $0x1;
	s10 =	sld [smem:$0x3FB8];
	_ =	sdelay $0x3  }
0x34: {  	[smem:$0x3FB8] =	sst s10  }
0x35: {  	s10 =	sld [smem:$0x3FB7];
	_ =	sdelay $0x3  }
0x36: {  	p1 =	seq.s32 s10, $0x1;
	s10 =	sld [smem:$0x3FB8];
	_ =	sdelay $0x3  }
0x37: {  	[smem:$0x3FB8] =	sst s10  }
0x38: {  	s10 =	sld [smem:$0x3FB9]  }
0x39: {  	_ = 	snop;
	(pc) =	sbr.ind lr, $3  }
0x3a: {  	_ = 	snop  }
0x3b: {  	_ = 	snop  }
0x3c: {  	p2 =	seq.s32 s10, $0x1;
	s10 =	sld [smem:$0x3FB8]  }
0x3d: {  	_ =	shalt  }
0x3e: {  	_ =	shalt  }
0x3f: {  	_ =	shalt  }
0x40: {  	_ =	shalt  }
0x41: {  	_ =	shalt  }
0x42: {  	_ =	shalt  }
0x43: {  	_ =	shalt  }
0x44: {  	_ =	shalt  }
0x45: {  	_ =	shalt  }
0x46: {  	_ =	shalt  }
0x47: {  	_ =	shalt  }
0x48: {  	_ =	shalt  }
0x49: {  	_ =	shalt  }
0x4a: {  	_ =	shalt  }
0x4b: {  	_ =	shalt  }
0x4c: {  	_ =	shalt  }
0x4d: {  	_ =	shalt  }
0x4e: {  	_ =	shalt  }
0x4f: {  	_ =	shalt  }
0x50: {  	_ =	shalt  }
0x51: {  	_ =	shalt  }
0x52: {  	_ =	shalt  }
0x53: {  	_ =	shalt  }
0x54: {  	_ =	shalt  }
0x55: {  	_ =	shalt  }
0x56: {  	_ =	shalt  }
0x57: {  	_ =	shalt  }
0x58: {  	_ =	shalt  }
0x59: {  	_ =	shalt  }
0x5a: {  	_ =	shalt  }
0x5b: {  	_ =	shalt  }
0x5c: {  	_ =	shalt  }
0x5d: {  	_ =	shalt  }
0x5e: {  	_ =	shalt  }
0x5f: {  	_ =	shalt  }
0x60: {  	_ =	shalt  }
0x61: {  	_ =	shalt  }
0x62: {  	_ =	shalt  }
0x63: {  	_ =	shalt  }
0x64: {  	_ =	shalt  }
0x65: {  	_ =	shalt  }
0x66: {  	_ =	shalt  }
0x67: {  	_ =	shalt  }
0x68: {  	_ =	shalt  }
0x69: {  	_ =	shalt  }
0x6a: {  	_ =	shalt  }
0x6b: {  	_ =	shalt  }
0x6c: {  	_ =	shalt  }
0x6d: {  	_ =	shalt  }
0x6e: {  	_ =	shalt  }
0x6f: {  	_ =	shalt  }
0x70: {  	_ =	shalt  }
0x71: {  	_ =	shalt  }
0x72: {  	_ =	shalt  }
0x73: {  	_ =	shalt  }
0x74: {  	_ =	shalt  }
0x75: {  	_ =	shalt  }
0x76: {  	_ =	shalt  }
0x77: {  	_ =	shalt  }
0x78: {  	_ =	shalt  }
0x79: {  	_ =	shalt  }
0x7a: {  	_ =	shalt  }
0x7b: {  	_ =	shalt  }
0x7c: {  	_ =	shalt  }
0x7d: {  	_ =	shalt  }
0x7e: {  	_ =	shalt  }
0x7f: {  	_ =	shalt  }
0x80: {  	_ =	shalt  }
0x81: {  	_ =	shalt  }
0x82: {  	_ =	shalt  }
0x83: {  	_ =	shalt  }
0x84: {  	_ =	shalt  }
0x85: {  	_ =	shalt  }
0x86: {  	_ =	shalt  }
0x87: {  	_ =	shalt  }
.Lfunc_end0:
.L_simem_size_0:
called_computation.2_lowered:
.L_overlay_start_0:
0x88: {  	s2 =	sld [smem:$0x3FD9]  }
0x89: {  	s3 =	sld [smem:$0x3FFE];
	_ =	sdelay $0x1  }
0x8a: {  	s1 =	srdreg.scid  }
0x8b: {  	s0 =	sand.u32 $0x1, s1  }
0x8c: {  	s17 =	sshll.u32 s0, $0xA;
	s2 =	sadd.s32 s3, s2  }
0x8d: {  	s2 =	sadd.s32 s2, s17  }
0x8e: {  	[smem:$0x3FC4] =	sst s2  }
0x8f: {  	_ = 	snop  }
0x90: {  	s2 =	sld [smem:$0x3FD0];
	(tm) =	ssettm $0x1  }
0x91: {  	s18 =	sld [smem:$0x3FFB];
	_ =	sdelay $0x3  }
0x92: {  	_ =	strace s18  }
0x93: {  	s3 =	sld [smem:$0x3FFC];
	_ =	sdelay $0x3  }
0x94: {  	_ =	strace s3  }
0x95: {  	s3 =	sld [smem:$0x3FFD];
	_ =	sdelay $0x3  }
0x96: {  	_ =	strace s3  }
0x97: {  	_ =	strace $0x8FFFFFFF  }
0x98: {  	s19 =	sld [smem:$0x3FDB];
	_ =	sdelay $0x1  }
0x99: {  	s4 =	simm.s32 $_scs_section_size  }
0x9a: {  	s5 =	simm.s32 $_size__tile_overlayer_lowered;
	s6 =	simm.s32 $_tile_overlayer_lowered  }
0x9b: {  	s22 =	simm.s32 $0x1BFF;
	s21 =	sshll.u32 s6, $0x1;
	s3 =	sadd.s32 s4, s19  }
0x9c: {  	s7 =	simm.s32 $0x0;
	s20 =	sshll.u32 s5, $0x1;
	s5 =	sadd.s32 s21, s3  }
0x9d: {  	[timem:s7], [sflag:s22] =	dma.local [hbm:s5], s20  }
0x9e: {  	_ =	swait.ge [sflag:s22], s20  }
0x9f: {  	s4 =	ssub.s32 $0x0, s20;
	[sflag:s22] =	ssyncset.done $0x0  }
0xa0: {  	[sflag:s22] =	ssyncadd.s32 s4;
	_ =	sdelay $0x1  }
0xa1: {  	s23 =	simm.s32 $0x1B8B  }
0xa2: {  	_ =	swait.ge [sflag:s23], $0x1  }
0xa3: {  	[sflag:s23] =	ssyncset.done $0x0  }
0xa4: {  	s25 =	simm.s32 $0x1B8E;
	s24 =	sld [smem:$0x3FFE];
	[sflag:s23] =	ssyncadd.s32 $0xFFFFFFFF  }
0xa5: {  	s26 =	simm.s32 $execute0_lowered;
	[smem:$0x3FD2] =	sst s25  }
0xa6: {  	s5 =	sshll.u32 s26, $0x1;
	_ =	strace $0x8000004C;
	[dreg:$0x1] =	wrdreg $0xFFFFFFFF  }
0xa7: {  	s28 =	simm.s32 $_size_execute0_lowered;
	s3 =	sadd.s32 s3, s5;
	[dreg:$0x0] =	wrdreg $0x0  }
0xa8: {  	s5 =	sshll.u32 s28, $0x1;
	[dreg:$0x2] =	wrdreg s3  }
0xa9: {  	[dreg:$0x3] =	wrdreg s5  }
0xaa: {  	[dreg:$0x4] =	wrdreg $0xC0  }
0xab: {  	_ =	task [dreg:s7], $0x5FFFF  }
0xac: {  	[dreg:$0x1] =	wrdreg $0xFFFFFFFF  }
0xad: {  	[dreg:$0x0] =	wrdreg $0x60  }
0xae: {  	[dreg:$0x2] =	wrdreg s2  }
0xaf: {  	[dreg:$0x3] =	wrdreg s24  }
0xb0: {  	[dreg:$0x4] =	wrdreg $0x0  }
0xb1: {  	[dreg:$0x5] =	wrdreg $0x9  }
0xb2: {  	_ =	task.clear_ibuf [dreg:s7], $0x6FFFF;
	_ =	strace $0x9000004C  }
0xb3: {  	s29 =	simm.s32 $0x9;
	_ =	strace $0x8000004E  }
0xb4: {  	_ =	swait.ge [sflag:s29], $0x1  }
0xb5: {  	[sflag:s29] =	ssyncadd.s32 $0xFFFFFFFF  }
0xb6: {  	_ =	strace $0x9000004E  }
0xb7: {  	_ =	sfence  }
0xb8: {  	s30 =	sld [smem:$0x0];
	_ =	sdelay $0x2  }
0xb9: {  	s31 =	sshll.u32 s1, $0xD;
	s1 =	sshrl.u32 s1, $0x2  }
0xba: {  	s3 =	sand.u32 $0x4000, s31;
	s1 =	sadd.s32 s1, s30  }
0xbb: {  	s0 =	sor.u32 s3, s0;
	s1 =	sshll.u32 s1, $0x11  }
0xbc: {  	s0 =	sor.u32 s1, s0  }
0xbd: {  	s0 =	sadd.s32 $0x8F2B, s0  }
0xbe: {  	[sflag:s0] =	ssyncadd.remote.s32 $0x1  }
0xbf: {  	_ =	sfence.sel $0xFFFF  }
0xc0: {  	[dreg:$0x0] =	wrdreg $0xFFFFFFFF;
	(pc) =	sbr.abs _section_cstart, $3  }
0xc1: {  	[dreg:$0x1] =	wrdreg $0xFFFFFFFF  }
0xc2: {  	_ =	task.clear_ibuf [dreg:s7], $0x2FFFF;
	_ =	strace $0x9FFFFFFF  }
0xc3: {  	(tm) =	ssettm $0x7FFFFFFF  }
tec
execute0_lowered:
.L_overlay_start_1:
0x0: {  	(tag) =	ssettag $0x1  }
0x1: {  	s1 =	rddreg [dreg:$0x0]  }
0x2: {  	s0 =	rddreg [dreg:$0x1]  }
0x3: {  	s2 =	rddreg [dreg:$0x2];
	s4 =	simm.s32 $0x0;
	s3 =	srdreg.scid  }
0x4: {  	s20 =	stileid.u32;
	s28 =	simm.s32 $0x2;
	s29 =	simm.s32 $0x18200  }
0x5: {  	s30 =	simm.s32 $0x14080;
	s31 =	simm.s32 $0x4;
	s6 =	smul.u32 $0x50000, s20  }
0x6: {  	[smem:$0x7FF] =	sst s4;
	s3 =	sand.u32 $0x1, s3;
	s10 =	smul.u32 $0x14000, s20  }
0x7: {  	s11 =	sadd.s32 $0x1A00, s0;
	s0 =	sadd.s32 $0x15A00, s0;
	s25 =	smul.u32 $0x5000, s20  }
0x8: {  	_ =	strace $0x8000004D;
	s5 =	ssub.s32 $0x2, s3;
	s17 =	sshll.u32 s3, $0x4  }
0x9: {  	s7 =	sshrl.u32 s5, $0x1;
	s18 =	sor.u32 s20, s17;
	s19 =	sshrl.u32 s6, $0x2  }
0xa: {  	s13 =	sadd.s32 $0x4000, s10;
	s15 =	sadd.s32 $0x8000, s10;
	s17 =	smul.u32 $0x140000, s3  }
0xb: {  	s16 =	sadd.s32 $0xC000, s10;
	s3 =	smul.u32 $0x50000, s3;
	s20 =	simm.s32 $0x14200  }
0xc: {  	s12 =	ssub.s32 s5, s7;
	s5 =	sadd.s32 s19, s2;
	s6 =	sadd.s32 s13, s2  }
0xd: {  	s14 =	smul.u32 $0x5000, s18;
	s7 =	sadd.s32 s15, s2;
	s18 =	sadd.s32 $0x10000, s10  }
0xe: {  	s8 =	sadd.s32 s16, s2;
	s9 =	sadd.s32 s18, s2;
	s19 =	sadd.s32 s10, s17  }
0xf: {  	s13 =	sadd.s32 s17, s13;
	s23 =	sadd.s32 s17, s15;
	s24 =	sadd.s32 s17, s16  }
0x10: {  	s17 =	sadd.s32 s17, s18;
	s3 =	sadd.s32 s25, s3;
	s25 =	simm.s32 $0x80  }
0x11: {  	s14 =	sshrl.u32 s14, $0x3;
	s21 =	sshrl.u32 s19, $0x3;
	s13 =	sshrl.u32 s13, $0x3  }
0x12: {  	s15 =	sshrl.u32 s24, $0x3;
	s17 =	sshrl.u32 s17, $0x3;
	s26 =	sor.u32 $0x300, s3  }
0x13: {  	s3 =	sor.u32 $0x200, s3;
	s24 =	simm.s32 $0x1;
	s10 =	sadd.s32 s11, s14  }
0x14: {  	s14 =	sadd.s32 s0, s21;
	s13 =	sadd.s32 s0, s13;
	s15 =	sadd.s32 s0, s15  }
0x15: {  	s16 =	sadd.s32 s0, s17;
	s17 =	smax.u32 s12, $0x1;
	s3 =	sshrl.u32 s3, $0x3  }
0x16: {  	s21 =	simm.s32 $0x5;
	s22 =	sadd.s32 $0x20, s10;
	[dreg:$0x5] =	wrdreg s14  }
0x17: {  	[dreg:$0x6] =	wrdreg s13;
	s14 =	sshrl.u32 s23, $0x3;
	s19 =	sadd.s32 s3, s11  }
0x18: {  	s23 =	simm.s32 $0x14100;
	s3 =	simm.s32 $0x0;
	[dreg:$0x4] =	wrdreg s22  }
0x19: {  	s14 =	sadd.s32 s0, s14;
	s0 =	sshrl.u32 s26, $0x3;
	s22 =	simm.s32 $0x14000  }
0x1a: {  	v0 =	vimm.f32 $0.0e+00;
	s26 =	simm.s32 $0x3;
	s18 =	sadd.s32 s0, s11;
	s0 =	simm.s32 $0x14180  }
.LBB2_1:
0x1b: {  	s11 =	simm.s32 $0x0;
	s12 =	simm.s32 $0x200  }
.LBB2_2:
0x1c: {  	p0 =	sne.s32 s12, $0xFE00;
	[tilespmem:s11+$0x14270] =	vst v0  }
0x1d: {  	[tilespmem:s11+$0x14200] =	vst v0  }
0x1e: {  	[tilespmem:s11+$0x14210] =	vst v0  }
.Ltmp0:
0x1f: {  	[tilespmem:s11+$0x14220] =	vst v0;
	(pc) =	sbr.rel @p0 .LBB2_2-.Ltmp0, $4  }
0x20: {  	[tilespmem:s11+$0x14230] =	vst v0  }
0x21: {  	[tilespmem:s11+$0x14240] =	vst v0  }
0x22: {  	[tilespmem:s11+$0x14250] =	vst v0  }
0x23: {  	[tilespmem:s11+$0x14260] =	vst v0;
	s11 =	sshra.s32 s12, $0x2;
	s12 =	sadd.s32 $0x200, s12  }
0x24: {  	[tilespmem:s11+$0x14270] =	vst v0  }
0x25: {  	[tilespmem:s11+$0x14200] =	vst v0  }
0x26: {  	[tilespmem:s11+$0x14210] =	vst v0  }
0x27: {  	[tilespmem:s11+$0x14220] =	vst v0  }
0x28: {  	[tilespmem:s11+$0x14230] =	vst v0  }
0x29: {  	[tilespmem:s11+$0x14240] =	vst v0  }
0x2a: {  	[tilespmem:s11+$0x14250] =	vst v0  }
0x2b: {  	[tilespmem:s11+$0x14260] =	vst v0  }
0x2c: {  	[spmem:s5] =	stream.linear.scatter [tilespmem:s20], [sflag:$0x5], $0x4000, $0x38;
	[tilespmem:$0x1C200] =	vst v63  }
0x2d: {  	_ =	swait.ge [sflag:s21], $0x4000  }
0x2e: {  	[sflag:s21] =	ssyncset.done $0x0  }
0x2f: {  	[sflag:s21] =	ssyncadd.s32 $0xFFFFC000  }
0x30: {  	[spmem:s6] =	stream.linear.scatter [tilespmem:s20], [sflag:$0x5], $0x4000, $0x38;
	[tilespmem:$0x1C200] =	vst v63  }
0x31: {  	_ =	swait.ge [sflag:s21], $0x4000  }
0x32: {  	[sflag:s21] =	ssyncset.done $0x0  }
0x33: {  	[sflag:s21] =	ssyncadd.s32 $0xFFFFC000  }
0x34: {  	[spmem:s7] =	stream.linear.scatter [tilespmem:s20], [sflag:$0x5], $0x4000, $0x38;
	[tilespmem:$0x1C200] =	vst v63  }
0x35: {  	_ =	swait.ge [sflag:s21], $0x4000  }
0x36: {  	[sflag:s21] =	ssyncset.done $0x0  }
0x37: {  	[sflag:s21] =	ssyncadd.s32 $0xFFFFC000  }
0x38: {  	[spmem:s8] =	stream.linear.scatter [tilespmem:s20], [sflag:$0x5], $0x4000, $0x38;
	[tilespmem:$0x1C200] =	vst v63  }
0x39: {  	_ =	swait.ge [sflag:s21], $0x4000  }
0x3a: {  	[sflag:s21] =	ssyncset.done $0x0  }
0x3b: {  	[sflag:s21] =	ssyncadd.s32 $0xFFFFC000  }
0x3c: {  	[spmem:s9] =	stream.linear.scatter [tilespmem:s20], [sflag:$0x5], $0x4000, $0x38;
	[tilespmem:$0x1C200] =	vst v63  }
0x3d: {  	_ =	swait.ge [sflag:s21], $0x4000  }
0x3e: {  	[sflag:s21] =	ssyncset.done $0x0  }
0x3f: {  	[sflag:s21] =	ssyncadd.s32 $0xFFFFC000  }
0x40: {  	s13 =	simm.s32 $0x0;
	[bflag:$0x0] =	sbarrier.arrive $0xFFFF  }
0x41: {  	[tilespmem:s22], [sflag:$0x1] =	stream.linear.gather [hbm4b:s10+s13], $0x100, $0x38;
	[tilespmem:$0x1C200] =	vst v63  }
0x42: {  	s12 =	rddreg [dreg:$0x4]  }
0x43: {  	[tilespmem:s23], [sflag:$0x2] =	stream.linear.gather [hbm4b:s12+s13], $0x100, $0x38;
	[tilespmem:$0x1C200] =	vst v63  }
0x44: {  	_ =	swait.ge [sflag:s24], $0x100  }
0x45: {  	[sflag:s24] =	ssyncset.done $0x0  }
0x46: {  	[sflag:s24] =	ssyncadd.s32 $0xFFFFFF00  }
0x47: {  	[tilespmem:s20], [sflag:$0x3] =	stream.indirect.gather [hbm4b:s1+s25], $0x80, s22, s25, $0xb8;
	[tilespmem:$0x1C200] =	vst v63  }
0x48: {  	_ =	swait.ge [sflag:s26], $0x4000  }
0x49: {  	[sflag:s26] =	ssyncset.done $0x0  }
0x4a: {  	[sflag:s26] =	ssyncadd.s32 $0xFFFFC000  }
0x4b: {  	_ =	swait.ge [sflag:s28], $0x100  }
0x4c: {  	[sflag:s28] =	ssyncset.done $0x0  }
0x4d: {  	[sflag:s28] =	ssyncadd.s32 $0xFFFFFF00  }
0x4e: {  	[tilespmem:s29], [sflag:$0x4] =	stream.indirect.gather [hbm4b:s1+s25], $0x80, s23, s25, $0xb8;
	[tilespmem:$0x1C200] =	vst v63  }
0x4f: {  	_ = 	snop  }
0x50: {  	[spmem:s2] =	stream.indirect.scatter.add.f32 [tilespmem:s20], [sflag:$0x5], $0x80, s30, s25, $0xb8;
	[tilespmem:$0x1C200] =	vst v63  }
0x51: {  	_ =	swait.ge [sflag:s21], $0x4000  }
0x52: {  	[sflag:s21] =	ssyncset.done $0x0  }
0x53: {  	s13 =	sadd.s32 $0x0, s19;
	[sflag:s21] =	ssyncadd.s32 $0xFFFFC000  }
0x54: {  	[tilespmem:s22], [sflag:$0x1] =	stream.linear.gather [hbm4b:s13+s4], $0x100, $0x38;
	[tilespmem:$0x1C200] =	vst v63  }
0x55: {  	_ =	swait.ge [sflag:s31], $0x4000  }
0x56: {  	[sflag:s31] =	ssyncset.done $0x0  }
0x57: {  	[sflag:s31] =	ssyncadd.s32 $0xFFFFC000  }
0x58: {  	_ =	swait.ge [sflag:s24], $0x100  }
0x59: {  	[sflag:s24] =	ssyncset.done $0x0  }
0x5a: {  	[sflag:s24] =	ssyncadd.s32 $0xFFFFFF00  }
0x5b: {  	[tilespmem:s20], [sflag:$0x3] =	stream.indirect.gather [hbm4b:s1+s25], $0x80, s22, s25, $0xb8;
	[tilespmem:$0x1C200] =	vst v63  }
0x5c: {  	_ = 	snop  }
0x5d: {  	[spmem:s2] =	stream.indirect.scatter.add.f32 [tilespmem:s29], [sflag:$0x5], $0x80, s0, s25, $0xb8;
	[tilespmem:$0x1C200] =	vst v63  }
0x5e: {  	_ =	swait.ge [sflag:s21], $0x4000  }
0x5f: {  	[sflag:s21] =	ssyncset.done $0x0  }
0x60: {  	s11 =	simm.s32 $0x40;
	s12 =	sadd.s32 $0x0, s18;
	[sflag:s21] =	ssyncadd.s32 $0xFFFFC000  }
.LBB2_4:
0x61: {  	[tilespmem:s23], [sflag:$0x2] =	stream.linear.gather [hbm4b:s12+s4], $0x100, $0x38;
	[tilespmem:$0x1C200] =	vst v63  }
0x62: {  	s12 =	smov.u32 s11  }
0x63: {  	p0 =	sne.s32 s11, $0x980;
	s11 =	sadd.s32 $0x40, s11;
	_ =	swait.ge [sflag:s26], $0x4000  }
0x64: {  	[sflag:s26] =	ssyncset.done $0x0  }
0x65: {  	[sflag:s26] =	ssyncadd.s32 $0xFFFFC000  }
0x66: {  	_ =	swait.ge [sflag:s28], $0x100  }
0x67: {  	[sflag:s28] =	ssyncset.done $0x0  }
0x68: {  	[sflag:s28] =	ssyncadd.s32 $0xFFFFFF00  }
0x69: {  	[tilespmem:s29], [sflag:$0x4] =	stream.indirect.gather [hbm4b:s1+s25], $0x80, s23, s25, $0xb8;
	[tilespmem:$0x1C200] =	vst v63  }
0x6a: {  	_ = 	snop  }
0x6b: {  	[spmem:s2] =	stream.indirect.scatter.add.f32 [tilespmem:s20], [sflag:$0x5], $0x80, s30, s25, $0xb8;
	[tilespmem:$0x1C200] =	vst v63  }
0x6c: {  	_ =	swait.ge [sflag:s21], $0x4000  }
0x6d: {  	[sflag:s21] =	ssyncset.done $0x0  }
0x6e: {  	s13 =	sadd.s32 s12, s19;
	[sflag:s21] =	ssyncadd.s32 $0xFFFFC000  }
0x6f: {  	[tilespmem:s22], [sflag:$0x1] =	stream.linear.gather [hbm4b:s13+s4], $0x100, $0x38;
	[tilespmem:$0x1C200] =	vst v63  }
0x70: {  	_ =	swait.ge [sflag:s31], $0x4000  }
0x71: {  	[sflag:s31] =	ssyncset.done $0x0  }
0x72: {  	[sflag:s31] =	ssyncadd.s32 $0xFFFFC000  }
0x73: {  	_ =	swait.ge [sflag:s24], $0x100  }
0x74: {  	[sflag:s24] =	ssyncset.done $0x0  }
0x75: {  	[sflag:s24] =	ssyncadd.s32 $0xFFFFFF00  }
0x76: {  	[tilespmem:s20], [sflag:$0x3] =	stream.indirect.gather [hbm4b:s1+s25], $0x80, s22, s25, $0xb8;
	[tilespmem:$0x1C200] =	vst v63  }
.Ltmp1:
0x77: {  	(pc) =	sbr.rel @p0 .LBB2_4-.Ltmp1, $4  }
0x78: {  	[spmem:s2] =	stream.indirect.scatter.add.f32 [tilespmem:s29], [sflag:$0x5], $0x80, s0, s25, $0xb8;
	[tilespmem:$0x1C200] =	vst v63  }
0x79: {  	_ =	swait.ge [sflag:s21], $0x4000  }
0x7a: {  	[sflag:s21] =	ssyncset.done $0x0  }
0x7b: {  	s12 =	sadd.s32 s12, s18;
	[sflag:s21] =	ssyncadd.s32 $0xFFFFC000  }
0x7c: {  	[tilespmem:s23], [sflag:$0x2] =	stream.linear.gather [hbm4b:s12+s4], $0x100, $0x38;
	[tilespmem:$0x1C200] =	vst v63  }
0x7d: {  	_ =	swait.ge [sflag:s26], $0x4000  }
0x7e: {  	[sflag:s26] =	ssyncset.done $0x0  }
0x7f: {  	[sflag:s26] =	ssyncadd.s32 $0xFFFFC000  }
0x80: {  	_ =	swait.ge [sflag:s28], $0x100  }
0x81: {  	[sflag:s28] =	ssyncset.done $0x0  }
0x82: {  	[sflag:s28] =	ssyncadd.s32 $0xFFFFFF00  }
0x83: {  	[tilespmem:s29], [sflag:$0x4] =	stream.indirect.gather [hbm4b:s1+s25], $0x80, s23, s25, $0xb8;
	[tilespmem:$0x1C200] =	vst v63  }
0x84: {  	_ = 	snop  }
0x85: {  	[spmem:s2] =	stream.indirect.scatter.add.f32 [tilespmem:s20], [sflag:$0x5], $0x80, s30, s25, $0xb8;
	[tilespmem:$0x1C200] =	vst v63  }
0x86: {  	_ =	swait.ge [sflag:s21], $0x4000  }
0x87: {  	[sflag:s21] =	ssyncset.done $0x0  }
0x88: {  	[sflag:s21] =	ssyncadd.s32 $0xFFFFC000  }
0x89: {  	_ =	swait.ge [sflag:s31], $0x4000  }
0x8a: {  	[sflag:s31] =	ssyncset.done $0x0  }
0x8b: {  	[sflag:s31] =	ssyncadd.s32 $0xFFFFC000  }
0x8c: {  	[spmem:s2] =	stream.indirect.scatter.add.f32 [tilespmem:s29], [sflag:$0x5], $0x80, s0, s25, $0xb8;
	[tilespmem:$0x1C200] =	vst v63  }
0x8d: {  	_ =	swait.ge [sflag:s21], $0x4000  }
0x8e: {  	[sflag:s21] =	ssyncset.done $0x0  }
0x8f: {  	[sflag:s21] =	ssyncadd.s32 $0xFFFFC000  }
0x90: {  	[bflag:$0x0] =	sbarrier.arrive $0xFFFF  }
0x91: {  	[tilespmem:s20], [sflag:$0x5] =	stream.linear.gather [spmem:s5], $0x4000, $0x38;
	[tilespmem:$0x1C200] =	vst v63  }
0x92: {  	_ =	swait.ge [sflag:s21], $0x4000  }
0x93: {  	[sflag:s21] =	ssyncset.done $0x0  }
0x94: {  	s11 =	rddreg [dreg:$0x5];
	[sflag:s21] =	ssyncadd.s32 $0xFFFFC000  }
0x95: {  	[hbm4b:s11+s4] =	stream.linear.scatter [tilespmem:s20], [sflag:$0x5], $0x4000, $0x38;
	[tilespmem:$0x1C200] =	vst v63  }
0x96: {  	_ =	swait.ge [sflag:s21], $0x4000  }
0x97: {  	[sflag:s21] =	ssyncset.done $0x0  }
0x98: {  	[sflag:s21] =	ssyncadd.s32 $0xFFFFC000  }
0x99: {  	[tilespmem:s20], [sflag:$0x5] =	stream.linear.gather [spmem:s6], $0x4000, $0x38;
	[tilespmem:$0x1C200] =	vst v63  }
0x9a: {  	_ =	swait.ge [sflag:s21], $0x4000  }
0x9b: {  	[sflag:s21] =	ssyncset.done $0x0  }
0x9c: {  	s13 =	rddreg [dreg:$0x6];
	[sflag:s21] =	ssyncadd.s32 $0xFFFFC000  }
0x9d: {  	[hbm4b:s13+s4] =	stream.linear.scatter [tilespmem:s20], [sflag:$0x5], $0x4000, $0x38;
	[tilespmem:$0x1C200] =	vst v63  }
0x9e: {  	_ =	swait.ge [sflag:s21], $0x4000  }
0x9f: {  	[sflag:s21] =	ssyncset.done $0x0  }
0xa0: {  	[sflag:s21] =	ssyncadd.s32 $0xFFFFC000  }
0xa1: {  	[tilespmem:s20], [sflag:$0x5] =	stream.linear.gather [spmem:s7], $0x4000, $0x38;
	[tilespmem:$0x1C200] =	vst v63  }
0xa2: {  	_ =	swait.ge [sflag:s21], $0x4000  }
0xa3: {  	[sflag:s21] =	ssyncset.done $0x0  }
0xa4: {  	[sflag:s21] =	ssyncadd.s32 $0xFFFFC000  }
0xa5: {  	[hbm4b:s14+s4] =	stream.linear.scatter [tilespmem:s20], [sflag:$0x5], $0x4000, $0x38;
	[tilespmem:$0x1C200] =	vst v63  }
0xa6: {  	_ =	swait.ge [sflag:s21], $0x4000  }
0xa7: {  	[sflag:s21] =	ssyncset.done $0x0  }
0xa8: {  	[sflag:s21] =	ssyncadd.s32 $0xFFFFC000  }
0xa9: {  	[tilespmem:s20], [sflag:$0x5] =	stream.linear.gather [spmem:s8], $0x4000, $0x38;
	[tilespmem:$0x1C200] =	vst v63  }
0xaa: {  	_ =	swait.ge [sflag:s21], $0x4000  }
0xab: {  	[sflag:s21] =	ssyncset.done $0x0  }
0xac: {  	[sflag:s21] =	ssyncadd.s32 $0xFFFFC000  }
0xad: {  	[hbm4b:s15+s4] =	stream.linear.scatter [tilespmem:s20], [sflag:$0x5], $0x4000, $0x38;
	[tilespmem:$0x1C200] =	vst v63  }
0xae: {  	_ =	swait.ge [sflag:s21], $0x4000  }
0xaf: {  	[sflag:s21] =	ssyncset.done $0x0  }
0xb0: {  	[sflag:s21] =	ssyncadd.s32 $0xFFFFC000  }
0xb1: {  	[tilespmem:s20], [sflag:$0x5] =	stream.linear.gather [spmem:s9], $0x4000, $0x38;
	[tilespmem:$0x1C200] =	vst v63  }
0xb2: {  	s3 =	sadd.s32 $0x1, s3;
	_ =	swait.ge [sflag:s21], $0x4000  }
0xb3: {  	p0 =	sne.s32 s3, s17;
	[sflag:s21] =	ssyncset.done $0x0  }
.Ltmp2:
0xb4: {  	[sflag:s21] =	ssyncadd.s32 $0xFFFFC000;
	(pc) =	sbr.rel @p0 .LBB2_1-.Ltmp2, $4  }
0xb5: {  	[hbm4b:s16+s4] =	stream.linear.scatter [tilespmem:s20], [sflag:$0x5], $0x4000, $0x38;
	[tilespmem:$0x1C200] =	vst v63  }
0xb6: {  	_ =	swait.ge [sflag:s21], $0x4000  }
0xb7: {  	[sflag:s21] =	ssyncset.done $0x0  }
0xb8: {  	[sflag:s21] =	ssyncadd.s32 $0xFFFFC000  }
0xb9: {  	_ =	sfence.sel $0x180000  }
0xba: {  	[bflag:$0x0] =	sbarrier.arrive $0xFFFF  }
0xbb: {  	_ =	strace $0x9000004D  }
0xbc: {  	s0 =	stileid.u32;
	[bflag:$0x2] =	sbarrier.arrive $0xFFFF  }
0xbd: {  	p0 =	sne.s32 s0, $0x0;
	s0 =	rddreg [dreg:$0x3]  }
0xbe: {  	s0 =	sadd.s32 @!p0 $0x100000, s0  }
0xbf: {  	[sflag:s0] =	ssyncadd.tile.s32 @!p0 $0x1;
	_ =	shalt  }
.Lfunc_end2:
_tile_overlayer_lowered:
.L_overlay_start_2:
0xc0: {  	(tag) =	ssettag $0x2  }
0xc1: {  	s0 =	rddreg [dreg:$0x0];
	s2 =	stileid.u32  }
0xc2: {  	s1 =	rddreg [dreg:$0x1];
	p0 =	sne.s32 s2, $0x0  }
0xc3: {  	s3 =	rddreg [dreg:$0x2];
	[bflag:$0x3] =	sbarrier.arrive $0xFFFF;
	s2 =	simm.s32 @!p0 $0x1C05  }
0xc4: {  	[timem:s3], [sflag:s2] =	dma.local @!p0 [hbm:s0], s1  }
0xc5: {  	s0 =	simm.s32 @!p0 $0x5  }
0xc6: {  	_ =	swait.ge @!p0 [sflag:s0], s1  }
0xc7: {  	s1 =	ssub.s32 @!p0 $0x0, s1;
	[sflag:s0] =	ssyncset.done @!p0 $0x0  }
0xc8: {  	[sflag:s0] =	ssyncadd.s32 @!p0 s1  }
0xc9: {  	[bflag:$0x3] =	sbarrier.arrive $0xFFFF  }
0xca: {  	_ =	shalt  }

// kernel: kernel.7.cloned.1.call-start
scs
__scs_entry_jumppad:
0x0: {  	(pc) =	sbr.rel $0x88, $3  }
0x1: {  	(tag) =	ssettag $0x0;
	lr =	simm.s32 $0x1  }
0x2: {  	[smem:$0x3F9D] =	sst lr;
	_ =	strace $0xD0000000  }
0x3: {  	_ = 	snop  }
0x4: {  	_ = 	snop  }
0x5: {  	_ = 	snop  }
0x6: {  	_ = 	snop  }
0x7: {  	_ = 	snop  }
__scs_overlays_trampoline_lowered:
0x8: {  	[smem:$0x3FAC] =	sst s0  }
0x9: {  	[smem:$0x3FAD] =	sst s1  }
0xa: {  	[smem:$0x3FAE] =	sst s2  }
0xb: {  	[smem:$0x3FAF] =	sst s3  }
0xc: {  	[smem:$0x3FB0] =	sst s4  }
0xd: {  	[smem:$0x3FB1] =	sst s5  }
0xe: {  	[smem:$0x3FB2] =	sst s6  }
0xf: {  	[smem:$0x3FB3] =	sst s7  }
0x10: {  	[smem:$0x3FB4] =	sst s8  }
0x11: {  	[smem:$0x3FB5] =	sst s9;
	s0 =	simm.s32 @!p0 $0x0  }
0x12: {  	s1 =	sld [smem:$0x3F9B];
	s0 =	simm.s32 @p0 $0x1  }
0x13: {  	[smem:$0x3FB6] =	sst s0;
	s0 =	simm.s32 @!p1 $0x0  }
0x14: {  	s2 =	sld [smem:$0x3F9A];
	s0 =	simm.s32 @p1 $0x1  }
0x15: {  	[smem:$0x3FB7] =	sst s0;
	s0 =	simm.s32 @!p2 $0x0  }
0x16: {  	s3 =	sld [smem:$0x3FDB];
	s0 =	simm.s32 @p2 $0x1  }
0x17: {  	s4 =	simm.s32 $0x1BF5;
	[smem:$0x3FB9] =	sst s0  }
0x18: {  	s0 =	sld [smem:$0x3F9C];
	_ =	swait.ge [sflag:s4], $0x0  }
0x19: {  	s7 =	sld [smem:$0x3F9D]  }
0x1a: {  	s8 =	sadd.s32 $0xFFFFE003, lr  }
0x1b: {  	s9 =	sadd.s32 $0xFFFFFEF7, lr;
	s5 =	simm.s32 $0xFFFFFFFF;
	p2 =	slt.u32 s8, $0xFFFFF086  }
0x1c: {  	p1 =	slt.u32 s9, $0xF7A;
	s5 =	simm.s32 @!p2 $0x0  }
0x1d: {  	s5 =	simm.s32 @p1 $0x1;
	p0 =	seq.s32 s7, s2  }
0x1e: {  	s7 =	smul.u32 @!p0 $0xF7A, s2;
	p2 =	seq.s32 @!p0 s5, $0x0  }
0x1f: {  	s9 =	smul.u32 $0xF7A, s1;
	s8 =	simm.s32 @!p0 $0x1BF5;
	p2 =	por !p2, p0  }
0x20: {  	[sflag:s8] =	ssyncset.s32 @!p0 $0xFFFFF086;
	s6 =	sadd.s32 @!p0 s3, s7;
	s7 =	simm.s32 @!p0 $0x108  }
0x21: {  	s3 =	sadd.s32 s3, s9;
	s6 =	sadd.s32 @!p0 $0x88, s6;
	s7 =	simm.s32 @p2 $0x1082  }
0x22: {  	[simem:s7], [sflag:s8] =	dma.local @!p0 [hbm:s6], $0xF7A  }
0x23: {  	s9 =	sor.u32 $0xD0000000, s2;
	s6 =	simm.s32 $0x108;
	_ =	swait.ge @!p0 [sflag:s8], $0x0  }
0x24: {  	s3 =	sadd.s32 $0x88, s3;
	s6 =	simm.s32 @!p1 $0x1082;
	[sflag:s4] =	ssyncset.s32 $0xFFFFF086  }
0x25: {  	[simem:s6], [sflag:s4] =	dma.local [hbm:s3], $0xF7A  }
0x26: {  	[smem:$0x3F9D] =	sst s1;
	(tag) =	ssettag s2;
	_ =	strace s9  }
0x27: {  	s1 =	sld [smem:$0x3FAD]  }
0x28: {  	s2 =	sld [smem:$0x3FAE]  }
0x29: {  	s4 =	sld [smem:$0x3FB0]  }
0x2a: {  	p0 =	seq.s32 s5, $0x0;
	s5 =	sld [smem:$0x3FB1]  }
0x2b: {  	s6 =	sld [smem:$0x3FB2]  }
0x2c: {  	s7 =	sld [smem:$0x3FB3]  }
0x2d: {  	s3 =	simm.s32 $0x108;
	s8 =	sld [smem:$0x3FB4]  }
0x2e: {  	s3 =	simm.s32 @!p0 $0x1082;
	s9 =	sld [smem:$0x3FB5]  }
0x2f: {  	lr =	sadd.s32 s0, s3;
	s0 =	sld [smem:$0x3FAC]  }
0x30: {  	s3 =	sld [smem:$0x3FAF]  }
0x31: {  	[smem:$0x3FB8] =	sst s10  }
0x32: {  	s10 =	sld [smem:$0x3FB6];
	_ =	sdelay $0x3  }
0x33: {  	p0 =	seq.s32 s10, $0x1;
	s10 =	sld [smem:$0x3FB8];
	_ =	sdelay $0x3  }
0x34: {  	[smem:$0x3FB8] =	sst s10  }
0x35: {  	s10 =	sld [smem:$0x3FB7];
	_ =	sdelay $0x3  }
0x36: {  	p1 =	seq.s32 s10, $0x1;
	s10 =	sld [smem:$0x3FB8];
	_ =	sdelay $0x3  }
0x37: {  	[smem:$0x3FB8] =	sst s10  }
0x38: {  	s10 =	sld [smem:$0x3FB9]  }
0x39: {  	_ = 	snop;
	(pc) =	sbr.ind lr, $3  }
0x3a: {  	_ = 	snop  }
0x3b: {  	_ = 	snop  }
0x3c: {  	p2 =	seq.s32 s10, $0x1;
	s10 =	sld [smem:$0x3FB8]  }
0x3d: {  	_ =	shalt  }
0x3e: {  	_ =	shalt  }
0x3f: {  	_ =	shalt  }
0x40: {  	_ =	shalt  }
0x41: {  	_ =	shalt  }
0x42: {  	_ =	shalt  }
0x43: {  	_ =	shalt  }
0x44: {  	_ =	shalt  }
0x45: {  	_ =	shalt  }
0x46: {  	_ =	shalt  }
0x47: {  	_ =	shalt  }
0x48: {  	_ =	shalt  }
0x49: {  	_ =	shalt  }
0x4a: {  	_ =	shalt  }
0x4b: {  	_ =	shalt  }
0x4c: {  	_ =	shalt  }
0x4d: {  	_ =	shalt  }
0x4e: {  	_ =	shalt  }
0x4f: {  	_ =	shalt  }
0x50: {  	_ =	shalt  }
0x51: {  	_ =	shalt  }
0x52: {  	_ =	shalt  }
0x53: {  	_ =	shalt  }
0x54: {  	_ =	shalt  }
0x55: {  	_ =	shalt  }
0x56: {  	_ =	shalt  }
0x57: {  	_ =	shalt  }
0x58: {  	_ =	shalt  }
0x59: {  	_ =	shalt  }
0x5a: {  	_ =	shalt  }
0x5b: {  	_ =	shalt  }
0x5c: {  	_ =	shalt  }
0x5d: {  	_ =	shalt  }
0x5e: {  	_ =	shalt  }
0x5f: {  	_ =	shalt  }
0x60: {  	_ =	shalt  }
0x61: {  	_ =	shalt  }
0x62: {  	_ =	shalt  }
0x63: {  	_ =	shalt  }
0x64: {  	_ =	shalt  }
0x65: {  	_ =	shalt  }
0x66: {  	_ =	shalt  }
0x67: {  	_ =	shalt  }
0x68: {  	_ =	shalt  }
0x69: {  	_ =	shalt  }
0x6a: {  	_ =	shalt  }
0x6b: {  	_ =	shalt  }
0x6c: {  	_ =	shalt  }
0x6d: {  	_ =	shalt  }
0x6e: {  	_ =	shalt  }
0x6f: {  	_ =	shalt  }
0x70: {  	_ =	shalt  }
0x71: {  	_ =	shalt  }
0x72: {  	_ =	shalt  }
0x73: {  	_ =	shalt  }
0x74: {  	_ =	shalt  }
0x75: {  	_ =	shalt  }
0x76: {  	_ =	shalt  }
0x77: {  	_ =	shalt  }
0x78: {  	_ =	shalt  }
0x79: {  	_ =	shalt  }
0x7a: {  	_ =	shalt  }
0x7b: {  	_ =	shalt  }
0x7c: {  	_ =	shalt  }
0x7d: {  	_ =	shalt  }
0x7e: {  	_ =	shalt  }
0x7f: {  	_ =	shalt  }
0x80: {  	_ =	shalt  }
0x81: {  	_ =	shalt  }
0x82: {  	_ =	shalt  }
0x83: {  	_ =	shalt  }
0x84: {  	_ =	shalt  }
0x85: {  	_ =	shalt  }
0x86: {  	_ =	shalt  }
0x87: {  	_ =	shalt  }
.Lfunc_end0:
.L_simem_size_0:
called_computation_lowered:
.L_overlay_start_0:
0x88: {  	s2 =	sld [smem:$0x3FD9]  }
0x89: {  	s3 =	sld [smem:$0x3FFE];
	_ =	sdelay $0x1  }
0x8a: {  	s1 =	srdreg.scid  }
0x8b: {  	s0 =	sand.u32 $0x1, s1  }
0x8c: {  	s17 =	sshll.u32 s0, $0xA;
	s2 =	sadd.s32 s3, s2  }
0x8d: {  	s2 =	sadd.s32 s2, s17  }
0x8e: {  	[smem:$0x3FC4] =	sst s2  }
0x8f: {  	_ = 	snop  }
0x90: {  	s2 =	sld [smem:$0x3FD0];
	(tm) =	ssettm $0x1  }
0x91: {  	s18 =	sld [smem:$0x3FFB];
	_ =	sdelay $0x3  }
0x92: {  	_ =	strace s18  }
0x93: {  	s3 =	sld [smem:$0x3FFC];
	_ =	sdelay $0x3  }
0x94: {  	_ =	strace s3  }
0x95: {  	s3 =	sld [smem:$0x3FFD];
	_ =	sdelay $0x3  }
0x96: {  	_ =	strace s3  }
0x97: {  	_ =	strace $0x8FFFFFFF  }
0x98: {  	s19 =	sld [smem:$0x3FDB];
	_ =	sdelay $0x1  }
0x99: {  	s4 =	simm.s32 $_scs_section_size  }
0x9a: {  	s5 =	simm.s32 $_size__tile_overlayer_lowered;
	s6 =	simm.s32 $_tile_overlayer_lowered  }
0x9b: {  	s22 =	simm.s32 $0x1BFF;
	s21 =	sshll.u32 s6, $0x1;
	s3 =	sadd.s32 s4, s19  }
0x9c: {  	s7 =	simm.s32 $0x0;
	s20 =	sshll.u32 s5, $0x1;
	s5 =	sadd.s32 s21, s3  }
0x9d: {  	[timem:s7], [sflag:s22] =	dma.local [hbm:s5], s20  }
0x9e: {  	_ =	swait.ge [sflag:s22], s20  }
0x9f: {  	s4 =	ssub.s32 $0x0, s20;
	[sflag:s22] =	ssyncset.done $0x0  }
0xa0: {  	[sflag:s22] =	ssyncadd.s32 s4;
	_ =	sdelay $0x1  }
0xa1: {  	s23 =	simm.s32 $0x1B8B  }
0xa2: {  	_ =	swait.ge [sflag:s23], $0x1  }
0xa3: {  	[sflag:s23] =	ssyncset.done $0x0  }
0xa4: {  	s25 =	simm.s32 $0x1B8E;
	s24 =	sld [smem:$0x3FFE];
	[sflag:s23] =	ssyncadd.s32 $0xFFFFFFFF  }
0xa5: {  	s26 =	simm.s32 $execute0_lowered;
	[smem:$0x3FD2] =	sst s25  }
0xa6: {  	s5 =	sshll.u32 s26, $0x1;
	_ =	strace $0x80000046;
	[dreg:$0x1] =	wrdreg $0xFFFFFFFF  }
0xa7: {  	s28 =	simm.s32 $_size_execute0_lowered;
	s3 =	sadd.s32 s3, s5;
	[dreg:$0x0] =	wrdreg $0x0  }
0xa8: {  	s5 =	sshll.u32 s28, $0x1;
	[dreg:$0x2] =	wrdreg s3  }
0xa9: {  	[dreg:$0x3] =	wrdreg s5  }
0xaa: {  	[dreg:$0x4] =	wrdreg $0xC0  }
0xab: {  	_ =	task [dreg:s7], $0x5FFFF  }
0xac: {  	[dreg:$0x1] =	wrdreg $0xFFFFFFFF  }
0xad: {  	[dreg:$0x0] =	wrdreg $0x60  }
0xae: {  	[dreg:$0x2] =	wrdreg s24  }
0xaf: {  	[dreg:$0x3] =	wrdreg s2  }
0xb0: {  	[dreg:$0x4] =	wrdreg $0x0  }
0xb1: {  	[dreg:$0x5] =	wrdreg $0x9  }
0xb2: {  	_ =	task.clear_ibuf [dreg:s7], $0x6FFFF;
	_ =	strace $0x90000046  }
0xb3: {  	s29 =	simm.s32 $0x9;
	_ =	strace $0x80000048  }
0xb4: {  	_ =	swait.ge [sflag:s29], $0x1  }
0xb5: {  	[sflag:s29] =	ssyncadd.s32 $0xFFFFFFFF  }
0xb6: {  	_ =	strace $0x90000048  }
0xb7: {  	_ =	sfence  }
0xb8: {  	s30 =	sld [smem:$0x0];
	_ =	sdelay $0x2  }
0xb9: {  	s31 =	sshll.u32 s1, $0xD;
	s1 =	sshrl.u32 s1, $0x2  }
0xba: {  	s3 =	sand.u32 $0x4000, s31;
	s1 =	sadd.s32 s1, s30  }
0xbb: {  	s0 =	sor.u32 s3, s0;
	s1 =	sshll.u32 s1, $0x11  }
0xbc: {  	s0 =	sor.u32 s1, s0  }
0xbd: {  	s0 =	sadd.s32 $0x8F2B, s0  }
0xbe: {  	[sflag:s0] =	ssyncadd.remote.s32 $0x1  }
0xbf: {  	_ =	sfence.sel $0xFFFF  }
0xc0: {  	[dreg:$0x0] =	wrdreg $0xFFFFFFFF;
	(pc) =	sbr.abs _section_cstart, $3  }
0xc1: {  	[dreg:$0x1] =	wrdreg $0xFFFFFFFF  }
0xc2: {  	_ =	task.clear_ibuf [dreg:s7], $0x2FFFF;
	_ =	strace $0x9FFFFFFF  }
0xc3: {  	(tm) =	ssettm $0x7FFFFFFF  }
tec
execute0_lowered:
.L_overlay_start_1:
0x0: {  	(tag) =	ssettag $0x1  }
0x1: {  	s4 =	rddreg [dreg:$0x0]  }
0x2: {  	s15 =	rddreg [dreg:$0x1]  }
0x3: {  	s2 =	rddreg [dreg:$0x2];
	s5 =	srdreg.scid  }
0x4: {  	s3 =	simm.s32 $0x0;
	s1 =	stileid.u32;
	s28 =	simm.s32 $0x400  }
0x5: {  	s29 =	simm.s32 $0x0;
	s13 =	sand.u32 $0x1, s5;
	s8 =	smul.u32 $0x280, s1  }
0x6: {  	[smem:$0x7FF] =	sst s3;
	s18 =	sadd.s32 $0x1A00, s4;
	s12 =	smul.u32 $0x500, s1  }
0x7: {  	s22 =	smul.u32 $0x5000, s1;
	s5 =	ssub.s32 $0x2, s13;
	_ =	strace $0x80000047  }
0x8: {  	s24 =	sshll.u32 s13, $0x4;
	s19 =	sshll.u32 s13, $0x7;
	s26 =	smul.u32 $0x50000, s13  }
0x9: {  	s23 =	sshrl.u32 s5, $0x1;
	s10 =	sadd.s32 $0x80, s8;
	s6 =	sor.u32 s1, s24  }
0xa: {  	s4 =	sadd.s32 s8, s2;
	s11 =	sadd.s32 $0x100, s8;
	s14 =	sadd.s32 $0x180, s8  }
0xb: {  	s17 =	sadd.s32 $0x200, s8;
	s12 =	sor.u32 s19, s12;
	s24 =	simm.s32 $0x80  }
0xc: {  	s16 =	ssub.s32 s5, s23;
	s5 =	sadd.s32 s10, s2;
	s9 =	smul.u32 $0x5000, s6  }
0xd: {  	s6 =	sadd.s32 s11, s2;
	s7 =	sadd.s32 s14, s2;
	s8 =	sadd.s32 s17, s2  }
0xe: {  	s20 =	sshll.u32 s10, $0x1;
	s12 =	sshrl.u32 s12, $0x3;
	s21 =	sshll.u32 s11, $0x1  }
0xf: {  	s14 =	sshll.u32 s14, $0x1;
	s17 =	sshll.u32 s17, $0x1;
	s30 =	sadd.s32 s22, s26  }
0x10: {  	s22 =	simm.s32 $0x380;
	s23 =	simm.s32 $0x1;
	s26 =	simm.s32 $0x2  }
0x11: {  	s20 =	sor.u32 s19, s20;
	s11 =	sadd.s32 s15, s12;
	s25 =	sor.u32 s19, s21  }
0x12: {  	s14 =	sor.u32 s19, s14;
	s17 =	sor.u32 s19, s17;
	s31 =	sor.u32 $0x300, s30  }
0x13: {  	s19 =	sor.u32 $0x200, s30;
	s16 =	smax.u32 s16, $0x1;
	s21 =	simm.s32 $0x280  }
0x14: {  	s9 =	sshrl.u32 s9, $0x3;
	s20 =	sshrl.u32 s20, $0x3;
	s14 =	sshrl.u32 s14, $0x3  }
0x15: {  	s17 =	sshrl.u32 s17, $0x3;
	s19 =	sshrl.u32 s19, $0x3;
	s9 =	sadd.s32 s18, s9  }
0x16: {  	s12 =	sadd.s32 s15, s20;
	s20 =	sshrl.u32 s25, $0x3;
	s14 =	sadd.s32 s15, s14  }
0x17: {  	s25 =	simm.s32 $0x300;
	s10 =	sadd.s32 $0x20, s9;
	s13 =	sadd.s32 s15, s20  }
0x18: {  	s15 =	sadd.s32 s15, s17;
	s17 =	sshrl.u32 s31, $0x3;
	s20 =	simm.s32 $0x3  }
0x19: {  	v0 =	vimm.f32 $0.0e+00;
	v1 =	vimm.f32 $1.000000000e+00;
	s17 =	sadd.s32 s17, s18;
	s18 =	sadd.s32 s19, s18;
	s19 =	simm.s32 $0x480  }
.LBB2_1:
0x1a: {  	[tilespmem:$0x480] =	vst v0  }
0x1b: {  	[tilespmem:$0x490] =	vst v0  }
0x1c: {  	[tilespmem:$0x4A0] =	vst v0  }
0x1d: {  	[tilespmem:$0x4B0] =	vst v0  }
0x1e: {  	[tilespmem:$0x4C0] =	vst v0  }
0x1f: {  	[tilespmem:$0x4D0] =	vst v0  }
0x20: {  	[tilespmem:$0x4E0] =	vst v0  }
0x21: {  	[tilespmem:$0x4F0] =	vst v0  }
0x22: {  	[spmem:s4] =	stream.linear.scatter [tilespmem:s19], [sflag:$0x3], $0x80, $0x38;
	[tilespmem:$0x500] =	vst v63  }
0x23: {  	_ =	swait.ge [sflag:s20], $0x80  }
0x24: {  	[sflag:s20] =	ssyncset.done $0x0  }
0x25: {  	[sflag:s20] =	ssyncadd.s32 $0xFFFFFF80  }
0x26: {  	[spmem:s5] =	stream.linear.scatter [tilespmem:s19], [sflag:$0x3], $0x80, $0x38;
	[tilespmem:$0x500] =	vst v63  }
0x27: {  	_ =	swait.ge [sflag:s20], $0x80  }
0x28: {  	[sflag:s20] =	ssyncset.done $0x0  }
0x29: {  	[sflag:s20] =	ssyncadd.s32 $0xFFFFFF80  }
0x2a: {  	[spmem:s6] =	stream.linear.scatter [tilespmem:s19], [sflag:$0x3], $0x80, $0x38;
	[tilespmem:$0x500] =	vst v63  }
0x2b: {  	_ =	swait.ge [sflag:s20], $0x80  }
0x2c: {  	[sflag:s20] =	ssyncset.done $0x0  }
0x2d: {  	[sflag:s20] =	ssyncadd.s32 $0xFFFFFF80  }
0x2e: {  	[spmem:s7] =	stream.linear.scatter [tilespmem:s19], [sflag:$0x3], $0x80, $0x38;
	[tilespmem:$0x500] =	vst v63  }
0x2f: {  	_ =	swait.ge [sflag:s20], $0x80  }
0x30: {  	[sflag:s20] =	ssyncset.done $0x0  }
0x31: {  	[sflag:s20] =	ssyncadd.s32 $0xFFFFFF80  }
0x32: {  	[spmem:s8] =	stream.linear.scatter [tilespmem:s19], [sflag:$0x3], $0x80, $0x38;
	[tilespmem:$0x500] =	vst v63  }
0x33: {  	_ =	swait.ge [sflag:s20], $0x80  }
0x34: {  	[sflag:s20] =	ssyncset.done $0x0  }
0x35: {  	[sflag:s20] =	ssyncadd.s32 $0xFFFFFF80  }
0x36: {  	[tilespmem:$0x480] =	vst v1  }
0x37: {  	[tilespmem:$0x490] =	vst v1  }
0x38: {  	[tilespmem:$0x4A0] =	vst v1  }
0x39: {  	[tilespmem:$0x4B0] =	vst v1  }
0x3a: {  	[tilespmem:$0x4C0] =	vst v1  }
0x3b: {  	[tilespmem:$0x4D0] =	vst v1  }
0x3c: {  	[tilespmem:$0x4E0] =	vst v1  }
0x3d: {  	[tilespmem:$0x4F0] =	vst v1  }
0x3e: {  	[bflag:$0x0] =	sbarrier.arrive $0xFFFF  }
0x3f: {  	[tilespmem:s21], [sflag:$0x1] =	stream.linear.gather [hbm4b:s9+s3], $0x100, $0x38;
	[tilespmem:$0x500] =	vst v63  }
0x40: {  	_ = 	snop  }
0x41: {  	[tilespmem:s22], [sflag:$0x2] =	stream.linear.gather [hbm4b:s10+s3], $0x100, $0x38;
	[tilespmem:$0x500] =	vst v63  }
0x42: {  	_ =	swait.ge [sflag:s23], $0x100  }
0x43: {  	[sflag:s23] =	ssyncset.done $0x0  }
0x44: {  	[sflag:s23] =	ssyncadd.s32 $0xFFFFFF00  }
0x45: {  	[spmem:s2] =	stream.indirect.scatter.add.f32 [tilespmem:s19], [sflag:$0x3], $0x1, s25, s24, $0xb8;
	[tilespmem:$0x500] =	vst v63  }
0x46: {  	_ =	swait.ge [sflag:s20], $0x80  }
0x47: {  	[sflag:s20] =	ssyncset.done $0x0  }
0x48: {  	s30 =	sadd.s32 $0x0, s18;
	[sflag:s20] =	ssyncadd.s32 $0xFFFFFF80  }
0x49: {  	[tilespmem:s21], [sflag:$0x1] =	stream.linear.gather [hbm4b:s30+s3], $0x100, $0x38;
	[tilespmem:$0x500] =	vst v63  }
0x4a: {  	_ =	swait.ge [sflag:s26], $0x100  }
0x4b: {  	[sflag:s26] =	ssyncset.done $0x0  }
0x4c: {  	[sflag:s26] =	ssyncadd.s32 $0xFFFFFF00  }
0x4d: {  	[spmem:s2] =	stream.indirect.scatter.add.f32 [tilespmem:s19], [sflag:$0x3], $0x1, s28, s24, $0xb8;
	[tilespmem:$0x500] =	vst v63  }
0x4e: {  	_ =	swait.ge [sflag:s20], $0x80  }
0x4f: {  	[sflag:s20] =	ssyncset.done $0x0  }
0x50: {  	s31 =	sadd.s32 $0x0, s17;
	s30 =	simm.s32 $0x40;
	[sflag:s20] =	ssyncadd.s32 $0xFFFFFF80  }
.LBB2_2:
0x51: {  	[tilespmem:s22], [sflag:$0x2] =	stream.linear.gather [hbm4b:s31+s3], $0x100, $0x38;
	[tilespmem:$0x500] =	vst v63  }
0x52: {  	s31 =	smov.u32 s30  }
0x53: {  	p0 =	sne.s32 s30, $0x980;
	s30 =	sadd.s32 $0x40, s30;
	_ =	swait.ge [sflag:s23], $0x100  }
0x54: {  	[sflag:s23] =	ssyncset.done $0x0  }
0x55: {  	[sflag:s23] =	ssyncadd.s32 $0xFFFFFF00  }
0x56: {  	[spmem:s2] =	stream.indirect.scatter.add.f32 [tilespmem:s19], [sflag:$0x3], $0x1, s25, s24, $0xb8;
	[tilespmem:$0x500] =	vst v63  }
0x57: {  	_ =	swait.ge [sflag:s20], $0x80  }
0x58: {  	[sflag:s20] =	ssyncset.done $0x0  }
0x59: {  	s0 =	sadd.s32 s31, s18;
	[sflag:s20] =	ssyncadd.s32 $0xFFFFFF80  }
0x5a: {  	[tilespmem:s21], [sflag:$0x1] =	stream.linear.gather [hbm4b:s0+s3], $0x100, $0x38;
	[tilespmem:$0x500] =	vst v63  }
0x5b: {  	_ =	swait.ge [sflag:s26], $0x100  }
0x5c: {  	[sflag:s26] =	ssyncset.done $0x0  }
.Ltmp0:
0x5d: {  	[sflag:s26] =	ssyncadd.s32 $0xFFFFFF00;
	(pc) =	sbr.rel @p0 .LBB2_2-.Ltmp0, $4  }
0x5e: {  	[spmem:s2] =	stream.indirect.scatter.add.f32 [tilespmem:s19], [sflag:$0x3], $0x1, s28, s24, $0xb8;
	[tilespmem:$0x500] =	vst v63  }
0x5f: {  	_ =	swait.ge [sflag:s20], $0x80  }
0x60: {  	[sflag:s20] =	ssyncset.done $0x0  }
0x61: {  	s31 =	sadd.s32 s31, s17;
	[sflag:s20] =	ssyncadd.s32 $0xFFFFFF80  }
0x62: {  	[tilespmem:s22], [sflag:$0x2] =	stream.linear.gather [hbm4b:s31+s3], $0x100, $0x38;
	[tilespmem:$0x500] =	vst v63  }
0x63: {  	_ =	swait.ge [sflag:s23], $0x100  }
0x64: {  	[sflag:s23] =	ssyncset.done $0x0  }
0x65: {  	[sflag:s23] =	ssyncadd.s32 $0xFFFFFF00  }
0x66: {  	[spmem:s2] =	stream.indirect.scatter.add.f32 [tilespmem:s19], [sflag:$0x3], $0x1, s25, s24, $0xb8;
	[tilespmem:$0x500] =	vst v63  }
0x67: {  	_ =	swait.ge [sflag:s20], $0x80  }
0x68: {  	[sflag:s20] =	ssyncset.done $0x0  }
0x69: {  	[sflag:s20] =	ssyncadd.s32 $0xFFFFFF80  }
0x6a: {  	_ =	swait.ge [sflag:s26], $0x100  }
0x6b: {  	[sflag:s26] =	ssyncset.done $0x0  }
0x6c: {  	[sflag:s26] =	ssyncadd.s32 $0xFFFFFF00  }
0x6d: {  	[spmem:s2] =	stream.indirect.scatter.add.f32 [tilespmem:s19], [sflag:$0x3], $0x1, s28, s24, $0xb8;
	[tilespmem:$0x500] =	vst v63  }
0x6e: {  	_ =	swait.ge [sflag:s20], $0x80  }
0x6f: {  	[sflag:s20] =	ssyncset.done $0x0  }
0x70: {  	[sflag:s20] =	ssyncadd.s32 $0xFFFFFF80  }
0x71: {  	[bflag:$0x0] =	sbarrier.arrive $0xFFFF  }
0x72: {  	[tilespmem:s19], [sflag:$0x3] =	stream.linear.gather [spmem:s4], $0x80, $0x38;
	[tilespmem:$0x500] =	vst v63  }
0x73: {  	_ =	swait.ge [sflag:s20], $0x80  }
0x74: {  	[sflag:s20] =	ssyncset.done $0x0  }
0x75: {  	[sflag:s20] =	ssyncadd.s32 $0xFFFFFF80  }
0x76: {  	[hbm4b:s11+s3] =	stream.linear.scatter [tilespmem:s19], [sflag:$0x3], $0x80, $0x38;
	[tilespmem:$0x500] =	vst v63  }
0x77: {  	_ =	swait.ge [sflag:s20], $0x80  }
0x78: {  	[sflag:s20] =	ssyncset.done $0x0  }
0x79: {  	[sflag:s20] =	ssyncadd.s32 $0xFFFFFF80  }
0x7a: {  	[tilespmem:s19], [sflag:$0x3] =	stream.linear.gather [spmem:s5], $0x80, $0x38;
	[tilespmem:$0x500] =	vst v63  }
0x7b: {  	_ =	swait.ge [sflag:s20], $0x80  }
0x7c: {  	[sflag:s20] =	ssyncset.done $0x0  }
0x7d: {  	[sflag:s20] =	ssyncadd.s32 $0xFFFFFF80  }
0x7e: {  	[hbm4b:s12+s3] =	stream.linear.scatter [tilespmem:s19], [sflag:$0x3], $0x80, $0x38;
	[tilespmem:$0x500] =	vst v63  }
0x7f: {  	_ =	swait.ge [sflag:s20], $0x80  }
0x80: {  	[sflag:s20] =	ssyncset.done $0x0  }
0x81: {  	[sflag:s20] =	ssyncadd.s32 $0xFFFFFF80  }
0x82: {  	[tilespmem:s19], [sflag:$0x3] =	stream.linear.gather [spmem:s6], $0x80, $0x38;
	[tilespmem:$0x500] =	vst v63  }
0x83: {  	_ =	swait.ge [sflag:s20], $0x80  }
0x84: {  	[sflag:s20] =	ssyncset.done $0x0  }
0x85: {  	[sflag:s20] =	ssyncadd.s32 $0xFFFFFF80  }
0x86: {  	[hbm4b:s13+s3] =	stream.linear.scatter [tilespmem:s19], [sflag:$0x3], $0x80, $0x38;
	[tilespmem:$0x500] =	vst v63  }
0x87: {  	_ =	swait.ge [sflag:s20], $0x80  }
0x88: {  	[sflag:s20] =	ssyncset.done $0x0  }
0x89: {  	[sflag:s20] =	ssyncadd.s32 $0xFFFFFF80  }
0x8a: {  	[tilespmem:s19], [sflag:$0x3] =	stream.linear.gather [spmem:s7], $0x80, $0x38;
	[tilespmem:$0x500] =	vst v63  }
0x8b: {  	_ =	swait.ge [sflag:s20], $0x80  }
0x8c: {  	[sflag:s20] =	ssyncset.done $0x0  }
0x8d: {  	[sflag:s20] =	ssyncadd.s32 $0xFFFFFF80  }
0x8e: {  	[hbm4b:s14+s3] =	stream.linear.scatter [tilespmem:s19], [sflag:$0x3], $0x80, $0x38;
	[tilespmem:$0x500] =	vst v63  }
0x8f: {  	_ =	swait.ge [sflag:s20], $0x80  }
0x90: {  	[sflag:s20] =	ssyncset.done $0x0  }
0x91: {  	[sflag:s20] =	ssyncadd.s32 $0xFFFFFF80  }
0x92: {  	[tilespmem:s19], [sflag:$0x3] =	stream.linear.gather [spmem:s8], $0x80, $0x38;
	[tilespmem:$0x500] =	vst v63  }
0x93: {  	s29 =	sadd.s32 $0x1, s29;
	_ =	swait.ge [sflag:s20], $0x80  }
0x94: {  	p0 =	sne.s32 s29, s16;
	[sflag:s20] =	ssyncset.done $0x0  }
.Ltmp1:
0x95: {  	[sflag:s20] =	ssyncadd.s32 $0xFFFFFF80;
	(pc) =	sbr.rel @p0 .LBB2_1-.Ltmp1, $4  }
0x96: {  	[hbm4b:s15+s3] =	stream.linear.scatter [tilespmem:s19], [sflag:$0x3], $0x80, $0x38;
	[tilespmem:$0x500] =	vst v63  }
0x97: {  	_ =	swait.ge [sflag:s20], $0x80  }
0x98: {  	[sflag:s20] =	ssyncset.done $0x0  }
0x99: {  	[sflag:s20] =	ssyncadd.s32 $0xFFFFFF80  }
0x9a: {  	_ =	sfence.sel $0x180000  }
0x9b: {  	[bflag:$0x0] =	sbarrier.arrive $0xFFFF  }
0x9c: {  	_ =	strace $0x90000047  }
0x9d: {  	[bflag:$0x2] =	sbarrier.arrive $0xFFFF  }
0x9e: {  	p0 =	sne.s32 s1, $0x0;
	s0 =	rddreg [dreg:$0x3]  }
0x9f: {  	s0 =	sadd.s32 @!p0 $0x100000, s0  }
0xa0: {  	[sflag:s0] =	ssyncadd.tile.s32 @!p0 $0x1;
	_ =	shalt  }
.Lfunc_end2:
_tile_overlayer_lowered:
.L_overlay_start_2:
0xa1: {  	(tag) =	ssettag $0x2  }
0xa2: {  	s0 =	rddreg [dreg:$0x0];
	s2 =	stileid.u32  }
0xa3: {  	s1 =	rddreg [dreg:$0x1];
	p0 =	sne.s32 s2, $0x0  }
0xa4: {  	s3 =	rddreg [dreg:$0x2];
	[bflag:$0x3] =	sbarrier.arrive $0xFFFF;
	s2 =	simm.s32 @!p0 $0x1C03  }
0xa5: {  	[timem:s3], [sflag:s2] =	dma.local @!p0 [hbm:s0], s1  }
0xa6: {  	s0 =	simm.s32 @!p0 $0x3  }
0xa7: {  	_ =	swait.ge @!p0 [sflag:s0], s1  }
0xa8: {  	s1 =	ssub.s32 @!p0 $0x0, s1;
	[sflag:s0] =	ssyncset.done @!p0 $0x0  }
0xa9: {  	[sflag:s0] =	ssyncadd.s32 @!p0 s1  }
0xaa: {  	[bflag:$0x3] =	sbarrier.arrive $0xFFFF  }
0xab: {  	_ =	shalt  }

</sc_bundles>
